<compile_context>
chip_gen: v7x
topology: tpu7x:2x2x1
jax: 0.10.2.dev20260603
libtpu: 0.0.44.dev20260713+nightly
codegen_flags: <defaults>
</compile_context>

<pallas_src>
import functools

import jax
import jax.numpy as jnp
from jax import lax
from jax.experimental import pallas as pl
from jax.experimental.pallas import tpu as pltpu
from jax.experimental.pallas import tpu_sc as plsc

B, L, NW, NC = 1024, 50, 8, 3
T = B * L
CHUNK = 128
NCHUNK = T // CHUNK
NWORK = 32
KMAX = -(-NCHUNK // NWORK)
D_ID, D_CAT, D_SRC, D_W = 64, 32, 16, 64
ITEM_SIZE = 96


def _sc_body(qid_i, qw_i, ii_i, ic_i,
             qid_t, qw_t, iid_t, icat_t,
             qcat_o, item_o,
             qid_idx, qw_idx, ii_idx, ic_idx, dst_idx,
             qid_rows, qw_rows, ii_rows, ic_rows, zeros_v,
             pooled_sh, sem_idx, sem_g, sem_sa,
             sem_o1, sem_o3, sem_o4, sem_o5, *sem_qw):
    cid = lax.axis_index("c")
    sid = lax.axis_index("s")
    wid = sid * 2 + cid

    lanes = lax.broadcasted_iota(jnp.int32, (16,), 0)

    zvec = jnp.zeros((16,), jnp.float32)

    @pl.loop(0, 128)
    def _zinit(r):
        for c in range(4):
            zeros_v[r, pl.ds(c * 16, 16)] = zvec

    for j in range(8):
        for v in range(8):
            vals = sid * 128 + 16 * j + 2 * v + (lanes >> 3)
            dst_idx[j, pl.ds(16 * v, 16)] = vals

    @pl.loop(0, KMAX)
    def _chunk_loop(k):
        chunk = k * NWORK + wid

        @pl.when(chunk < NCHUNK)
        def _():
            tok0 = chunk * CHUNK

            @pl.when(k > 0)
            def _drain():
                pltpu.make_async_copy(
                    pooled_sh.at[pl.ds(sid * 128, 128)],
                    qcat_o.at[pl.ds(tok0, CHUNK), pl.ds(D_ID, D_W)],
                    sem_o5).wait()
                pltpu.make_async_copy(
                    qid_rows, qcat_o.at[pl.ds(tok0, CHUNK), pl.ds(0, D_ID)],
                    sem_o1).wait()
                pltpu.make_async_copy(
                    ii_rows,
                    item_o.at[pl.ds(chunk * 384, 384), pl.ds(0, D_ID)],
                    sem_o3).wait()
                pltpu.make_async_copy(
                    ic_rows,
                    item_o.at[pl.ds(chunk * 384, 384), pl.ds(D_ID, D_CAT)],
                    sem_o4).wait()

            c1 = pltpu.async_copy(qid_i.at[pl.ds(tok0, 128)], qid_idx, sem_idx)
            c3 = pltpu.async_copy(qw_i.at[pl.ds(tok0 * 8, 1024)], qw_idx,
                                  sem_idx)
            c4 = pltpu.async_copy(ii_i.at[pl.ds(tok0 * 3, 384)], ii_idx,
                                  sem_idx)
            c5 = pltpu.async_copy(ic_i.at[pl.ds(tok0 * 3, 384)], ic_idx,
                                  sem_idx)
            z = pltpu.async_copy(zeros_v,
                                 pooled_sh.at[pl.ds(sid * 128, 128)], sem_sa)
            c1.wait(); c3.wait(); c4.wait(); c5.wait()
            gq = [pltpu.async_copy(qw_t.at[qw_idx.at[pl.ds(j * 128, 128)]],
                                   qw_rows.at[pl.ds(j * 128, 128)], sem_qw[j])
                  for j in range(8)]
            g1 = pltpu.async_copy(qid_t.at[qid_idx], qid_rows, sem_g)
            gi = [pltpu.async_copy(iid_t.at[ii_idx.at[pl.ds(j * 128, 128)]],
                                   ii_rows.at[pl.ds(j * 128, 128)], sem_g)
                  for j in range(3)]
            gc = [pltpu.async_copy(icat_t.at[ic_idx.at[pl.ds(j * 128, 128)]],
                                   ic_rows.at[pl.ds(j * 128, 128)], sem_g)
                  for j in range(3)]
            z.wait()
            sa = []
            for j in range(8):
                gq[j].wait()
                sa.append(pltpu.async_copy(qw_rows.at[pl.ds(j * 128, 128)],
                                           pooled_sh.at[dst_idx.at[j]],
                                           sem_sa, add=True))
            g1.wait()
            for g in gi:
                g.wait()
            for g in gc:
                g.wait()
            pltpu.async_copy(
                qid_rows, qcat_o.at[pl.ds(tok0, CHUNK), pl.ds(0, D_ID)],
                sem_o1)
            pltpu.async_copy(
                ii_rows, item_o.at[pl.ds(chunk * 384, 384), pl.ds(0, D_ID)],
                sem_o3)
            pltpu.async_copy(
                ic_rows,
                item_o.at[pl.ds(chunk * 384, 384), pl.ds(D_ID, D_CAT)],
                sem_o4)
            for s in sa:
                s.wait()
            pltpu.async_copy(
                pooled_sh.at[pl.ds(sid * 128, 128)],
                qcat_o.at[pl.ds(tok0, CHUNK), pl.ds(D_ID, D_W)], sem_o5)

    pltpu.make_async_copy(
        qid_rows, qcat_o.at[pl.ds(0, CHUNK), pl.ds(0, D_ID)], sem_o1).wait()
    pltpu.make_async_copy(
        ii_rows, item_o.at[pl.ds(0, 384), pl.ds(0, D_ID)], sem_o3).wait()
    pltpu.make_async_copy(
        ic_rows, item_o.at[pl.ds(0, 384), pl.ds(D_ID, D_CAT)], sem_o4).wait()
    pltpu.make_async_copy(
        pooled_sh.at[pl.ds(sid * 128, 128)],
        qcat_o.at[pl.ds(0, CHUNK), pl.ds(D_ID, D_W)], sem_o5).wait()


def _sc_gather(qid2d, qw2d, ii2d, ic2d, qid_emb, qword_emb, iid_emb,
               icat_emb):
    mesh = plsc.VectorSubcoreMesh(core_axis_name="c", subcore_axis_name="s",
                                  num_cores=2, num_subcores=16)
    f32 = jnp.float32
    out_type = (
        jax.ShapeDtypeStruct((T, 128), f32),
        jax.ShapeDtypeStruct((T * NC, 128), f32),
    )
    scratch = [
        pltpu.VMEM((128,), jnp.int32),
        pltpu.VMEM((1024,), jnp.int32),
        pltpu.VMEM((384,), jnp.int32),
        pltpu.VMEM((384,), jnp.int32),
        pltpu.VMEM((8, 128), jnp.int32),
        pltpu.VMEM((128, D_ID), f32),
        pltpu.VMEM((1024, D_W), f32),
        pltpu.VMEM((384, D_ID), f32),
        pltpu.VMEM((384, D_CAT), f32),
        pltpu.VMEM((128, D_W), f32),
        pltpu.VMEM_SHARED((16 * 128, D_W), f32),
    ] + [pltpu.SemaphoreType.DMA] * 15
    fn = pl.kernel(_sc_body, out_type=out_type, mesh=mesh,
                   scratch_types=scratch,
                   compiler_params=pltpu.CompilerParams(
                       use_tc_tiling_on_sc=False))
    return fn(qid2d, qw2d, ii2d, ic2d,
              qid_emb, qword_emb, iid_emb, icat_emb)


BB = 32
GRID = B // BB
QBLK = BB * L
IBLK = QBLK * NC


def _tc_body(qcat_r, ids_r, emb0p_r, cmask_r, wq_r, bq_r, qsrct_r,
             item_r, wi_r, bi_r, iidm_r,
             qout_r, qsrc_r, iout_r, mask_r):
    ids = ids_r[...]
    words = ids[:, :NW]
    wc = jnp.sum((words != 0).astype(jnp.float32), axis=1, keepdims=True)
    rdenom = 1.0 / jnp.maximum(wc, 1.0)
    scale = 1.0 + (rdenom - 1.0) * cmask_r[...]
    corrected = qcat_r[...] * scale - ((NW - wc) * rdenom) * emb0p_r[...]
    query = (
        jnp.dot(corrected, wq_r[...], preferred_element_type=jnp.float32)
        + bq_r[...]
    )
    sid = ids[:, NW:NW + 1]
    onehot = (sid == jax.lax.broadcasted_iota(jnp.int32, (1, 16), 1)
              ).astype(jnp.float32)
    qsrc = jnp.dot(onehot, qsrct_r[...], preferred_element_type=jnp.float32,
                   precision=jax.lax.Precision.HIGHEST)
    iout = (
        jnp.dot(item_r[..., :ITEM_SIZE], wi_r[...],
                preferred_element_type=jnp.float32)
        + bi_r[...]
    )
    for b in range(BB):
        qout_r[b] = query[b * L:(b + 1) * L, :]
        qsrc_r[b] = qsrc[b * L:(b + 1) * L, :]
        iout_r[b] = iout[b * L * NC:(b + 1) * L * NC, :].reshape(
            L, NC, ITEM_SIZE)
    mask_r[...] = iidm_r[...] != 0


def _tc_project(qcat, ids16, emb0p, cmask, wq, bq, qsrct, item, wi, bi,
                iidm3d):
    f32 = jnp.float32
    full = lambda shape: pl.BlockSpec(shape, lambda g: tuple(0 for _ in shape))
    return pl.pallas_call(
        _tc_body,
        grid=(GRID,),
        in_specs=[
            pl.BlockSpec((QBLK, 128), lambda g: (g, 0)),
            pl.BlockSpec((QBLK, 16), lambda g: (g, 0)),
            full((1, 128)),
            full((1, 128)),
            full((128, ITEM_SIZE)),
            full((1, ITEM_SIZE)),
            full((16, D_SRC)),
            pl.BlockSpec((IBLK, 128), lambda g: (g, 0)),
            full((ITEM_SIZE, ITEM_SIZE)),
            full((1, ITEM_SIZE)),
            pl.BlockSpec((1, 1, IBLK), lambda g: (g, 0, 0)),
        ],
        out_specs=[
            pl.BlockSpec((BB, L, ITEM_SIZE), lambda g: (g, 0, 0)),
            pl.BlockSpec((BB, L, D_SRC), lambda g: (g, 0, 0)),
            pl.BlockSpec((BB, L, NC, ITEM_SIZE), lambda g: (g, 0, 0, 0)),
            pl.BlockSpec((1, 1, IBLK), lambda g: (g, 0, 0)),
        ],
        out_shape=[
            jax.ShapeDtypeStruct((B, L, ITEM_SIZE), f32),
            jax.ShapeDtypeStruct((B, L, D_SRC), f32),
            jax.ShapeDtypeStruct((B, L, NC, ITEM_SIZE), f32),
            jax.ShapeDtypeStruct((GRID, 1, IBLK), jnp.bool_),
        ],
    )(qcat, ids16, emb0p, cmask, wq, bq, qsrct, item, wi, bi, iidm3d)


def kernel(query_id, search_source, click_item_id, click_item_category,
           query_words, item_id_emb, item_cat_emb, query_id_emb, qsrc_emb,
           qword_emb, W_q, b_q, W_i, b_i):
    i32 = jnp.int32
    f32 = jnp.float32
    qid2d = query_id.astype(i32).reshape(T)
    qw2d = query_words.astype(i32).reshape(T * NW)
    ii2d = click_item_id.astype(i32).reshape(T * NC)
    ic2d = click_item_category.astype(i32).reshape(T * NC)

    qcat, item_rows = _sc_gather(
        qid2d, qw2d, ii2d, ic2d,
        query_id_emb, qword_emb, item_id_emb, item_cat_emb)

    ids16 = jnp.concatenate(
        [query_words.astype(i32).reshape(T, NW),
         search_source.astype(i32).reshape(T, 1),
         jnp.zeros((T, 16 - NW - 1), i32)], axis=1)
    iidm3d = click_item_id.astype(i32).reshape(GRID, 1, IBLK)
    emb0p = jnp.concatenate(
        [jnp.zeros((1, D_ID), f32), qword_emb[0:1, :]], axis=1)
    cmask = jnp.concatenate(
        [jnp.zeros((1, D_ID), f32), jnp.ones((1, D_W), f32)], axis=1)
    qsrct = jnp.concatenate(
        [qsrc_emb, jnp.zeros((16 - qsrc_emb.shape[0], D_SRC), f32)], axis=0)
    query_emb, q_src_e, item_out, mask3d = _tc_project(
        qcat, ids16, emb0p, cmask, W_q, b_q.reshape(1, ITEM_SIZE), qsrct,
        item_rows, W_i, b_i.reshape(1, ITEM_SIZE), iidm3d)

    return (query_emb,
            q_src_e,
            item_out,
            mask3d.reshape(B, L, NC))

# --- scband reference (transcript-rebuilt; emitter-appended) ---
"""Pipeline reference for scband-query-and-item-feat-76106820485826 (READ-ONLY COPY).

The authoritative reference and input builder live on the scoring server;
editing this copy changes nothing except your own understanding.
"""

import jax, jax.numpy as jnp
import numpy as np

B, L, NW, NC = 1024, 50, 8, 3
ITEM_ID_NUM, ITEM_ID_DIM = 100000, 64
ITEM_CAT_NUM, ITEM_CAT_DIM = 1000, 32
ITEM_SIZE = ITEM_ID_DIM + ITEM_CAT_DIM  # 96
QUERY_ID_NUM, QUERY_ID_DIM = 100000, 64
QSRC_NUM, QSRC_DIM = 10, 16
QWORD_NUM, QWORD_DIM = 100000, 64
QUERY_SIZE = QUERY_ID_DIM + QWORD_DIM  # 128


def setup_inputs(seed: int = 0) -> dict:
    key = jax.random.key(seed)
    ks = jax.random.split(key, 16)
    query_id = jax.random.randint(ks[0], (B, L), 0, QUERY_ID_NUM)
    search_source = jax.random.randint(ks[1], (B, L), 0, QSRC_NUM)
    click_item_id = jax.random.randint(ks[2], (B, L, NC), 0, ITEM_ID_NUM)
    click_item_category = jax.random.randint(ks[3], (B, L, NC), 0, ITEM_CAT_NUM)
    query_words = jax.random.randint(ks[4], (B, L, NW), 0, QWORD_NUM)
    item_id_emb = (jax.random.normal(ks[5], (ITEM_ID_NUM, ITEM_ID_DIM), jnp.float32) * 0.02).at[0].set(0.0)  # padding_idx=0
    item_cat_emb = jax.random.normal(ks[6], (ITEM_CAT_NUM, ITEM_CAT_DIM), jnp.float32) * 0.02
    query_id_emb = (jax.random.normal(ks[7], (QUERY_ID_NUM, QUERY_ID_DIM), jnp.float32) * 0.02).at[0].set(0.0)  # padding_idx=0
    qsrc_emb = jax.random.normal(ks[8], (QSRC_NUM, QSRC_DIM), jnp.float32) * 0.02
    qword_emb = jax.random.normal(ks[9], (QWORD_NUM, QWORD_DIM), jnp.float32) * 0.02
    W_q = jax.random.normal(ks[10], (QUERY_SIZE, ITEM_SIZE), jnp.float32) * 0.02
    b_q = jnp.zeros((ITEM_SIZE,), jnp.float32)
    W_i = jax.random.normal(ks[11], (ITEM_SIZE, ITEM_SIZE), jnp.float32) * 0.02
    b_i = jnp.zeros((ITEM_SIZE,), jnp.float32)
    return {
        'query_id': query_id, 'search_source': search_source,
        'click_item_id': click_item_id, 'click_item_category': click_item_category,
        'query_words': query_words,
        'item_id_emb': item_id_emb, 'item_cat_emb': item_cat_emb,
        'query_id_emb': query_id_emb, 'qsrc_emb': qsrc_emb, 'qword_emb': qword_emb,
        'W_q': W_q, 'b_q': b_q, 'W_i': W_i, 'b_i': b_i,
    }


def reference(query_id, search_source, click_item_id, click_item_category, query_words,
              item_id_emb, item_cat_emb, query_id_emb, qsrc_emb, qword_emb,
              W_q, b_q, W_i, b_i):
    # query_and_item_feat.get_search_session_emb
    q_id_e = jnp.take(query_id_emb, query_id, axis=0)                      # (B, L, 64)
    q_src_e = jnp.take(qsrc_emb, search_source, axis=0)                    # (B, L, 16)
    word_mask = (query_words != 0)                                          # (B, L, NW)
    q_word_e = jnp.take(qword_emb, query_words, axis=0)                    # (B, L, NW, 64)
    q_word_e = jnp.sum(q_word_e * word_mask[..., None].astype(q_word_e.dtype), axis=-2)
    wcount = word_mask.sum(-1, keepdims=True)
    denom = jnp.maximum(wcount, jnp.ones_like(wcount)).astype(q_word_e.dtype)
    q_word_e = q_word_e / denom                                            # (B, L, 64)
    click_item_mask = (click_item_id != 0)                                  # (B, L, NC)
    # item_feat.get_emb + item_trans
    item_e = jnp.concatenate([
        jnp.take(item_id_emb, click_item_id, axis=0),
        jnp.take(item_cat_emb, click_item_category, axis=0),
    ], axis=-1)                                                             # (B, L, NC, 96)
    q_click_item_e = item_e @ W_i + b_i                                     # (B, L, NC, 96)
    query_emb = jnp.concatenate([q_id_e, q_word_e], axis=-1) @ W_q + b_q    # (B, L, 96)
    return (query_emb, q_src_e, q_click_item_e, click_item_mask)

if __name__ == "__main__":
    import jax
    _d = setup_inputs()
    print(jax.jit(kernel)(*tuple(_d.values())))

</pallas_src>

<mosaic_0001>
#map = affine_map<(d0, d1) -> (0)>
#map1 = affine_map<(d0, d1) -> (0, 0)>
module attributes {stable_mosaic.version = 14 : i64} {
  func.func @_sc_body(%arg0: i32, %arg1: i32, %arg2: memref<51200xi32, #tpu.memory_space<hbm>>, %arg3: memref<409600xi32, #tpu.memory_space<hbm>>, %arg4: memref<153600xi32, #tpu.memory_space<hbm>>, %arg5: memref<153600xi32, #tpu.memory_space<hbm>>, %arg6: memref<100000x64xf32, #tpu.memory_space<hbm>>, %arg7: memref<100000x64xf32, #tpu.memory_space<hbm>>, %arg8: memref<100000x64xf32, #tpu.memory_space<hbm>>, %arg9: memref<1000x32xf32, #tpu.memory_space<hbm>>, %arg10: memref<51200x128xf32, #tpu.memory_space<hbm>>, %arg11: memref<153600x128xf32, #tpu.memory_space<hbm>>, %arg12: memref<128xi32, #tpu.memory_space<vmem>>, %arg13: memref<1024xi32, #tpu.memory_space<vmem>>, %arg14: memref<384xi32, #tpu.memory_space<vmem>>, %arg15: memref<384xi32, #tpu.memory_space<vmem>>, %arg16: memref<8x128xi32, #tpu.memory_space<vmem>>, %arg17: memref<128x64xf32, #tpu.memory_space<vmem>>, %arg18: memref<1024x64xf32, #tpu.memory_space<vmem>>, %arg19: memref<384x64xf32, #tpu.memory_space<vmem>>, %arg20: memref<384x32xf32, #tpu.memory_space<vmem>>, %arg21: memref<128x64xf32, #tpu.memory_space<vmem>>, %arg22: memref<2048x64xf32, #tpu.memory_space<vmem_shared>>, %arg23: memref<!tpu.dma_semaphore, #tpu.memory_space<semaphore_mem>>, %arg24: memref<!tpu.dma_semaphore, #tpu.memory_space<semaphore_mem>>, %arg25: memref<!tpu.dma_semaphore, #tpu.memory_space<semaphore_mem>>, %arg26: memref<!tpu.dma_semaphore, #tpu.memory_space<semaphore_mem>>, %arg27: memref<!tpu.dma_semaphore, #tpu.memory_space<semaphore_mem>>, %arg28: memref<!tpu.dma_semaphore, #tpu.memory_space<semaphore_mem>>, %arg29: memref<!tpu.dma_semaphore, #tpu.memory_space<semaphore_mem>>, %arg30: memref<!tpu.dma_semaphore, #tpu.memory_space<semaphore_mem>>, %arg31: memref<!tpu.dma_semaphore, #tpu.memory_space<semaphore_mem>>, %arg32: memref<!tpu.dma_semaphore, #tpu.memory_space<semaphore_mem>>, %arg33: memref<!tpu.dma_semaphore, #tpu.memory_space<semaphore_mem>>, %arg34: memref<!tpu.dma_semaphore, #tpu.memory_space<semaphore_mem>>, %arg35: memref<!tpu.dma_semaphore, #tpu.memory_space<semaphore_mem>>, %arg36: memref<!tpu.dma_semaphore, #tpu.memory_space<semaphore_mem>>, %arg37: memref<!tpu.dma_semaphore, #tpu.memory_space<semaphore_mem>>) attributes {dimension_semantics = [#tpu.dimension_semantics<core_parallel>, #tpu.dimension_semantics<subcore_parallel>], iteration_bounds = array<i64: 2, 16>, scalar_prefetch = 0 : i64, scratch_operands = 26 : i64, tpu.core_type = #tpu.core_type<sc_vector_subcore>, window_params = [{transform_indices = #map}, {transform_indices = #map}, {transform_indices = #map}, {transform_indices = #map}, {transform_indices = #map1}, {transform_indices = #map1}, {transform_indices = #map1}, {transform_indices = #map1}, {transform_indices = #map1}, {transform_indices = #map1}]} {
    %mul3A = arith.constant 2 : i32
    %mul3A_0 = arith.muli %arg1, %mul3A : i32
    %add3A = arith.addi %mul3A_0, %arg0 : i32
    %iota3A = tpu.iota {dimensions = array<i32: 0>} : vector<16xi32>
    %broadcast_in_dim3A = arith.constant 0.000000e+00 : f32
    %broadcast_in_dim3A_1 = vector.broadcast %broadcast_in_dim3A : f32 to vector<16xf32>
    %scan3A = arith.constant 0 : i32
    %scan3A_2 = arith.constant 128 : i32
    %scan3A_3 = arith.addi %scan3A, %scan3A_2 : i32
    %scan3A_4 = arith.constant 1 : i32
    scf.for %scan3A_1121 = %scan3A to %scan3A_3 step %scan3A_4  : i32 {
      %mul3A_1122 = arith.constant 1 : i32
      %mul3A_1123 = arith.muli %scan3A_1121, %mul3A_1122 : i32
      %add3A_1124 = arith.constant 0 : i32
      %add3A_1125 = arith.addi %add3A_1124, %mul3A_1123 : i32
      %swap3A_1126 = arith.index_cast %add3A_1125 : i32 to index
      %swap3A_1127 = arith.constant 0 : index
      %swap3A_1128 = tpu.vector_load %arg21[%swap3A_1126, %swap3A_1127] {strides = array<i32>} : memref<128x64xf32, #tpu.memory_space<vmem>>, vector<1x16xf32>,
      %swap3A_1129 = vector.shape_cast %swap3A_1128 : vector<1x16xf32> to vector<16xf32>
      %swap3A_1130 = vector.shape_cast %broadcast_in_dim3A_1 : vector<16xf32> to vector<1x16xf32>
      tpu.vector_store %arg21[%swap3A_1126, %swap3A_1127], %swap3A_1130 {strides = array<i32>} : memref<128x64xf32, #tpu.memory_space<vmem>>, vector<1x16xf32>,
      %swap3A_1131 = arith.index_cast %add3A_1125 : i32 to index
      %swap3A_1132 = arith.constant 16 : index
      %swap3A_1133 = tpu.vector_load %arg21[%swap3A_1131, %swap3A_1132] {strides = array<i32>} : memref<128x64xf32, #tpu.memory_space<vmem>>, vector<1x16xf32>,
      %swap3A_1134 = vector.shape_cast %swap3A_1133 : vector<1x16xf32> to vector<16xf32>
      %swap3A_1135 = vector.shape_cast %broadcast_in_dim3A_1 : vector<16xf32> to vector<1x16xf32>
      tpu.vector_store %arg21[%swap3A_1131, %swap3A_1132], %swap3A_1135 {strides = array<i32>} : memref<128x64xf32, #tpu.memory_space<vmem>>, vector<1x16xf32>,
      %swap3A_1136 = arith.index_cast %add3A_1125 : i32 to index
      %swap3A_1137 = arith.constant 32 : index
      %swap3A_1138 = tpu.vector_load %arg21[%swap3A_1136, %swap3A_1137] {strides = array<i32>} : memref<128x64xf32, #tpu.memory_space<vmem>>, vector<1x16xf32>,
      %swap3A_1139 = vector.shape_cast %swap3A_1138 : vector<1x16xf32> to vector<16xf32>
      %swap3A_1140 = vector.shape_cast %broadcast_in_dim3A_1 : vector<16xf32> to vector<1x16xf32>
      tpu.vector_store %arg21[%swap3A_1136, %swap3A_1137], %swap3A_1140 {strides = array<i32>} : memref<128x64xf32, #tpu.memory_space<vmem>>, vector<1x16xf32>,
      %swap3A_1141 = arith.index_cast %add3A_1125 : i32 to index
      %swap3A_1142 = arith.constant 48 : index
      %swap3A_1143 = tpu.vector_load %arg21[%swap3A_1141, %swap3A_1142] {strides = array<i32>} : memref<128x64xf32, #tpu.memory_space<vmem>>, vector<1x16xf32>,
      %swap3A_1144 = vector.shape_cast %swap3A_1143 : vector<1x16xf32> to vector<16xf32>
      %swap3A_1145 = vector.shape_cast %broadcast_in_dim3A_1 : vector<16xf32> to vector<1x16xf32>
      tpu.vector_store %arg21[%swap3A_1141, %swap3A_1142], %swap3A_1145 {strides = array<i32>} : memref<128x64xf32, #tpu.memory_space<vmem>>, vector<1x16xf32>,
    }
    %scan3A_5 = arith.constant 128 : i32
    %mul3A_6 = arith.constant 128 : i32
    %mul3A_7 = arith.muli %arg1, %mul3A_6 : i32
    %add3A_8 = arith.constant 0 : i32
    %add3A_9 = arith.addi %mul3A_7, %add3A_8 : i32
    %add3A_10 = arith.constant 0 : i32
    %add3A_11 = arith.addi %add3A_9, %add3A_10 : i32
    %shift_right_arithmetic3A = arith.constant 3 : i32
    %shift_right_arithmetic3A_12 = vector.broadcast %shift_right_arithmetic3A : i32 to vector<16xi32>
    %shift_right_arithmetic3A_13 = arith.shrsi %iota3A, %shift_right_arithmetic3A_12 : vector<16xi32>
    %add3A_14 = vector.broadcast %add3A_11 : i32 to vector<16xi32>
    %add3A_15 = arith.addi %add3A_14, %shift_right_arithmetic3A_13 : vector<16xi32>
    %swap3A = arith.constant 0 : i32
    %swap3A_16 = arith.index_cast %swap3A : i32 to index
    %swap3A_17 = arith.constant 0 : index
    %swap3A_18 = tpu.vector_load %arg16[%swap3A_16, %swap3A_17] {strides = array<i32>} : memref<8x128xi32, #tpu.memory_space<vmem>>, vector<1x16xi32>,
    %swap3A_19 = vector.shape_cast %swap3A_18 : vector<1x16xi32> to vector<16xi32>
    %swap3A_20 = vector.shape_cast %add3A_15 : vector<16xi32> to vector<1x16xi32>
    tpu.vector_store %arg16[%swap3A_16, %swap3A_17], %swap3A_20 {strides = array<i32>} : memref<8x128xi32, #tpu.memory_space<vmem>>, vector<1x16xi32>,
    %mul3A_21 = arith.constant 128 : i32
    %mul3A_22 = arith.muli %arg1, %mul3A_21 : i32
    %add3A_23 = arith.constant 0 : i32
    %add3A_24 = arith.addi %mul3A_22, %add3A_23 : i32
    %add3A_25 = arith.constant 2 : i32
    %add3A_26 = arith.addi %add3A_24, %add3A_25 : i32
    %shift_right_arithmetic3A_27 = arith.constant 3 : i32
    %shift_right_arithmetic3A_28 = vector.broadcast %shift_right_arithmetic3A_27 : i32 to vector<16xi32>
    %shift_right_arithmetic3A_29 = arith.shrsi %iota3A, %shift_right_arithmetic3A_28 : vector<16xi32>
    %add3A_30 = vector.broadcast %add3A_26 : i32 to vector<16xi32>
    %add3A_31 = arith.addi %add3A_30, %shift_right_arithmetic3A_29 : vector<16xi32>
    %swap3A_32 = arith.constant 0 : i32
    %swap3A_33 = arith.index_cast %swap3A_32 : i32 to index
    %swap3A_34 = arith.constant 16 : index
    %swap3A_35 = tpu.vector_load %arg16[%swap3A_33, %swap3A_34] {strides = array<i32>} : memref<8x128xi32, #tpu.memory_space<vmem>>, vector<1x16xi32>,
    %swap3A_36 = vector.shape_cast %swap3A_35 : vector<1x16xi32> to vector<16xi32>
    %swap3A_37 = vector.shape_cast %add3A_31 : vector<16xi32> to vector<1x16xi32>
    tpu.vector_store %arg16[%swap3A_33, %swap3A_34], %swap3A_37 {strides = array<i32>} : memref<8x128xi32, #tpu.memory_space<vmem>>, vector<1x16xi32>,
    %mul3A_38 = arith.constant 128 : i32
    %mul3A_39 = arith.muli %arg1, %mul3A_38 : i32
    %add3A_40 = arith.constant 0 : i32
    %add3A_41 = arith.addi %mul3A_39, %add3A_40 : i32
    %add3A_42 = arith.constant 4 : i32
    %add3A_43 = arith.addi %add3A_41, %add3A_42 : i32
    %shift_right_arithmetic3A_44 = arith.constant 3 : i32
    %shift_right_arithmetic3A_45 = vector.broadcast %shift_right_arithmetic3A_44 : i32 to vector<16xi32>
    %shift_right_arithmetic3A_46 = arith.shrsi %iota3A, %shift_right_arithmetic3A_45 : vector<16xi32>
    %add3A_47 = vector.broadcast %add3A_43 : i32 to vector<16xi32>
    %add3A_48 = arith.addi %add3A_47, %shift_right_arithmetic3A_46 : vector<16xi32>
    %swap3A_49 = arith.constant 0 : i32
    %swap3A_50 = arith.index_cast %swap3A_49 : i32 to index
    %swap3A_51 = arith.constant 32 : index
    %swap3A_52 = tpu.vector_load %arg16[%swap3A_50, %swap3A_51] {strides = array<i32>} : memref<8x128xi32, #tpu.memory_space<vmem>>, vector<1x16xi32>,
    %swap3A_53 = vector.shape_cast %swap3A_52 : vector<1x16xi32> to vector<16xi32>
    %swap3A_54 = vector.shape_cast %add3A_48 : vector<16xi32> to vector<1x16xi32>
    tpu.vector_store %arg16[%swap3A_50, %swap3A_51], %swap3A_54 {strides = array<i32>} : memref<8x128xi32, #tpu.memory_space<vmem>>, vector<1x16xi32>,
    %mul3A_55 = arith.constant 128 : i32
    %mul3A_56 = arith.muli %arg1, %mul3A_55 : i32
    %add3A_57 = arith.constant 0 : i32
    %add3A_58 = arith.addi %mul3A_56, %add3A_57 : i32
    %add3A_59 = arith.constant 6 : i32
    %add3A_60 = arith.addi %add3A_58, %add3A_59 : i32
    %shift_right_arithmetic3A_61 = arith.constant 3 : i32
    %shift_right_arithmetic3A_62 = vector.broadcast %shift_right_arithmetic3A_61 : i32 to vector<16xi32>
    %shift_right_arithmetic3A_63 = arith.shrsi %iota3A, %shift_right_arithmetic3A_62 : vector<16xi32>
    %add3A_64 = vector.broadcast %add3A_60 : i32 to vector<16xi32>
    %add3A_65 = arith.addi %add3A_64, %shift_right_arithmetic3A_63 : vector<16xi32>
    %swap3A_66 = arith.constant 0 : i32
    %swap3A_67 = arith.index_cast %swap3A_66 : i32 to index
    %swap3A_68 = arith.constant 48 : index
    %swap3A_69 = tpu.vector_load %arg16[%swap3A_67, %swap3A_68] {strides = array<i32>} : memref<8x128xi32, #tpu.memory_space<vmem>>, vector<1x16xi32>,
    %swap3A_70 = vector.shape_cast %swap3A_69 : vector<1x16xi32> to vector<16xi32>
    %swap3A_71 = vector.shape_cast %add3A_65 : vector<16xi32> to vector<1x16xi32>
    tpu.vector_store %arg16[%swap3A_67, %swap3A_68], %swap3A_71 {strides = array<i32>} : memref<8x128xi32, #tpu.memory_space<vmem>>, vector<1x16xi32>,
    %mul3A_72 = arith.constant 128 : i32
    %mul3A_73 = arith.muli %arg1, %mul3A_72 : i32
    %add3A_74 = arith.constant 0 : i32
    %add3A_75 = arith.addi %mul3A_73, %add3A_74 : i32
    %add3A_76 = arith.constant 8 : i32
    %add3A_77 = arith.addi %add3A_75, %add3A_76 : i32
    %shift_right_arithmetic3A_78 = arith.constant 3 : i32
    %shift_right_arithmetic3A_79 = vector.broadcast %shift_right_arithmetic3A_78 : i32 to vector<16xi32>
    %shift_right_arithmetic3A_80 = arith.shrsi %iota3A, %shift_right_arithmetic3A_79 : vector<16xi32>
    %add3A_81 = vector.broadcast %add3A_77 : i32 to vector<16xi32>
    %add3A_82 = arith.addi %add3A_81, %shift_right_arithmetic3A_80 : vector<16xi32>
    %swap3A_83 = arith.constant 0 : i32
    %swap3A_84 = arith.index_cast %swap3A_83 : i32 to index
    %swap3A_85 = arith.constant 64 : index
    %swap3A_86 = tpu.vector_load %arg16[%swap3A_84, %swap3A_85] {strides = array<i32>} : memref<8x128xi32, #tpu.memory_space<vmem>>, vector<1x16xi32>,
    %swap3A_87 = vector.shape_cast %swap3A_86 : vector<1x16xi32> to vector<16xi32>
    %swap3A_88 = vector.shape_cast %add3A_82 : vector<16xi32> to vector<1x16xi32>
    tpu.vector_store %arg16[%swap3A_84, %swap3A_85], %swap3A_88 {strides = array<i32>} : memref<8x128xi32, #tpu.memory_space<vmem>>, vector<1x16xi32>,
    %mul3A_89 = arith.constant 128 : i32
    %mul3A_90 = arith.muli %arg1, %mul3A_89 : i32
    %add3A_91 = arith.constant 0 : i32
    %add3A_92 = arith.addi %mul3A_90, %add3A_91 : i32
    %add3A_93 = arith.constant 10 : i32
    %add3A_94 = arith.addi %add3A_92, %add3A_93 : i32
    %shift_right_arithmetic3A_95 = arith.constant 3 : i32
    %shift_right_arithmetic3A_96 = vector.broadcast %shift_right_arithmetic3A_95 : i32 to vector<16xi32>
    %shift_right_arithmetic3A_97 = arith.shrsi %iota3A, %shift_right_arithmetic3A_96 : vector<16xi32>
    %add3A_98 = vector.broadcast %add3A_94 : i32 to vector<16xi32>
    %add3A_99 = arith.addi %add3A_98, %shift_right_arithmetic3A_97 : vector<16xi32>
    %swap3A_100 = arith.constant 0 : i32
    %swap3A_101 = arith.index_cast %swap3A_100 : i32 to index
    %swap3A_102 = arith.constant 80 : index
    %swap3A_103 = tpu.vector_load %arg16[%swap3A_101, %swap3A_102] {strides = array<i32>} : memref<8x128xi32, #tpu.memory_space<vmem>>, vector<1x16xi32>,
    %swap3A_104 = vector.shape_cast %swap3A_103 : vector<1x16xi32> to vector<16xi32>
    %swap3A_105 = vector.shape_cast %add3A_99 : vector<16xi32> to vector<1x16xi32>
    tpu.vector_store %arg16[%swap3A_101, %swap3A_102], %swap3A_105 {strides = array<i32>} : memref<8x128xi32, #tpu.memory_space<vmem>>, vector<1x16xi32>,
    %mul3A_106 = arith.constant 128 : i32
    %mul3A_107 = arith.muli %arg1, %mul3A_106 : i32
    %add3A_108 = arith.constant 0 : i32
    %add3A_109 = arith.addi %mul3A_107, %add3A_108 : i32
    %add3A_110 = arith.constant 12 : i32
    %add3A_111 = arith.addi %add3A_109, %add3A_110 : i32
    %shift_right_arithmetic3A_112 = arith.constant 3 : i32
    %shift_right_arithmetic3A_113 = vector.broadcast %shift_right_arithmetic3A_112 : i32 to vector<16xi32>
    %shift_right_arithmetic3A_114 = arith.shrsi %iota3A, %shift_right_arithmetic3A_113 : vector<16xi32>
    %add3A_115 = vector.broadcast %add3A_111 : i32 to vector<16xi32>
    %add3A_116 = arith.addi %add3A_115, %shift_right_arithmetic3A_114 : vector<16xi32>
    %swap3A_117 = arith.constant 0 : i32
    %swap3A_118 = arith.index_cast %swap3A_117 : i32 to index
    %swap3A_119 = arith.constant 96 : index
    %swap3A_120 = tpu.vector_load %arg16[%swap3A_118, %swap3A_119] {strides = array<i32>} : memref<8x128xi32, #tpu.memory_space<vmem>>, vector<1x16xi32>,
    %swap3A_121 = vector.shape_cast %swap3A_120 : vector<1x16xi32> to vector<16xi32>
    %swap3A_122 = vector.shape_cast %add3A_116 : vector<16xi32> to vector<1x16xi32>
    tpu.vector_store %arg16[%swap3A_118, %swap3A_119], %swap3A_122 {strides = array<i32>} : memref<8x128xi32, #tpu.memory_space<vmem>>, vector<1x16xi32>,
    %mul3A_123 = arith.constant 128 : i32
    %mul3A_124 = arith.muli %arg1, %mul3A_123 : i32
    %add3A_125 = arith.constant 0 : i32
    %add3A_126 = arith.addi %mul3A_124, %add3A_125 : i32
    %add3A_127 = arith.constant 14 : i32
    %add3A_128 = arith.addi %add3A_126, %add3A_127 : i32
    %shift_right_arithmetic3A_129 = arith.constant 3 : i32
    %shift_right_arithmetic3A_130 = vector.broadcast %shift_right_arithmetic3A_129 : i32 to vector<16xi32>
    %shift_right_arithmetic3A_131 = arith.shrsi %iota3A, %shift_right_arithmetic3A_130 : vector<16xi32>
    %add3A_132 = vector.broadcast %add3A_128 : i32 to vector<16xi32>
    %add3A_133 = arith.addi %add3A_132, %shift_right_arithmetic3A_131 : vector<16xi32>
    %swap3A_134 = arith.constant 0 : i32
    %swap3A_135 = arith.index_cast %swap3A_134 : i32 to index
    %swap3A_136 = arith.constant 112 : index
    %swap3A_137 = tpu.vector_load %arg16[%swap3A_135, %swap3A_136] {strides = array<i32>} : memref<8x128xi32, #tpu.memory_space<vmem>>, vector<1x16xi32>,
    %swap3A_138 = vector.shape_cast %swap3A_137 : vector<1x16xi32> to vector<16xi32>
    %swap3A_139 = vector.shape_cast %add3A_133 : vector<16xi32> to vector<1x16xi32>
    tpu.vector_store %arg16[%swap3A_135, %swap3A_136], %swap3A_139 {strides = array<i32>} : memref<8x128xi32, #tpu.memory_space<vmem>>, vector<1x16xi32>,
    %mul3A_140 = arith.constant 128 : i32
    %mul3A_141 = arith.muli %arg1, %mul3A_140 : i32
    %add3A_142 = arith.constant 16 : i32
    %add3A_143 = arith.addi %mul3A_141, %add3A_142 : i32
    %add3A_144 = arith.constant 0 : i32
    %add3A_145 = arith.addi %add3A_143, %add3A_144 : i32
    %shift_right_arithmetic3A_146 = arith.constant 3 : i32
    %shift_right_arithmetic3A_147 = vector.broadcast %shift_right_arithmetic3A_146 : i32 to vector<16xi32>
    %shift_right_arithmetic3A_148 = arith.shrsi %iota3A, %shift_right_arithmetic3A_147 : vector<16xi32>
    %add3A_149 = vector.broadcast %add3A_145 : i32 to vector<16xi32>
    %add3A_150 = arith.addi %add3A_149, %shift_right_arithmetic3A_148 : vector<16xi32>
    %swap3A_151 = arith.constant 1 : i32
    %swap3A_152 = arith.index_cast %swap3A_151 : i32 to index
    %swap3A_153 = arith.constant 0 : index
    %swap3A_154 = tpu.vector_load %arg16[%swap3A_152, %swap3A_153] {strides = array<i32>} : memref<8x128xi32, #tpu.memory_space<vmem>>, vector<1x16xi32>,
    %swap3A_155 = vector.shape_cast %swap3A_154 : vector<1x16xi32> to vector<16xi32>
    %swap3A_156 = vector.shape_cast %add3A_150 : vector<16xi32> to vector<1x16xi32>
    tpu.vector_store %arg16[%swap3A_152, %swap3A_153], %swap3A_156 {strides = array<i32>} : memref<8x128xi32, #tpu.memory_space<vmem>>, vector<1x16xi32>,
    %mul3A_157 = arith.constant 128 : i32
    %mul3A_158 = arith.muli %arg1, %mul3A_157 : i32
    %add3A_159 = arith.constant 16 : i32
    %add3A_160 = arith.addi %mul3A_158, %add3A_159 : i32
    %add3A_161 = arith.constant 2 : i32
    %add3A_162 = arith.addi %add3A_160, %add3A_161 : i32
    %shift_right_arithmetic3A_163 = arith.constant 3 : i32
    %shift_right_arithmetic3A_164 = vector.broadcast %shift_right_arithmetic3A_163 : i32 to vector<16xi32>
    %shift_right_arithmetic3A_165 = arith.shrsi %iota3A, %shift_right_arithmetic3A_164 : vector<16xi32>
    %add3A_166 = vector.broadcast %add3A_162 : i32 to vector<16xi32>
    %add3A_167 = arith.addi %add3A_166, %shift_right_arithmetic3A_165 : vector<16xi32>
    %swap3A_168 = arith.constant 1 : i32
    %swap3A_169 = arith.index_cast %swap3A_168 : i32 to index
    %swap3A_170 = arith.constant 16 : index
    %swap3A_171 = tpu.vector_load %arg16[%swap3A_169, %swap3A_170] {strides = array<i32>} : memref<8x128xi32, #tpu.memory_space<vmem>>, vector<1x16xi32>,
    %swap3A_172 = vector.shape_cast %swap3A_171 : vector<1x16xi32> to vector<16xi32>
    %swap3A_173 = vector.shape_cast %add3A_167 : vector<16xi32> to vector<1x16xi32>
    tpu.vector_store %arg16[%swap3A_169, %swap3A_170], %swap3A_173 {strides = array<i32>} : memref<8x128xi32, #tpu.memory_space<vmem>>, vector<1x16xi32>,
    %mul3A_174 = arith.constant 128 : i32
    %mul3A_175 = arith.muli %arg1, %mul3A_174 : i32
    %add3A_176 = arith.constant 16 : i32
    %add3A_177 = arith.addi %mul3A_175, %add3A_176 : i32
    %add3A_178 = arith.constant 4 : i32
    %add3A_179 = arith.addi %add3A_177, %add3A_178 : i32
    %shift_right_arithmetic3A_180 = arith.constant 3 : i32
    %shift_right_arithmetic3A_181 = vector.broadcast %shift_right_arithmetic3A_180 : i32 to vector<16xi32>
    %shift_right_arithmetic3A_182 = arith.shrsi %iota3A, %shift_right_arithmetic3A_181 : vector<16xi32>
    %add3A_183 = vector.broadcast %add3A_179 : i32 to vector<16xi32>
    %add3A_184 = arith.addi %add3A_183, %shift_right_arithmetic3A_182 : vector<16xi32>
    %swap3A_185 = arith.constant 1 : i32
    %swap3A_186 = arith.index_cast %swap3A_185 : i32 to index
    %swap3A_187 = arith.constant 32 : index
    %swap3A_188 = tpu.vector_load %arg16[%swap3A_186, %swap3A_187] {strides = array<i32>} : memref<8x128xi32, #tpu.memory_space<vmem>>, vector<1x16xi32>,
    %swap3A_189 = vector.shape_cast %swap3A_188 : vector<1x16xi32> to vector<16xi32>
    %swap3A_190 = vector.shape_cast %add3A_184 : vector<16xi32> to vector<1x16xi32>
    tpu.vector_store %arg16[%swap3A_186, %swap3A_187], %swap3A_190 {strides = array<i32>} : memref<8x128xi32, #tpu.memory_space<vmem>>, vector<1x16xi32>,
    %mul3A_191 = arith.constant 128 : i32
    %mul3A_192 = arith.muli %arg1, %mul3A_191 : i32
    %add3A_193 = arith.constant 16 : i32
    %add3A_194 = arith.addi %mul3A_192, %add3A_193 : i32
    %add3A_195 = arith.constant 6 : i32
    %add3A_196 = arith.addi %add3A_194, %add3A_195 : i32
    %shift_right_arithmetic3A_197 = arith.constant 3 : i32
    %shift_right_arithmetic3A_198 = vector.broadcast %shift_right_arithmetic3A_197 : i32 to vector<16xi32>
    %shift_right_arithmetic3A_199 = arith.shrsi %iota3A, %shift_right_arithmetic3A_198 : vector<16xi32>
    %add3A_200 = vector.broadcast %add3A_196 : i32 to vector<16xi32>
    %add3A_201 = arith.addi %add3A_200, %shift_right_arithmetic3A_199 : vector<16xi32>
    %swap3A_202 = arith.constant 1 : i32
    %swap3A_203 = arith.index_cast %swap3A_202 : i32 to index
    %swap3A_204 = arith.constant 48 : index
    %swap3A_205 = tpu.vector_load %arg16[%swap3A_203, %swap3A_204] {strides = array<i32>} : memref<8x128xi32, #tpu.memory_space<vmem>>, vector<1x16xi32>,
    %swap3A_206 = vector.shape_cast %swap3A_205 : vector<1x16xi32> to vector<16xi32>
    %swap3A_207 = vector.shape_cast %add3A_201 : vector<16xi32> to vector<1x16xi32>
    tpu.vector_store %arg16[%swap3A_203, %swap3A_204], %swap3A_207 {strides = array<i32>} : memref<8x128xi32, #tpu.memory_space<vmem>>, vector<1x16xi32>,
    %mul3A_208 = arith.constant 128 : i32
    %mul3A_209 = arith.muli %arg1, %mul3A_208 : i32
    %add3A_210 = arith.constant 16 : i32
    %add3A_211 = arith.addi %mul3A_209, %add3A_210 : i32
    %add3A_212 = arith.constant 8 : i32
    %add3A_213 = arith.addi %add3A_211, %add3A_212 : i32
    %shift_right_arithmetic3A_214 = arith.constant 3 : i32
    %shift_right_arithmetic3A_215 = vector.broadcast %shift_right_arithmetic3A_214 : i32 to vector<16xi32>
    %shift_right_arithmetic3A_216 = arith.shrsi %iota3A, %shift_right_arithmetic3A_215 : vector<16xi32>
    %add3A_217 = vector.broadcast %add3A_213 : i32 to vector<16xi32>
    %add3A_218 = arith.addi %add3A_217, %shift_right_arithmetic3A_216 : vector<16xi32>
    %swap3A_219 = arith.constant 1 : i32
    %swap3A_220 = arith.index_cast %swap3A_219 : i32 to index
    %swap3A_221 = arith.constant 64 : index
    %swap3A_222 = tpu.vector_load %arg16[%swap3A_220, %swap3A_221] {strides = array<i32>} : memref<8x128xi32, #tpu.memory_space<vmem>>, vector<1x16xi32>,
    %swap3A_223 = vector.shape_cast %swap3A_222 : vector<1x16xi32> to vector<16xi32>
    %swap3A_224 = vector.shape_cast %add3A_218 : vector<16xi32> to vector<1x16xi32>
    tpu.vector_store %arg16[%swap3A_220, %swap3A_221], %swap3A_224 {strides = array<i32>} : memref<8x128xi32, #tpu.memory_space<vmem>>, vector<1x16xi32>,
    %mul3A_225 = arith.constant 128 : i32
    %mul3A_226 = arith.muli %arg1, %mul3A_225 : i32
    %add3A_227 = arith.constant 16 : i32
    %add3A_228 = arith.addi %mul3A_226, %add3A_227 : i32
    %add3A_229 = arith.constant 10 : i32
    %add3A_230 = arith.addi %add3A_228, %add3A_229 : i32
    %shift_right_arithmetic3A_231 = arith.constant 3 : i32
    %shift_right_arithmetic3A_232 = vector.broadcast %shift_right_arithmetic3A_231 : i32 to vector<16xi32>
    %shift_right_arithmetic3A_233 = arith.shrsi %iota3A, %shift_right_arithmetic3A_232 : vector<16xi32>
    %add3A_234 = vector.broadcast %add3A_230 : i32 to vector<16xi32>
    %add3A_235 = arith.addi %add3A_234, %shift_right_arithmetic3A_233 : vector<16xi32>
    %swap3A_236 = arith.constant 1 : i32
    %swap3A_237 = arith.index_cast %swap3A_236 : i32 to index
    %swap3A_238 = arith.constant 80 : index
    %swap3A_239 = tpu.vector_load %arg16[%swap3A_237, %swap3A_238] {strides = array<i32>} : memref<8x128xi32, #tpu.memory_space<vmem>>, vector<1x16xi32>,
    %swap3A_240 = vector.shape_cast %swap3A_239 : vector<1x16xi32> to vector<16xi32>
    %swap3A_241 = vector.shape_cast %add3A_235 : vector<16xi32> to vector<1x16xi32>
    tpu.vector_store %arg16[%swap3A_237, %swap3A_238], %swap3A_241 {strides = array<i32>} : memref<8x128xi32, #tpu.memory_space<vmem>>, vector<1x16xi32>,
    %mul3A_242 = arith.constant 128 : i32
    %mul3A_243 = arith.muli %arg1, %mul3A_242 : i32
    %add3A_244 = arith.constant 16 : i32
    %add3A_245 = arith.addi %mul3A_243, %add3A_244 : i32
    %add3A_246 = arith.constant 12 : i32
    %add3A_247 = arith.addi %add3A_245, %add3A_246 : i32
    %shift_right_arithmetic3A_248 = arith.constant 3 : i32
    %shift_right_arithmetic3A_249 = vector.broadcast %shift_right_arithmetic3A_248 : i32 to vector<16xi32>
    %shift_right_arithmetic3A_250 = arith.shrsi %iota3A, %shift_right_arithmetic3A_249 : vector<16xi32>
    %add3A_251 = vector.broadcast %add3A_247 : i32 to vector<16xi32>
    %add3A_252 = arith.addi %add3A_251, %shift_right_arithmetic3A_250 : vector<16xi32>
    %swap3A_253 = arith.constant 1 : i32
    %swap3A_254 = arith.index_cast %swap3A_253 : i32 to index
    %swap3A_255 = arith.constant 96 : index
    %swap3A_256 = tpu.vector_load %arg16[%swap3A_254, %swap3A_255] {strides = array<i32>} : memref<8x128xi32, #tpu.memory_space<vmem>>, vector<1x16xi32>,
    %swap3A_257 = vector.shape_cast %swap3A_256 : vector<1x16xi32> to vector<16xi32>
    %swap3A_258 = vector.shape_cast %add3A_252 : vector<16xi32> to vector<1x16xi32>
    tpu.vector_store %arg16[%swap3A_254, %swap3A_255], %swap3A_258 {strides = array<i32>} : memref<8x128xi32, #tpu.memory_space<vmem>>, vector<1x16xi32>,
    %mul3A_259 = arith.constant 128 : i32
    %mul3A_260 = arith.muli %arg1, %mul3A_259 : i32
    %add3A_261 = arith.constant 16 : i32
    %add3A_262 = arith.addi %mul3A_260, %add3A_261 : i32
    %add3A_263 = arith.constant 14 : i32
    %add3A_264 = arith.addi %add3A_262, %add3A_263 : i32
    %shift_right_arithmetic3A_265 = arith.constant 3 : i32
    %shift_right_arithmetic3A_266 = vector.broadcast %shift_right_arithmetic3A_265 : i32 to vector<16xi32>
    %shift_right_arithmetic3A_267 = arith.shrsi %iota3A, %shift_right_arithmetic3A_266 : vector<16xi32>
    %add3A_268 = vector.broadcast %add3A_264 : i32 to vector<16xi32>
    %add3A_269 = arith.addi %add3A_268, %shift_right_arithmetic3A_267 : vector<16xi32>
    %swap3A_270 = arith.constant 1 : i32
    %swap3A_271 = arith.index_cast %swap3A_270 : i32 to index
    %swap3A_272 = arith.constant 112 : index
    %swap3A_273 = tpu.vector_load %arg16[%swap3A_271, %swap3A_272] {strides = array<i32>} : memref<8x128xi32, #tpu.memory_space<vmem>>, vector<1x16xi32>,
    %swap3A_274 = vector.shape_cast %swap3A_273 : vector<1x16xi32> to vector<16xi32>
    %swap3A_275 = vector.shape_cast %add3A_269 : vector<16xi32> to vector<1x16xi32>
    tpu.vector_store %arg16[%swap3A_271, %swap3A_272], %swap3A_275 {strides = array<i32>} : memref<8x128xi32, #tpu.memory_space<vmem>>, vector<1x16xi32>,
    %mul3A_276 = arith.constant 128 : i32
    %mul3A_277 = arith.muli %arg1, %mul3A_276 : i32
    %add3A_278 = arith.constant 32 : i32
    %add3A_279 = arith.addi %mul3A_277, %add3A_278 : i32
    %add3A_280 = arith.constant 0 : i32
    %add3A_281 = arith.addi %add3A_279, %add3A_280 : i32
    %shift_right_arithmetic3A_282 = arith.constant 3 : i32
    %shift_right_arithmetic3A_283 = vector.broadcast %shift_right_arithmetic3A_282 : i32 to vector<16xi32>
    %shift_right_arithmetic3A_284 = arith.shrsi %iota3A, %shift_right_arithmetic3A_283 : vector<16xi32>
    %add3A_285 = vector.broadcast %add3A_281 : i32 to vector<16xi32>
    %add3A_286 = arith.addi %add3A_285, %shift_right_arithmetic3A_284 : vector<16xi32>
    %swap3A_287 = arith.constant 2 : i32
    %swap3A_288 = arith.index_cast %swap3A_287 : i32 to index
    %swap3A_289 = arith.constant 0 : index
    %swap3A_290 = tpu.vector_load %arg16[%swap3A_288, %swap3A_289] {strides = array<i32>} : memref<8x128xi32, #tpu.memory_space<vmem>>, vector<1x16xi32>,
    %swap3A_291 = vector.shape_cast %swap3A_290 : vector<1x16xi32> to vector<16xi32>
    %swap3A_292 = vector.shape_cast %add3A_286 : vector<16xi32> to vector<1x16xi32>
    tpu.vector_store %arg16[%swap3A_288, %swap3A_289], %swap3A_292 {strides = array<i32>} : memref<8x128xi32, #tpu.memory_space<vmem>>, vector<1x16xi32>,
    %mul3A_293 = arith.constant 128 : i32
    %mul3A_294 = arith.muli %arg1, %mul3A_293 : i32
    %add3A_295 = arith.constant 32 : i32
    %add3A_296 = arith.addi %mul3A_294, %add3A_295 : i32
    %add3A_297 = arith.constant 2 : i32
    %add3A_298 = arith.addi %add3A_296, %add3A_297 : i32
    %shift_right_arithmetic3A_299 = arith.constant 3 : i32
    %shift_right_arithmetic3A_300 = vector.broadcast %shift_right_arithmetic3A_299 : i32 to vector<16xi32>
    %shift_right_arithmetic3A_301 = arith.shrsi %iota3A, %shift_right_arithmetic3A_300 : vector<16xi32>
    %add3A_302 = vector.broadcast %add3A_298 : i32 to vector<16xi32>
    %add3A_303 = arith.addi %add3A_302, %shift_right_arithmetic3A_301 : vector<16xi32>
    %swap3A_304 = arith.constant 2 : i32
    %swap3A_305 = arith.index_cast %swap3A_304 : i32 to index
    %swap3A_306 = arith.constant 16 : index
    %swap3A_307 = tpu.vector_load %arg16[%swap3A_305, %swap3A_306] {strides = array<i32>} : memref<8x128xi32, #tpu.memory_space<vmem>>, vector<1x16xi32>,
    %swap3A_308 = vector.shape_cast %swap3A_307 : vector<1x16xi32> to vector<16xi32>
    %swap3A_309 = vector.shape_cast %add3A_303 : vector<16xi32> to vector<1x16xi32>
    tpu.vector_store %arg16[%swap3A_305, %swap3A_306], %swap3A_309 {strides = array<i32>} : memref<8x128xi32, #tpu.memory_space<vmem>>, vector<1x16xi32>,
    %mul3A_310 = arith.constant 128 : i32
    %mul3A_311 = arith.muli %arg1, %mul3A_310 : i32
    %add3A_312 = arith.constant 32 : i32
    %add3A_313 = arith.addi %mul3A_311, %add3A_312 : i32
    %add3A_314 = arith.constant 4 : i32
    %add3A_315 = arith.addi %add3A_313, %add3A_314 : i32
    %shift_right_arithmetic3A_316 = arith.constant 3 : i32
    %shift_right_arithmetic3A_317 = vector.broadcast %shift_right_arithmetic3A_316 : i32 to vector<16xi32>
    %shift_right_arithmetic3A_318 = arith.shrsi %iota3A, %shift_right_arithmetic3A_317 : vector<16xi32>
    %add3A_319 = vector.broadcast %add3A_315 : i32 to vector<16xi32>
    %add3A_320 = arith.addi %add3A_319, %shift_right_arithmetic3A_318 : vector<16xi32>
    %swap3A_321 = arith.constant 2 : i32
    %swap3A_322 = arith.index_cast %swap3A_321 : i32 to index
    %swap3A_323 = arith.constant 32 : index
    %swap3A_324 = tpu.vector_load %arg16[%swap3A_322, %swap3A_323] {strides = array<i32>} : memref<8x128xi32, #tpu.memory_space<vmem>>, vector<1x16xi32>,
    %swap3A_325 = vector.shape_cast %swap3A_324 : vector<1x16xi32> to vector<16xi32>
    %swap3A_326 = vector.shape_cast %add3A_320 : vector<16xi32> to vector<1x16xi32>
    tpu.vector_store %arg16[%swap3A_322, %swap3A_323], %swap3A_326 {strides = array<i32>} : memref<8x128xi32, #tpu.memory_space<vmem>>, vector<1x16xi32>,
    %mul3A_327 = arith.constant 128 : i32
    %mul3A_328 = arith.muli %arg1, %mul3A_327 : i32
    %add3A_329 = arith.constant 32 : i32
    %add3A_330 = arith.addi %mul3A_328, %add3A_329 : i32
    %add3A_331 = arith.constant 6 : i32
    %add3A_332 = arith.addi %add3A_330, %add3A_331 : i32
    %shift_right_arithmetic3A_333 = arith.constant 3 : i32
    %shift_right_arithmetic3A_334 = vector.broadcast %shift_right_arithmetic3A_333 : i32 to vector<16xi32>
    %shift_right_arithmetic3A_335 = arith.shrsi %iota3A, %shift_right_arithmetic3A_334 : vector<16xi32>
    %add3A_336 = vector.broadcast %add3A_332 : i32 to vector<16xi32>
    %add3A_337 = arith.addi %add3A_336, %shift_right_arithmetic3A_335 : vector<16xi32>
    %swap3A_338 = arith.constant 2 : i32
    %swap3A_339 = arith.index_cast %swap3A_338 : i32 to index
    %swap3A_340 = arith.constant 48 : index
    %swap3A_341 = tpu.vector_load %arg16[%swap3A_339, %swap3A_340] {strides = array<i32>} : memref<8x128xi32, #tpu.memory_space<vmem>>, vector<1x16xi32>,
    %swap3A_342 = vector.shape_cast %swap3A_341 : vector<1x16xi32> to vector<16xi32>
    %swap3A_343 = vector.shape_cast %add3A_337 : vector<16xi32> to vector<1x16xi32>
    tpu.vector_store %arg16[%swap3A_339, %swap3A_340], %swap3A_343 {strides = array<i32>} : memref<8x128xi32, #tpu.memory_space<vmem>>, vector<1x16xi32>,
    %mul3A_344 = arith.constant 128 : i32
    %mul3A_345 = arith.muli %arg1, %mul3A_344 : i32
    %add3A_346 = arith.constant 32 : i32
    %add3A_347 = arith.addi %mul3A_345, %add3A_346 : i32
    %add3A_348 = arith.constant 8 : i32
    %add3A_349 = arith.addi %add3A_347, %add3A_348 : i32
    %shift_right_arithmetic3A_350 = arith.constant 3 : i32
    %shift_right_arithmetic3A_351 = vector.broadcast %shift_right_arithmetic3A_350 : i32 to vector<16xi32>
    %shift_right_arithmetic3A_352 = arith.shrsi %iota3A, %shift_right_arithmetic3A_351 : vector<16xi32>
    %add3A_353 = vector.broadcast %add3A_349 : i32 to vector<16xi32>
    %add3A_354 = arith.addi %add3A_353, %shift_right_arithmetic3A_352 : vector<16xi32>
    %swap3A_355 = arith.constant 2 : i32
    %swap3A_356 = arith.index_cast %swap3A_355 : i32 to index
    %swap3A_357 = arith.constant 64 : index
    %swap3A_358 = tpu.vector_load %arg16[%swap3A_356, %swap3A_357] {strides = array<i32>} : memref<8x128xi32, #tpu.memory_space<vmem>>, vector<1x16xi32>,
    %swap3A_359 = vector.shape_cast %swap3A_358 : vector<1x16xi32> to vector<16xi32>
    %swap3A_360 = vector.shape_cast %add3A_354 : vector<16xi32> to vector<1x16xi32>
    tpu.vector_store %arg16[%swap3A_356, %swap3A_357], %swap3A_360 {strides = array<i32>} : memref<8x128xi32, #tpu.memory_space<vmem>>, vector<1x16xi32>,
    %mul3A_361 = arith.constant 128 : i32
    %mul3A_362 = arith.muli %arg1, %mul3A_361 : i32
    %add3A_363 = arith.constant 32 : i32
    %add3A_364 = arith.addi %mul3A_362, %add3A_363 : i32
    %add3A_365 = arith.constant 10 : i32
    %add3A_366 = arith.addi %add3A_364, %add3A_365 : i32
    %shift_right_arithmetic3A_367 = arith.constant 3 : i32
    %shift_right_arithmetic3A_368 = vector.broadcast %shift_right_arithmetic3A_367 : i32 to vector<16xi32>
    %shift_right_arithmetic3A_369 = arith.shrsi %iota3A, %shift_right_arithmetic3A_368 : vector<16xi32>
    %add3A_370 = vector.broadcast %add3A_366 : i32 to vector<16xi32>
    %add3A_371 = arith.addi %add3A_370, %shift_right_arithmetic3A_369 : vector<16xi32>
    %swap3A_372 = arith.constant 2 : i32
    %swap3A_373 = arith.index_cast %swap3A_372 : i32 to index
    %swap3A_374 = arith.constant 80 : index
    %swap3A_375 = tpu.vector_load %arg16[%swap3A_373, %swap3A_374] {strides = array<i32>} : memref<8x128xi32, #tpu.memory_space<vmem>>, vector<1x16xi32>,
    %swap3A_376 = vector.shape_cast %swap3A_375 : vector<1x16xi32> to vector<16xi32>
    %swap3A_377 = vector.shape_cast %add3A_371 : vector<16xi32> to vector<1x16xi32>
    tpu.vector_store %arg16[%swap3A_373, %swap3A_374], %swap3A_377 {strides = array<i32>} : memref<8x128xi32, #tpu.memory_space<vmem>>, vector<1x16xi32>,
    %mul3A_378 = arith.constant 128 : i32
    %mul3A_379 = arith.muli %arg1, %mul3A_378 : i32
    %add3A_380 = arith.constant 32 : i32
    %add3A_381 = arith.addi %mul3A_379, %add3A_380 : i32
    %add3A_382 = arith.constant 12 : i32
    %add3A_383 = arith.addi %add3A_381, %add3A_382 : i32
    %shift_right_arithmetic3A_384 = arith.constant 3 : i32
    %shift_right_arithmetic3A_385 = vector.broadcast %shift_right_arithmetic3A_384 : i32 to vector<16xi32>
    %shift_right_arithmetic3A_386 = arith.shrsi %iota3A, %shift_right_arithmetic3A_385 : vector<16xi32>
    %add3A_387 = vector.broadcast %add3A_383 : i32 to vector<16xi32>
    %add3A_388 = arith.addi %add3A_387, %shift_right_arithmetic3A_386 : vector<16xi32>
    %swap3A_389 = arith.constant 2 : i32
    %swap3A_390 = arith.index_cast %swap3A_389 : i32 to index
    %swap3A_391 = arith.constant 96 : index
    %swap3A_392 = tpu.vector_load %arg16[%swap3A_390, %swap3A_391] {strides = array<i32>} : memref<8x128xi32, #tpu.memory_space<vmem>>, vector<1x16xi32>,
    %swap3A_393 = vector.shape_cast %swap3A_392 : vector<1x16xi32> to vector<16xi32>
    %swap3A_394 = vector.shape_cast %add3A_388 : vector<16xi32> to vector<1x16xi32>
    tpu.vector_store %arg16[%swap3A_390, %swap3A_391], %swap3A_394 {strides = array<i32>} : memref<8x128xi32, #tpu.memory_space<vmem>>, vector<1x16xi32>,
    %mul3A_395 = arith.constant 128 : i32
    %mul3A_396 = arith.muli %arg1, %mul3A_395 : i32
    %add3A_397 = arith.constant 32 : i32
    %add3A_398 = arith.addi %mul3A_396, %add3A_397 : i32
    %add3A_399 = arith.constant 14 : i32
    %add3A_400 = arith.addi %add3A_398, %add3A_399 : i32
    %shift_right_arithmetic3A_401 = arith.constant 3 : i32
    %shift_right_arithmetic3A_402 = vector.broadcast %shift_right_arithmetic3A_401 : i32 to vector<16xi32>
    %shift_right_arithmetic3A_403 = arith.shrsi %iota3A, %shift_right_arithmetic3A_402 : vector<16xi32>
    %add3A_404 = vector.broadcast %add3A_400 : i32 to vector<16xi32>
    %add3A_405 = arith.addi %add3A_404, %shift_right_arithmetic3A_403 : vector<16xi32>
    %swap3A_406 = arith.constant 2 : i32
    %swap3A_407 = arith.index_cast %swap3A_406 : i32 to index
    %swap3A_408 = arith.constant 112 : index
    %swap3A_409 = tpu.vector_load %arg16[%swap3A_407, %swap3A_408] {strides = array<i32>} : memref<8x128xi32, #tpu.memory_space<vmem>>, vector<1x16xi32>,
    %swap3A_410 = vector.shape_cast %swap3A_409 : vector<1x16xi32> to vector<16xi32>
    %swap3A_411 = vector.shape_cast %add3A_405 : vector<16xi32> to vector<1x16xi32>
    tpu.vector_store %arg16[%swap3A_407, %swap3A_408], %swap3A_411 {strides = array<i32>} : memref<8x128xi32, #tpu.memory_space<vmem>>, vector<1x16xi32>,
    %mul3A_412 = arith.constant 128 : i32
    %mul3A_413 = arith.muli %arg1, %mul3A_412 : i32
    %add3A_414 = arith.constant 48 : i32
    %add3A_415 = arith.addi %mul3A_413, %add3A_414 : i32
    %add3A_416 = arith.constant 0 : i32
    %add3A_417 = arith.addi %add3A_415, %add3A_416 : i32
    %shift_right_arithmetic3A_418 = arith.constant 3 : i32
    %shift_right_arithmetic3A_419 = vector.broadcast %shift_right_arithmetic3A_418 : i32 to vector<16xi32>
    %shift_right_arithmetic3A_420 = arith.shrsi %iota3A, %shift_right_arithmetic3A_419 : vector<16xi32>
    %add3A_421 = vector.broadcast %add3A_417 : i32 to vector<16xi32>
    %add3A_422 = arith.addi %add3A_421, %shift_right_arithmetic3A_420 : vector<16xi32>
    %swap3A_423 = arith.constant 3 : i32
    %swap3A_424 = arith.index_cast %swap3A_423 : i32 to index
    %swap3A_425 = arith.constant 0 : index
    %swap3A_426 = tpu.vector_load %arg16[%swap3A_424, %swap3A_425] {strides = array<i32>} : memref<8x128xi32, #tpu.memory_space<vmem>>, vector<1x16xi32>,
    %swap3A_427 = vector.shape_cast %swap3A_426 : vector<1x16xi32> to vector<16xi32>
    %swap3A_428 = vector.shape_cast %add3A_422 : vector<16xi32> to vector<1x16xi32>
    tpu.vector_store %arg16[%swap3A_424, %swap3A_425], %swap3A_428 {strides = array<i32>} : memref<8x128xi32, #tpu.memory_space<vmem>>, vector<1x16xi32>,
    %mul3A_429 = arith.constant 128 : i32
    %mul3A_430 = arith.muli %arg1, %mul3A_429 : i32
    %add3A_431 = arith.constant 48 : i32
    %add3A_432 = arith.addi %mul3A_430, %add3A_431 : i32
    %add3A_433 = arith.constant 2 : i32
    %add3A_434 = arith.addi %add3A_432, %add3A_433 : i32
    %shift_right_arithmetic3A_435 = arith.constant 3 : i32
    %shift_right_arithmetic3A_436 = vector.broadcast %shift_right_arithmetic3A_435 : i32 to vector<16xi32>
    %shift_right_arithmetic3A_437 = arith.shrsi %iota3A, %shift_right_arithmetic3A_436 : vector<16xi32>
    %add3A_438 = vector.broadcast %add3A_434 : i32 to vector<16xi32>
    %add3A_439 = arith.addi %add3A_438, %shift_right_arithmetic3A_437 : vector<16xi32>
    %swap3A_440 = arith.constant 3 : i32
    %swap3A_441 = arith.index_cast %swap3A_440 : i32 to index
    %swap3A_442 = arith.constant 16 : index
    %swap3A_443 = tpu.vector_load %arg16[%swap3A_441, %swap3A_442] {strides = array<i32>} : memref<8x128xi32, #tpu.memory_space<vmem>>, vector<1x16xi32>,
    %swap3A_444 = vector.shape_cast %swap3A_443 : vector<1x16xi32> to vector<16xi32>
    %swap3A_445 = vector.shape_cast %add3A_439 : vector<16xi32> to vector<1x16xi32>
    tpu.vector_store %arg16[%swap3A_441, %swap3A_442], %swap3A_445 {strides = array<i32>} : memref<8x128xi32, #tpu.memory_space<vmem>>, vector<1x16xi32>,
    %mul3A_446 = arith.constant 128 : i32
    %mul3A_447 = arith.muli %arg1, %mul3A_446 : i32
    %add3A_448 = arith.constant 48 : i32
    %add3A_449 = arith.addi %mul3A_447, %add3A_448 : i32
    %add3A_450 = arith.constant 4 : i32
    %add3A_451 = arith.addi %add3A_449, %add3A_450 : i32
    %shift_right_arithmetic3A_452 = arith.constant 3 : i32
    %shift_right_arithmetic3A_453 = vector.broadcast %shift_right_arithmetic3A_452 : i32 to vector<16xi32>
    %shift_right_arithmetic3A_454 = arith.shrsi %iota3A, %shift_right_arithmetic3A_453 : vector<16xi32>
    %add3A_455 = vector.broadcast %add3A_451 : i32 to vector<16xi32>
    %add3A_456 = arith.addi %add3A_455, %shift_right_arithmetic3A_454 : vector<16xi32>
    %swap3A_457 = arith.constant 3 : i32
    %swap3A_458 = arith.index_cast %swap3A_457 : i32 to index
    %swap3A_459 = arith.constant 32 : index
    %swap3A_460 = tpu.vector_load %arg16[%swap3A_458, %swap3A_459] {strides = array<i32>} : memref<8x128xi32, #tpu.memory_space<vmem>>, vector<1x16xi32>,
    %swap3A_461 = vector.shape_cast %swap3A_460 : vector<1x16xi32> to vector<16xi32>
    %swap3A_462 = vector.shape_cast %add3A_456 : vector<16xi32> to vector<1x16xi32>
    tpu.vector_store %arg16[%swap3A_458, %swap3A_459], %swap3A_462 {strides = array<i32>} : memref<8x128xi32, #tpu.memory_space<vmem>>, vector<1x16xi32>,
    %mul3A_463 = arith.constant 128 : i32
    %mul3A_464 = arith.muli %arg1, %mul3A_463 : i32
    %add3A_465 = arith.constant 48 : i32
    %add3A_466 = arith.addi %mul3A_464, %add3A_465 : i32
    %add3A_467 = arith.constant 6 : i32
    %add3A_468 = arith.addi %add3A_466, %add3A_467 : i32
    %shift_right_arithmetic3A_469 = arith.constant 3 : i32
    %shift_right_arithmetic3A_470 = vector.broadcast %shift_right_arithmetic3A_469 : i32 to vector<16xi32>
    %shift_right_arithmetic3A_471 = arith.shrsi %iota3A, %shift_right_arithmetic3A_470 : vector<16xi32>
    %add3A_472 = vector.broadcast %add3A_468 : i32 to vector<16xi32>
    %add3A_473 = arith.addi %add3A_472, %shift_right_arithmetic3A_471 : vector<16xi32>
    %swap3A_474 = arith.constant 3 : i32
    %swap3A_475 = arith.index_cast %swap3A_474 : i32 to index
    %swap3A_476 = arith.constant 48 : index
    %swap3A_477 = tpu.vector_load %arg16[%swap3A_475, %swap3A_476] {strides = array<i32>} : memref<8x128xi32, #tpu.memory_space<vmem>>, vector<1x16xi32>,
    %swap3A_478 = vector.shape_cast %swap3A_477 : vector<1x16xi32> to vector<16xi32>
    %swap3A_479 = vector.shape_cast %add3A_473 : vector<16xi32> to vector<1x16xi32>
    tpu.vector_store %arg16[%swap3A_475, %swap3A_476], %swap3A_479 {strides = array<i32>} : memref<8x128xi32, #tpu.memory_space<vmem>>, vector<1x16xi32>,
    %mul3A_480 = arith.constant 128 : i32
    %mul3A_481 = arith.muli %arg1, %mul3A_480 : i32
    %add3A_482 = arith.constant 48 : i32
    %add3A_483 = arith.addi %mul3A_481, %add3A_482 : i32
    %add3A_484 = arith.constant 8 : i32
    %add3A_485 = arith.addi %add3A_483, %add3A_484 : i32
    %shift_right_arithmetic3A_486 = arith.constant 3 : i32
    %shift_right_arithmetic3A_487 = vector.broadcast %shift_right_arithmetic3A_486 : i32 to vector<16xi32>
    %shift_right_arithmetic3A_488 = arith.shrsi %iota3A, %shift_right_arithmetic3A_487 : vector<16xi32>
    %add3A_489 = vector.broadcast %add3A_485 : i32 to vector<16xi32>
    %add3A_490 = arith.addi %add3A_489, %shift_right_arithmetic3A_488 : vector<16xi32>
    %swap3A_491 = arith.constant 3 : i32
    %swap3A_492 = arith.index_cast %swap3A_491 : i32 to index
    %swap3A_493 = arith.constant 64 : index
    %swap3A_494 = tpu.vector_load %arg16[%swap3A_492, %swap3A_493] {strides = array<i32>} : memref<8x128xi32, #tpu.memory_space<vmem>>, vector<1x16xi32>,
    %swap3A_495 = vector.shape_cast %swap3A_494 : vector<1x16xi32> to vector<16xi32>
    %swap3A_496 = vector.shape_cast %add3A_490 : vector<16xi32> to vector<1x16xi32>
    tpu.vector_store %arg16[%swap3A_492, %swap3A_493], %swap3A_496 {strides = array<i32>} : memref<8x128xi32, #tpu.memory_space<vmem>>, vector<1x16xi32>,
    %mul3A_497 = arith.constant 128 : i32
    %mul3A_498 = arith.muli %arg1, %mul3A_497 : i32
    %add3A_499 = arith.constant 48 : i32
    %add3A_500 = arith.addi %mul3A_498, %add3A_499 : i32
    %add3A_501 = arith.constant 10 : i32
    %add3A_502 = arith.addi %add3A_500, %add3A_501 : i32
    %shift_right_arithmetic3A_503 = arith.constant 3 : i32
    %shift_right_arithmetic3A_504 = vector.broadcast %shift_right_arithmetic3A_503 : i32 to vector<16xi32>
    %shift_right_arithmetic3A_505 = arith.shrsi %iota3A, %shift_right_arithmetic3A_504 : vector<16xi32>
    %add3A_506 = vector.broadcast %add3A_502 : i32 to vector<16xi32>
    %add3A_507 = arith.addi %add3A_506, %shift_right_arithmetic3A_505 : vector<16xi32>
    %swap3A_508 = arith.constant 3 : i32
    %swap3A_509 = arith.index_cast %swap3A_508 : i32 to index
    %swap3A_510 = arith.constant 80 : index
    %swap3A_511 = tpu.vector_load %arg16[%swap3A_509, %swap3A_510] {strides = array<i32>} : memref<8x128xi32, #tpu.memory_space<vmem>>, vector<1x16xi32>,
    %swap3A_512 = vector.shape_cast %swap3A_511 : vector<1x16xi32> to vector<16xi32>
    %swap3A_513 = vector.shape_cast %add3A_507 : vector<16xi32> to vector<1x16xi32>
    tpu.vector_store %arg16[%swap3A_509, %swap3A_510], %swap3A_513 {strides = array<i32>} : memref<8x128xi32, #tpu.memory_space<vmem>>, vector<1x16xi32>,
    %mul3A_514 = arith.constant 128 : i32
    %mul3A_515 = arith.muli %arg1, %mul3A_514 : i32
    %add3A_516 = arith.constant 48 : i32
    %add3A_517 = arith.addi %mul3A_515, %add3A_516 : i32
    %add3A_518 = arith.constant 12 : i32
    %add3A_519 = arith.addi %add3A_517, %add3A_518 : i32
    %shift_right_arithmetic3A_520 = arith.constant 3 : i32
    %shift_right_arithmetic3A_521 = vector.broadcast %shift_right_arithmetic3A_520 : i32 to vector<16xi32>
    %shift_right_arithmetic3A_522 = arith.shrsi %iota3A, %shift_right_arithmetic3A_521 : vector<16xi32>
    %add3A_523 = vector.broadcast %add3A_519 : i32 to vector<16xi32>
    %add3A_524 = arith.addi %add3A_523, %shift_right_arithmetic3A_522 : vector<16xi32>
    %swap3A_525 = arith.constant 3 : i32
    %swap3A_526 = arith.index_cast %swap3A_525 : i32 to index
    %swap3A_527 = arith.constant 96 : index
    %swap3A_528 = tpu.vector_load %arg16[%swap3A_526, %swap3A_527] {strides = array<i32>} : memref<8x128xi32, #tpu.memory_space<vmem>>, vector<1x16xi32>,
    %swap3A_529 = vector.shape_cast %swap3A_528 : vector<1x16xi32> to vector<16xi32>
    %swap3A_530 = vector.shape_cast %add3A_524 : vector<16xi32> to vector<1x16xi32>
    tpu.vector_store %arg16[%swap3A_526, %swap3A_527], %swap3A_530 {strides = array<i32>} : memref<8x128xi32, #tpu.memory_space<vmem>>, vector<1x16xi32>,
    %mul3A_531 = arith.constant 128 : i32
    %mul3A_532 = arith.muli %arg1, %mul3A_531 : i32
    %add3A_533 = arith.constant 48 : i32
    %add3A_534 = arith.addi %mul3A_532, %add3A_533 : i32
    %add3A_535 = arith.constant 14 : i32
    %add3A_536 = arith.addi %add3A_534, %add3A_535 : i32
    %shift_right_arithmetic3A_537 = arith.constant 3 : i32
    %shift_right_arithmetic3A_538 = vector.broadcast %shift_right_arithmetic3A_537 : i32 to vector<16xi32>
    %shift_right_arithmetic3A_539 = arith.shrsi %iota3A, %shift_right_arithmetic3A_538 : vector<16xi32>
    %add3A_540 = vector.broadcast %add3A_536 : i32 to vector<16xi32>
    %add3A_541 = arith.addi %add3A_540, %shift_right_arithmetic3A_539 : vector<16xi32>
    %swap3A_542 = arith.constant 3 : i32
    %swap3A_543 = arith.index_cast %swap3A_542 : i32 to index
    %swap3A_544 = arith.constant 112 : index
    %swap3A_545 = tpu.vector_load %arg16[%swap3A_543, %swap3A_544] {strides = array<i32>} : memref<8x128xi32, #tpu.memory_space<vmem>>, vector<1x16xi32>,
    %swap3A_546 = vector.shape_cast %swap3A_545 : vector<1x16xi32> to vector<16xi32>
    %swap3A_547 = vector.shape_cast %add3A_541 : vector<16xi32> to vector<1x16xi32>
    tpu.vector_store %arg16[%swap3A_543, %swap3A_544], %swap3A_547 {strides = array<i32>} : memref<8x128xi32, #tpu.memory_space<vmem>>, vector<1x16xi32>,
    %mul3A_548 = arith.constant 128 : i32
    %mul3A_549 = arith.muli %arg1, %mul3A_548 : i32
    %add3A_550 = arith.constant 64 : i32
    %add3A_551 = arith.addi %mul3A_549, %add3A_550 : i32
    %add3A_552 = arith.constant 0 : i32
    %add3A_553 = arith.addi %add3A_551, %add3A_552 : i32
    %shift_right_arithmetic3A_554 = arith.constant 3 : i32
    %shift_right_arithmetic3A_555 = vector.broadcast %shift_right_arithmetic3A_554 : i32 to vector<16xi32>
    %shift_right_arithmetic3A_556 = arith.shrsi %iota3A, %shift_right_arithmetic3A_555 : vector<16xi32>
    %add3A_557 = vector.broadcast %add3A_553 : i32 to vector<16xi32>
    %add3A_558 = arith.addi %add3A_557, %shift_right_arithmetic3A_556 : vector<16xi32>
    %swap3A_559 = arith.constant 4 : i32
    %swap3A_560 = arith.index_cast %swap3A_559 : i32 to index
    %swap3A_561 = arith.constant 0 : index
    %swap3A_562 = tpu.vector_load %arg16[%swap3A_560, %swap3A_561] {strides = array<i32>} : memref<8x128xi32, #tpu.memory_space<vmem>>, vector<1x16xi32>,
    %swap3A_563 = vector.shape_cast %swap3A_562 : vector<1x16xi32> to vector<16xi32>
    %swap3A_564 = vector.shape_cast %add3A_558 : vector<16xi32> to vector<1x16xi32>
    tpu.vector_store %arg16[%swap3A_560, %swap3A_561], %swap3A_564 {strides = array<i32>} : memref<8x128xi32, #tpu.memory_space<vmem>>, vector<1x16xi32>,
    %mul3A_565 = arith.constant 128 : i32
    %mul3A_566 = arith.muli %arg1, %mul3A_565 : i32
    %add3A_567 = arith.constant 64 : i32
    %add3A_568 = arith.addi %mul3A_566, %add3A_567 : i32
    %add3A_569 = arith.constant 2 : i32
    %add3A_570 = arith.addi %add3A_568, %add3A_569 : i32
    %shift_right_arithmetic3A_571 = arith.constant 3 : i32
    %shift_right_arithmetic3A_572 = vector.broadcast %shift_right_arithmetic3A_571 : i32 to vector<16xi32>
    %shift_right_arithmetic3A_573 = arith.shrsi %iota3A, %shift_right_arithmetic3A_572 : vector<16xi32>
    %add3A_574 = vector.broadcast %add3A_570 : i32 to vector<16xi32>
    %add3A_575 = arith.addi %add3A_574, %shift_right_arithmetic3A_573 : vector<16xi32>
    %swap3A_576 = arith.constant 4 : i32
    %swap3A_577 = arith.index_cast %swap3A_576 : i32 to index
    %swap3A_578 = arith.constant 16 : index
    %swap3A_579 = tpu.vector_load %arg16[%swap3A_577, %swap3A_578] {strides = array<i32>} : memref<8x128xi32, #tpu.memory_space<vmem>>, vector<1x16xi32>,
    %swap3A_580 = vector.shape_cast %swap3A_579 : vector<1x16xi32> to vector<16xi32>
    %swap3A_581 = vector.shape_cast %add3A_575 : vector<16xi32> to vector<1x16xi32>
    tpu.vector_store %arg16[%swap3A_577, %swap3A_578], %swap3A_581 {strides = array<i32>} : memref<8x128xi32, #tpu.memory_space<vmem>>, vector<1x16xi32>,
    %mul3A_582 = arith.constant 128 : i32
    %mul3A_583 = arith.muli %arg1, %mul3A_582 : i32
    %add3A_584 = arith.constant 64 : i32
    %add3A_585 = arith.addi %mul3A_583, %add3A_584 : i32
    %add3A_586 = arith.constant 4 : i32
    %add3A_587 = arith.addi %add3A_585, %add3A_586 : i32
    %shift_right_arithmetic3A_588 = arith.constant 3 : i32
    %shift_right_arithmetic3A_589 = vector.broadcast %shift_right_arithmetic3A_588 : i32 to vector<16xi32>
    %shift_right_arithmetic3A_590 = arith.shrsi %iota3A, %shift_right_arithmetic3A_589 : vector<16xi32>
    %add3A_591 = vector.broadcast %add3A_587 : i32 to vector<16xi32>
    %add3A_592 = arith.addi %add3A_591, %shift_right_arithmetic3A_590 : vector<16xi32>
    %swap3A_593 = arith.constant 4 : i32
    %swap3A_594 = arith.index_cast %swap3A_593 : i32 to index
    %swap3A_595 = arith.constant 32 : index
    %swap3A_596 = tpu.vector_load %arg16[%swap3A_594, %swap3A_595] {strides = array<i32>} : memref<8x128xi32, #tpu.memory_space<vmem>>, vector<1x16xi32>,
    %swap3A_597 = vector.shape_cast %swap3A_596 : vector<1x16xi32> to vector<16xi32>
    %swap3A_598 = vector.shape_cast %add3A_592 : vector<16xi32> to vector<1x16xi32>
    tpu.vector_store %arg16[%swap3A_594, %swap3A_595], %swap3A_598 {strides = array<i32>} : memref<8x128xi32, #tpu.memory_space<vmem>>, vector<1x16xi32>,
    %mul3A_599 = arith.constant 128 : i32
    %mul3A_600 = arith.muli %arg1, %mul3A_599 : i32
    %add3A_601 = arith.constant 64 : i32
    %add3A_602 = arith.addi %mul3A_600, %add3A_601 : i32
    %add3A_603 = arith.constant 6 : i32
    %add3A_604 = arith.addi %add3A_602, %add3A_603 : i32
    %shift_right_arithmetic3A_605 = arith.constant 3 : i32
    %shift_right_arithmetic3A_606 = vector.broadcast %shift_right_arithmetic3A_605 : i32 to vector<16xi32>
    %shift_right_arithmetic3A_607 = arith.shrsi %iota3A, %shift_right_arithmetic3A_606 : vector<16xi32>
    %add3A_608 = vector.broadcast %add3A_604 : i32 to vector<16xi32>
    %add3A_609 = arith.addi %add3A_608, %shift_right_arithmetic3A_607 : vector<16xi32>
    %swap3A_610 = arith.constant 4 : i32
    %swap3A_611 = arith.index_cast %swap3A_610 : i32 to index
    %swap3A_612 = arith.constant 48 : index
    %swap3A_613 = tpu.vector_load %arg16[%swap3A_611, %swap3A_612] {strides = array<i32>} : memref<8x128xi32, #tpu.memory_space<vmem>>, vector<1x16xi32>,
    %swap3A_614 = vector.shape_cast %swap3A_613 : vector<1x16xi32> to vector<16xi32>
    %swap3A_615 = vector.shape_cast %add3A_609 : vector<16xi32> to vector<1x16xi32>
    tpu.vector_store %arg16[%swap3A_611, %swap3A_612], %swap3A_615 {strides = array<i32>} : memref<8x128xi32, #tpu.memory_space<vmem>>, vector<1x16xi32>,
    %mul3A_616 = arith.constant 128 : i32
    %mul3A_617 = arith.muli %arg1, %mul3A_616 : i32
    %add3A_618 = arith.constant 64 : i32
    %add3A_619 = arith.addi %mul3A_617, %add3A_618 : i32
    %add3A_620 = arith.constant 8 : i32
    %add3A_621 = arith.addi %add3A_619, %add3A_620 : i32
    %shift_right_arithmetic3A_622 = arith.constant 3 : i32
    %shift_right_arithmetic3A_623 = vector.broadcast %shift_right_arithmetic3A_622 : i32 to vector<16xi32>
    %shift_right_arithmetic3A_624 = arith.shrsi %iota3A, %shift_right_arithmetic3A_623 : vector<16xi32>
    %add3A_625 = vector.broadcast %add3A_621 : i32 to vector<16xi32>
    %add3A_626 = arith.addi %add3A_625, %shift_right_arithmetic3A_624 : vector<16xi32>
    %swap3A_627 = arith.constant 4 : i32
    %swap3A_628 = arith.index_cast %swap3A_627 : i32 to index
    %swap3A_629 = arith.constant 64 : index
    %swap3A_630 = tpu.vector_load %arg16[%swap3A_628, %swap3A_629] {strides = array<i32>} : memref<8x128xi32, #tpu.memory_space<vmem>>, vector<1x16xi32>,
    %swap3A_631 = vector.shape_cast %swap3A_630 : vector<1x16xi32> to vector<16xi32>
    %swap3A_632 = vector.shape_cast %add3A_626 : vector<16xi32> to vector<1x16xi32>
    tpu.vector_store %arg16[%swap3A_628, %swap3A_629], %swap3A_632 {strides = array<i32>} : memref<8x128xi32, #tpu.memory_space<vmem>>, vector<1x16xi32>,
    %mul3A_633 = arith.constant 128 : i32
    %mul3A_634 = arith.muli %arg1, %mul3A_633 : i32
    %add3A_635 = arith.constant 64 : i32
    %add3A_636 = arith.addi %mul3A_634, %add3A_635 : i32
    %add3A_637 = arith.constant 10 : i32
    %add3A_638 = arith.addi %add3A_636, %add3A_637 : i32
    %shift_right_arithmetic3A_639 = arith.constant 3 : i32
    %shift_right_arithmetic3A_640 = vector.broadcast %shift_right_arithmetic3A_639 : i32 to vector<16xi32>
    %shift_right_arithmetic3A_641 = arith.shrsi %iota3A, %shift_right_arithmetic3A_640 : vector<16xi32>
    %add3A_642 = vector.broadcast %add3A_638 : i32 to vector<16xi32>
    %add3A_643 = arith.addi %add3A_642, %shift_right_arithmetic3A_641 : vector<16xi32>
    %swap3A_644 = arith.constant 4 : i32
    %swap3A_645 = arith.index_cast %swap3A_644 : i32 to index
    %swap3A_646 = arith.constant 80 : index
    %swap3A_647 = tpu.vector_load %arg16[%swap3A_645, %swap3A_646] {strides = array<i32>} : memref<8x128xi32, #tpu.memory_space<vmem>>, vector<1x16xi32>,
    %swap3A_648 = vector.shape_cast %swap3A_647 : vector<1x16xi32> to vector<16xi32>
    %swap3A_649 = vector.shape_cast %add3A_643 : vector<16xi32> to vector<1x16xi32>
    tpu.vector_store %arg16[%swap3A_645, %swap3A_646], %swap3A_649 {strides = array<i32>} : memref<8x128xi32, #tpu.memory_space<vmem>>, vector<1x16xi32>,
    %mul3A_650 = arith.constant 128 : i32
    %mul3A_651 = arith.muli %arg1, %mul3A_650 : i32
    %add3A_652 = arith.constant 64 : i32
    %add3A_653 = arith.addi %mul3A_651, %add3A_652 : i32
    %add3A_654 = arith.constant 12 : i32
    %add3A_655 = arith.addi %add3A_653, %add3A_654 : i32
    %shift_right_arithmetic3A_656 = arith.constant 3 : i32
    %shift_right_arithmetic3A_657 = vector.broadcast %shift_right_arithmetic3A_656 : i32 to vector<16xi32>
    %shift_right_arithmetic3A_658 = arith.shrsi %iota3A, %shift_right_arithmetic3A_657 : vector<16xi32>
    %add3A_659 = vector.broadcast %add3A_655 : i32 to vector<16xi32>
    %add3A_660 = arith.addi %add3A_659, %shift_right_arithmetic3A_658 : vector<16xi32>
    %swap3A_661 = arith.constant 4 : i32
    %swap3A_662 = arith.index_cast %swap3A_661 : i32 to index
    %swap3A_663 = arith.constant 96 : index
    %swap3A_664 = tpu.vector_load %arg16[%swap3A_662, %swap3A_663] {strides = array<i32>} : memref<8x128xi32, #tpu.memory_space<vmem>>, vector<1x16xi32>,
    %swap3A_665 = vector.shape_cast %swap3A_664 : vector<1x16xi32> to vector<16xi32>
    %swap3A_666 = vector.shape_cast %add3A_660 : vector<16xi32> to vector<1x16xi32>
    tpu.vector_store %arg16[%swap3A_662, %swap3A_663], %swap3A_666 {strides = array<i32>} : memref<8x128xi32, #tpu.memory_space<vmem>>, vector<1x16xi32>,
    %mul3A_667 = arith.constant 128 : i32
    %mul3A_668 = arith.muli %arg1, %mul3A_667 : i32
    %add3A_669 = arith.constant 64 : i32
    %add3A_670 = arith.addi %mul3A_668, %add3A_669 : i32
    %add3A_671 = arith.constant 14 : i32
    %add3A_672 = arith.addi %add3A_670, %add3A_671 : i32
    %shift_right_arithmetic3A_673 = arith.constant 3 : i32
    %shift_right_arithmetic3A_674 = vector.broadcast %shift_right_arithmetic3A_673 : i32 to vector<16xi32>
    %shift_right_arithmetic3A_675 = arith.shrsi %iota3A, %shift_right_arithmetic3A_674 : vector<16xi32>
    %add3A_676 = vector.broadcast %add3A_672 : i32 to vector<16xi32>
    %add3A_677 = arith.addi %add3A_676, %shift_right_arithmetic3A_675 : vector<16xi32>
    %swap3A_678 = arith.constant 4 : i32
    %swap3A_679 = arith.index_cast %swap3A_678 : i32 to index
    %swap3A_680 = arith.constant 112 : index
    %swap3A_681 = tpu.vector_load %arg16[%swap3A_679, %swap3A_680] {strides = array<i32>} : memref<8x128xi32, #tpu.memory_space<vmem>>, vector<1x16xi32>,
    %swap3A_682 = vector.shape_cast %swap3A_681 : vector<1x16xi32> to vector<16xi32>
    %swap3A_683 = vector.shape_cast %add3A_677 : vector<16xi32> to vector<1x16xi32>
    tpu.vector_store %arg16[%swap3A_679, %swap3A_680], %swap3A_683 {strides = array<i32>} : memref<8x128xi32, #tpu.memory_space<vmem>>, vector<1x16xi32>,
    %mul3A_684 = arith.constant 128 : i32
    %mul3A_685 = arith.muli %arg1, %mul3A_684 : i32
    %add3A_686 = arith.constant 80 : i32
    %add3A_687 = arith.addi %mul3A_685, %add3A_686 : i32
    %add3A_688 = arith.constant 0 : i32
    %add3A_689 = arith.addi %add3A_687, %add3A_688 : i32
    %shift_right_arithmetic3A_690 = arith.constant 3 : i32
    %shift_right_arithmetic3A_691 = vector.broadcast %shift_right_arithmetic3A_690 : i32 to vector<16xi32>
    %shift_right_arithmetic3A_692 = arith.shrsi %iota3A, %shift_right_arithmetic3A_691 : vector<16xi32>
    %add3A_693 = vector.broadcast %add3A_689 : i32 to vector<16xi32>
    %add3A_694 = arith.addi %add3A_693, %shift_right_arithmetic3A_692 : vector<16xi32>
    %swap3A_695 = arith.constant 5 : i32
    %swap3A_696 = arith.index_cast %swap3A_695 : i32 to index
    %swap3A_697 = arith.constant 0 : index
    %swap3A_698 = tpu.vector_load %arg16[%swap3A_696, %swap3A_697] {strides = array<i32>} : memref<8x128xi32, #tpu.memory_space<vmem>>, vector<1x16xi32>,
    %swap3A_699 = vector.shape_cast %swap3A_698 : vector<1x16xi32> to vector<16xi32>
    %swap3A_700 = vector.shape_cast %add3A_694 : vector<16xi32> to vector<1x16xi32>
    tpu.vector_store %arg16[%swap3A_696, %swap3A_697], %swap3A_700 {strides = array<i32>} : memref<8x128xi32, #tpu.memory_space<vmem>>, vector<1x16xi32>,
    %mul3A_701 = arith.constant 128 : i32
    %mul3A_702 = arith.muli %arg1, %mul3A_701 : i32
    %add3A_703 = arith.constant 80 : i32
    %add3A_704 = arith.addi %mul3A_702, %add3A_703 : i32
    %add3A_705 = arith.constant 2 : i32
    %add3A_706 = arith.addi %add3A_704, %add3A_705 : i32
    %shift_right_arithmetic3A_707 = arith.constant 3 : i32
    %shift_right_arithmetic3A_708 = vector.broadcast %shift_right_arithmetic3A_707 : i32 to vector<16xi32>
    %shift_right_arithmetic3A_709 = arith.shrsi %iota3A, %shift_right_arithmetic3A_708 : vector<16xi32>
    %add3A_710 = vector.broadcast %add3A_706 : i32 to vector<16xi32>
    %add3A_711 = arith.addi %add3A_710, %shift_right_arithmetic3A_709 : vector<16xi32>
    %swap3A_712 = arith.constant 5 : i32
    %swap3A_713 = arith.index_cast %swap3A_712 : i32 to index
    %swap3A_714 = arith.constant 16 : index
    %swap3A_715 = tpu.vector_load %arg16[%swap3A_713, %swap3A_714] {strides = array<i32>} : memref<8x128xi32, #tpu.memory_space<vmem>>, vector<1x16xi32>,
    %swap3A_716 = vector.shape_cast %swap3A_715 : vector<1x16xi32> to vector<16xi32>
    %swap3A_717 = vector.shape_cast %add3A_711 : vector<16xi32> to vector<1x16xi32>
    tpu.vector_store %arg16[%swap3A_713, %swap3A_714], %swap3A_717 {strides = array<i32>} : memref<8x128xi32, #tpu.memory_space<vmem>>, vector<1x16xi32>,
    %mul3A_718 = arith.constant 128 : i32
    %mul3A_719 = arith.muli %arg1, %mul3A_718 : i32
    %add3A_720 = arith.constant 80 : i32
    %add3A_721 = arith.addi %mul3A_719, %add3A_720 : i32
    %add3A_722 = arith.constant 4 : i32
    %add3A_723 = arith.addi %add3A_721, %add3A_722 : i32
    %shift_right_arithmetic3A_724 = arith.constant 3 : i32
    %shift_right_arithmetic3A_725 = vector.broadcast %shift_right_arithmetic3A_724 : i32 to vector<16xi32>
    %shift_right_arithmetic3A_726 = arith.shrsi %iota3A, %shift_right_arithmetic3A_725 : vector<16xi32>
    %add3A_727 = vector.broadcast %add3A_723 : i32 to vector<16xi32>
    %add3A_728 = arith.addi %add3A_727, %shift_right_arithmetic3A_726 : vector<16xi32>
    %swap3A_729 = arith.constant 5 : i32
    %swap3A_730 = arith.index_cast %swap3A_729 : i32 to index
    %swap3A_731 = arith.constant 32 : index
    %swap3A_732 = tpu.vector_load %arg16[%swap3A_730, %swap3A_731] {strides = array<i32>} : memref<8x128xi32, #tpu.memory_space<vmem>>, vector<1x16xi32>,
    %swap3A_733 = vector.shape_cast %swap3A_732 : vector<1x16xi32> to vector<16xi32>
    %swap3A_734 = vector.shape_cast %add3A_728 : vector<16xi32> to vector<1x16xi32>
    tpu.vector_store %arg16[%swap3A_730, %swap3A_731], %swap3A_734 {strides = array<i32>} : memref<8x128xi32, #tpu.memory_space<vmem>>, vector<1x16xi32>,
    %mul3A_735 = arith.constant 128 : i32
    %mul3A_736 = arith.muli %arg1, %mul3A_735 : i32
    %add3A_737 = arith.constant 80 : i32
    %add3A_738 = arith.addi %mul3A_736, %add3A_737 : i32
    %add3A_739 = arith.constant 6 : i32
    %add3A_740 = arith.addi %add3A_738, %add3A_739 : i32
    %shift_right_arithmetic3A_741 = arith.constant 3 : i32
    %shift_right_arithmetic3A_742 = vector.broadcast %shift_right_arithmetic3A_741 : i32 to vector<16xi32>
    %shift_right_arithmetic3A_743 = arith.shrsi %iota3A, %shift_right_arithmetic3A_742 : vector<16xi32>
    %add3A_744 = vector.broadcast %add3A_740 : i32 to vector<16xi32>
    %add3A_745 = arith.addi %add3A_744, %shift_right_arithmetic3A_743 : vector<16xi32>
    %swap3A_746 = arith.constant 5 : i32
    %swap3A_747 = arith.index_cast %swap3A_746 : i32 to index
    %swap3A_748 = arith.constant 48 : index
    %swap3A_749 = tpu.vector_load %arg16[%swap3A_747, %swap3A_748] {strides = array<i32>} : memref<8x128xi32, #tpu.memory_space<vmem>>, vector<1x16xi32>,
    %swap3A_750 = vector.shape_cast %swap3A_749 : vector<1x16xi32> to vector<16xi32>
    %swap3A_751 = vector.shape_cast %add3A_745 : vector<16xi32> to vector<1x16xi32>
    tpu.vector_store %arg16[%swap3A_747, %swap3A_748], %swap3A_751 {strides = array<i32>} : memref<8x128xi32, #tpu.memory_space<vmem>>, vector<1x16xi32>,
    %mul3A_752 = arith.constant 128 : i32
    %mul3A_753 = arith.muli %arg1, %mul3A_752 : i32
    %add3A_754 = arith.constant 80 : i32
    %add3A_755 = arith.addi %mul3A_753, %add3A_754 : i32
    %add3A_756 = arith.constant 8 : i32
    %add3A_757 = arith.addi %add3A_755, %add3A_756 : i32
    %shift_right_arithmetic3A_758 = arith.constant 3 : i32
    %shift_right_arithmetic3A_759 = vector.broadcast %shift_right_arithmetic3A_758 : i32 to vector<16xi32>
    %shift_right_arithmetic3A_760 = arith.shrsi %iota3A, %shift_right_arithmetic3A_759 : vector<16xi32>
    %add3A_761 = vector.broadcast %add3A_757 : i32 to vector<16xi32>
    %add3A_762 = arith.addi %add3A_761, %shift_right_arithmetic3A_760 : vector<16xi32>
    %swap3A_763 = arith.constant 5 : i32
    %swap3A_764 = arith.index_cast %swap3A_763 : i32 to index
    %swap3A_765 = arith.constant 64 : index
    %swap3A_766 = tpu.vector_load %arg16[%swap3A_764, %swap3A_765] {strides = array<i32>} : memref<8x128xi32, #tpu.memory_space<vmem>>, vector<1x16xi32>,
    %swap3A_767 = vector.shape_cast %swap3A_766 : vector<1x16xi32> to vector<16xi32>
    %swap3A_768 = vector.shape_cast %add3A_762 : vector<16xi32> to vector<1x16xi32>
    tpu.vector_store %arg16[%swap3A_764, %swap3A_765], %swap3A_768 {strides = array<i32>} : memref<8x128xi32, #tpu.memory_space<vmem>>, vector<1x16xi32>,
    %mul3A_769 = arith.constant 128 : i32
    %mul3A_770 = arith.muli %arg1, %mul3A_769 : i32
    %add3A_771 = arith.constant 80 : i32
    %add3A_772 = arith.addi %mul3A_770, %add3A_771 : i32
    %add3A_773 = arith.constant 10 : i32
    %add3A_774 = arith.addi %add3A_772, %add3A_773 : i32
    %shift_right_arithmetic3A_775 = arith.constant 3 : i32
    %shift_right_arithmetic3A_776 = vector.broadcast %shift_right_arithmetic3A_775 : i32 to vector<16xi32>
    %shift_right_arithmetic3A_777 = arith.shrsi %iota3A, %shift_right_arithmetic3A_776 : vector<16xi32>
    %add3A_778 = vector.broadcast %add3A_774 : i32 to vector<16xi32>
    %add3A_779 = arith.addi %add3A_778, %shift_right_arithmetic3A_777 : vector<16xi32>
    %swap3A_780 = arith.constant 5 : i32
    %swap3A_781 = arith.index_cast %swap3A_780 : i32 to index
    %swap3A_782 = arith.constant 80 : index
    %swap3A_783 = tpu.vector_load %arg16[%swap3A_781, %swap3A_782] {strides = array<i32>} : memref<8x128xi32, #tpu.memory_space<vmem>>, vector<1x16xi32>,
    %swap3A_784 = vector.shape_cast %swap3A_783 : vector<1x16xi32> to vector<16xi32>
    %swap3A_785 = vector.shape_cast %add3A_779 : vector<16xi32> to vector<1x16xi32>
    tpu.vector_store %arg16[%swap3A_781, %swap3A_782], %swap3A_785 {strides = array<i32>} : memref<8x128xi32, #tpu.memory_space<vmem>>, vector<1x16xi32>,
    %mul3A_786 = arith.constant 128 : i32
    %mul3A_787 = arith.muli %arg1, %mul3A_786 : i32
    %add3A_788 = arith.constant 80 : i32
    %add3A_789 = arith.addi %mul3A_787, %add3A_788 : i32
    %add3A_790 = arith.constant 12 : i32
    %add3A_791 = arith.addi %add3A_789, %add3A_790 : i32
    %shift_right_arithmetic3A_792 = arith.constant 3 : i32
    %shift_right_arithmetic3A_793 = vector.broadcast %shift_right_arithmetic3A_792 : i32 to vector<16xi32>
    %shift_right_arithmetic3A_794 = arith.shrsi %iota3A, %shift_right_arithmetic3A_793 : vector<16xi32>
    %add3A_795 = vector.broadcast %add3A_791 : i32 to vector<16xi32>
    %add3A_796 = arith.addi %add3A_795, %shift_right_arithmetic3A_794 : vector<16xi32>
    %swap3A_797 = arith.constant 5 : i32
    %swap3A_798 = arith.index_cast %swap3A_797 : i32 to index
    %swap3A_799 = arith.constant 96 : index
    %swap3A_800 = tpu.vector_load %arg16[%swap3A_798, %swap3A_799] {strides = array<i32>} : memref<8x128xi32, #tpu.memory_space<vmem>>, vector<1x16xi32>,
    %swap3A_801 = vector.shape_cast %swap3A_800 : vector<1x16xi32> to vector<16xi32>
    %swap3A_802 = vector.shape_cast %add3A_796 : vector<16xi32> to vector<1x16xi32>
    tpu.vector_store %arg16[%swap3A_798, %swap3A_799], %swap3A_802 {strides = array<i32>} : memref<8x128xi32, #tpu.memory_space<vmem>>, vector<1x16xi32>,
    %mul3A_803 = arith.constant 128 : i32
    %mul3A_804 = arith.muli %arg1, %mul3A_803 : i32
    %add3A_805 = arith.constant 80 : i32
    %add3A_806 = arith.addi %mul3A_804, %add3A_805 : i32
    %add3A_807 = arith.constant 14 : i32
    %add3A_808 = arith.addi %add3A_806, %add3A_807 : i32
    %shift_right_arithmetic3A_809 = arith.constant 3 : i32
    %shift_right_arithmetic3A_810 = vector.broadcast %shift_right_arithmetic3A_809 : i32 to vector<16xi32>
    %shift_right_arithmetic3A_811 = arith.shrsi %iota3A, %shift_right_arithmetic3A_810 : vector<16xi32>
    %add3A_812 = vector.broadcast %add3A_808 : i32 to vector<16xi32>
    %add3A_813 = arith.addi %add3A_812, %shift_right_arithmetic3A_811 : vector<16xi32>
    %swap3A_814 = arith.constant 5 : i32
    %swap3A_815 = arith.index_cast %swap3A_814 : i32 to index
    %swap3A_816 = arith.constant 112 : index
    %swap3A_817 = tpu.vector_load %arg16[%swap3A_815, %swap3A_816] {strides = array<i32>} : memref<8x128xi32, #tpu.memory_space<vmem>>, vector<1x16xi32>,
    %swap3A_818 = vector.shape_cast %swap3A_817 : vector<1x16xi32> to vector<16xi32>
    %swap3A_819 = vector.shape_cast %add3A_813 : vector<16xi32> to vector<1x16xi32>
    tpu.vector_store %arg16[%swap3A_815, %swap3A_816], %swap3A_819 {strides = array<i32>} : memref<8x128xi32, #tpu.memory_space<vmem>>, vector<1x16xi32>,
    %mul3A_820 = arith.constant 128 : i32
    %mul3A_821 = arith.muli %arg1, %mul3A_820 : i32
    %add3A_822 = arith.constant 96 : i32
    %add3A_823 = arith.addi %mul3A_821, %add3A_822 : i32
    %add3A_824 = arith.constant 0 : i32
    %add3A_825 = arith.addi %add3A_823, %add3A_824 : i32
    %shift_right_arithmetic3A_826 = arith.constant 3 : i32
    %shift_right_arithmetic3A_827 = vector.broadcast %shift_right_arithmetic3A_826 : i32 to vector<16xi32>
    %shift_right_arithmetic3A_828 = arith.shrsi %iota3A, %shift_right_arithmetic3A_827 : vector<16xi32>
    %add3A_829 = vector.broadcast %add3A_825 : i32 to vector<16xi32>
    %add3A_830 = arith.addi %add3A_829, %shift_right_arithmetic3A_828 : vector<16xi32>
    %swap3A_831 = arith.constant 6 : i32
    %swap3A_832 = arith.index_cast %swap3A_831 : i32 to index
    %swap3A_833 = arith.constant 0 : index
    %swap3A_834 = tpu.vector_load %arg16[%swap3A_832, %swap3A_833] {strides = array<i32>} : memref<8x128xi32, #tpu.memory_space<vmem>>, vector<1x16xi32>,
    %swap3A_835 = vector.shape_cast %swap3A_834 : vector<1x16xi32> to vector<16xi32>
    %swap3A_836 = vector.shape_cast %add3A_830 : vector<16xi32> to vector<1x16xi32>
    tpu.vector_store %arg16[%swap3A_832, %swap3A_833], %swap3A_836 {strides = array<i32>} : memref<8x128xi32, #tpu.memory_space<vmem>>, vector<1x16xi32>,
    %mul3A_837 = arith.constant 128 : i32
    %mul3A_838 = arith.muli %arg1, %mul3A_837 : i32
    %add3A_839 = arith.constant 96 : i32
    %add3A_840 = arith.addi %mul3A_838, %add3A_839 : i32
    %add3A_841 = arith.constant 2 : i32
    %add3A_842 = arith.addi %add3A_840, %add3A_841 : i32
    %shift_right_arithmetic3A_843 = arith.constant 3 : i32
    %shift_right_arithmetic3A_844 = vector.broadcast %shift_right_arithmetic3A_843 : i32 to vector<16xi32>
    %shift_right_arithmetic3A_845 = arith.shrsi %iota3A, %shift_right_arithmetic3A_844 : vector<16xi32>
    %add3A_846 = vector.broadcast %add3A_842 : i32 to vector<16xi32>
    %add3A_847 = arith.addi %add3A_846, %shift_right_arithmetic3A_845 : vector<16xi32>
    %swap3A_848 = arith.constant 6 : i32
    %swap3A_849 = arith.index_cast %swap3A_848 : i32 to index
    %swap3A_850 = arith.constant 16 : index
    %swap3A_851 = tpu.vector_load %arg16[%swap3A_849, %swap3A_850] {strides = array<i32>} : memref<8x128xi32, #tpu.memory_space<vmem>>, vector<1x16xi32>,
    %swap3A_852 = vector.shape_cast %swap3A_851 : vector<1x16xi32> to vector<16xi32>
    %swap3A_853 = vector.shape_cast %add3A_847 : vector<16xi32> to vector<1x16xi32>
    tpu.vector_store %arg16[%swap3A_849, %swap3A_850], %swap3A_853 {strides = array<i32>} : memref<8x128xi32, #tpu.memory_space<vmem>>, vector<1x16xi32>,
    %mul3A_854 = arith.constant 128 : i32
    %mul3A_855 = arith.muli %arg1, %mul3A_854 : i32
    %add3A_856 = arith.constant 96 : i32
    %add3A_857 = arith.addi %mul3A_855, %add3A_856 : i32
    %add3A_858 = arith.constant 4 : i32
    %add3A_859 = arith.addi %add3A_857, %add3A_858 : i32
    %shift_right_arithmetic3A_860 = arith.constant 3 : i32
    %shift_right_arithmetic3A_861 = vector.broadcast %shift_right_arithmetic3A_860 : i32 to vector<16xi32>
    %shift_right_arithmetic3A_862 = arith.shrsi %iota3A, %shift_right_arithmetic3A_861 : vector<16xi32>
    %add3A_863 = vector.broadcast %add3A_859 : i32 to vector<16xi32>
    %add3A_864 = arith.addi %add3A_863, %shift_right_arithmetic3A_862 : vector<16xi32>
    %swap3A_865 = arith.constant 6 : i32
    %swap3A_866 = arith.index_cast %swap3A_865 : i32 to index
    %swap3A_867 = arith.constant 32 : index
    %swap3A_868 = tpu.vector_load %arg16[%swap3A_866, %swap3A_867] {strides = array<i32>} : memref<8x128xi32, #tpu.memory_space<vmem>>, vector<1x16xi32>,
    %swap3A_869 = vector.shape_cast %swap3A_868 : vector<1x16xi32> to vector<16xi32>
    %swap3A_870 = vector.shape_cast %add3A_864 : vector<16xi32> to vector<1x16xi32>
    tpu.vector_store %arg16[%swap3A_866, %swap3A_867], %swap3A_870 {strides = array<i32>} : memref<8x128xi32, #tpu.memory_space<vmem>>, vector<1x16xi32>,
    %mul3A_871 = arith.constant 128 : i32
    %mul3A_872 = arith.muli %arg1, %mul3A_871 : i32
    %add3A_873 = arith.constant 96 : i32
    %add3A_874 = arith.addi %mul3A_872, %add3A_873 : i32
    %add3A_875 = arith.constant 6 : i32
    %add3A_876 = arith.addi %add3A_874, %add3A_875 : i32
    %shift_right_arithmetic3A_877 = arith.constant 3 : i32
    %shift_right_arithmetic3A_878 = vector.broadcast %shift_right_arithmetic3A_877 : i32 to vector<16xi32>
    %shift_right_arithmetic3A_879 = arith.shrsi %iota3A, %shift_right_arithmetic3A_878 : vector<16xi32>
    %add3A_880 = vector.broadcast %add3A_876 : i32 to vector<16xi32>
    %add3A_881 = arith.addi %add3A_880, %shift_right_arithmetic3A_879 : vector<16xi32>
    %swap3A_882 = arith.constant 6 : i32
    %swap3A_883 = arith.index_cast %swap3A_882 : i32 to index
    %swap3A_884 = arith.constant 48 : index
    %swap3A_885 = tpu.vector_load %arg16[%swap3A_883, %swap3A_884] {strides = array<i32>} : memref<8x128xi32, #tpu.memory_space<vmem>>, vector<1x16xi32>,
    %swap3A_886 = vector.shape_cast %swap3A_885 : vector<1x16xi32> to vector<16xi32>
    %swap3A_887 = vector.shape_cast %add3A_881 : vector<16xi32> to vector<1x16xi32>
    tpu.vector_store %arg16[%swap3A_883, %swap3A_884], %swap3A_887 {strides = array<i32>} : memref<8x128xi32, #tpu.memory_space<vmem>>, vector<1x16xi32>,
    %mul3A_888 = arith.constant 128 : i32
    %mul3A_889 = arith.muli %arg1, %mul3A_888 : i32
    %add3A_890 = arith.constant 96 : i32
    %add3A_891 = arith.addi %mul3A_889, %add3A_890 : i32
    %add3A_892 = arith.constant 8 : i32
    %add3A_893 = arith.addi %add3A_891, %add3A_892 : i32
    %shift_right_arithmetic3A_894 = arith.constant 3 : i32
    %shift_right_arithmetic3A_895 = vector.broadcast %shift_right_arithmetic3A_894 : i32 to vector<16xi32>
    %shift_right_arithmetic3A_896 = arith.shrsi %iota3A, %shift_right_arithmetic3A_895 : vector<16xi32>
    %add3A_897 = vector.broadcast %add3A_893 : i32 to vector<16xi32>
    %add3A_898 = arith.addi %add3A_897, %shift_right_arithmetic3A_896 : vector<16xi32>
    %swap3A_899 = arith.constant 6 : i32
    %swap3A_900 = arith.index_cast %swap3A_899 : i32 to index
    %swap3A_901 = arith.constant 64 : index
    %swap3A_902 = tpu.vector_load %arg16[%swap3A_900, %swap3A_901] {strides = array<i32>} : memref<8x128xi32, #tpu.memory_space<vmem>>, vector<1x16xi32>,
    %swap3A_903 = vector.shape_cast %swap3A_902 : vector<1x16xi32> to vector<16xi32>
    %swap3A_904 = vector.shape_cast %add3A_898 : vector<16xi32> to vector<1x16xi32>
    tpu.vector_store %arg16[%swap3A_900, %swap3A_901], %swap3A_904 {strides = array<i32>} : memref<8x128xi32, #tpu.memory_space<vmem>>, vector<1x16xi32>,
    %mul3A_905 = arith.constant 128 : i32
    %mul3A_906 = arith.muli %arg1, %mul3A_905 : i32
    %add3A_907 = arith.constant 96 : i32
    %add3A_908 = arith.addi %mul3A_906, %add3A_907 : i32
    %add3A_909 = arith.constant 10 : i32
    %add3A_910 = arith.addi %add3A_908, %add3A_909 : i32
    %shift_right_arithmetic3A_911 = arith.constant 3 : i32
    %shift_right_arithmetic3A_912 = vector.broadcast %shift_right_arithmetic3A_911 : i32 to vector<16xi32>
    %shift_right_arithmetic3A_913 = arith.shrsi %iota3A, %shift_right_arithmetic3A_912 : vector<16xi32>
    %add3A_914 = vector.broadcast %add3A_910 : i32 to vector<16xi32>
    %add3A_915 = arith.addi %add3A_914, %shift_right_arithmetic3A_913 : vector<16xi32>
    %swap3A_916 = arith.constant 6 : i32
    %swap3A_917 = arith.index_cast %swap3A_916 : i32 to index
    %swap3A_918 = arith.constant 80 : index
    %swap3A_919 = tpu.vector_load %arg16[%swap3A_917, %swap3A_918] {strides = array<i32>} : memref<8x128xi32, #tpu.memory_space<vmem>>, vector<1x16xi32>,
    %swap3A_920 = vector.shape_cast %swap3A_919 : vector<1x16xi32> to vector<16xi32>
    %swap3A_921 = vector.shape_cast %add3A_915 : vector<16xi32> to vector<1x16xi32>
    tpu.vector_store %arg16[%swap3A_917, %swap3A_918], %swap3A_921 {strides = array<i32>} : memref<8x128xi32, #tpu.memory_space<vmem>>, vector<1x16xi32>,
    %mul3A_922 = arith.constant 128 : i32
    %mul3A_923 = arith.muli %arg1, %mul3A_922 : i32
    %add3A_924 = arith.constant 96 : i32
    %add3A_925 = arith.addi %mul3A_923, %add3A_924 : i32
    %add3A_926 = arith.constant 12 : i32
    %add3A_927 = arith.addi %add3A_925, %add3A_926 : i32
    %shift_right_arithmetic3A_928 = arith.constant 3 : i32
    %shift_right_arithmetic3A_929 = vector.broadcast %shift_right_arithmetic3A_928 : i32 to vector<16xi32>
    %shift_right_arithmetic3A_930 = arith.shrsi %iota3A, %shift_right_arithmetic3A_929 : vector<16xi32>
    %add3A_931 = vector.broadcast %add3A_927 : i32 to vector<16xi32>
    %add3A_932 = arith.addi %add3A_931, %shift_right_arithmetic3A_930 : vector<16xi32>
    %swap3A_933 = arith.constant 6 : i32
    %swap3A_934 = arith.index_cast %swap3A_933 : i32 to index
    %swap3A_935 = arith.constant 96 : index
    %swap3A_936 = tpu.vector_load %arg16[%swap3A_934, %swap3A_935] {strides = array<i32>} : memref<8x128xi32, #tpu.memory_space<vmem>>, vector<1x16xi32>,
    %swap3A_937 = vector.shape_cast %swap3A_936 : vector<1x16xi32> to vector<16xi32>
    %swap3A_938 = vector.shape_cast %add3A_932 : vector<16xi32> to vector<1x16xi32>
    tpu.vector_store %arg16[%swap3A_934, %swap3A_935], %swap3A_938 {strides = array<i32>} : memref<8x128xi32, #tpu.memory_space<vmem>>, vector<1x16xi32>,
    %mul3A_939 = arith.constant 128 : i32
    %mul3A_940 = arith.muli %arg1, %mul3A_939 : i32
    %add3A_941 = arith.constant 96 : i32
    %add3A_942 = arith.addi %mul3A_940, %add3A_941 : i32
    %add3A_943 = arith.constant 14 : i32
    %add3A_944 = arith.addi %add3A_942, %add3A_943 : i32
    %shift_right_arithmetic3A_945 = arith.constant 3 : i32
    %shift_right_arithmetic3A_946 = vector.broadcast %shift_right_arithmetic3A_945 : i32 to vector<16xi32>
    %shift_right_arithmetic3A_947 = arith.shrsi %iota3A, %shift_right_arithmetic3A_946 : vector<16xi32>
    %add3A_948 = vector.broadcast %add3A_944 : i32 to vector<16xi32>
    %add3A_949 = arith.addi %add3A_948, %shift_right_arithmetic3A_947 : vector<16xi32>
    %swap3A_950 = arith.constant 6 : i32
    %swap3A_951 = arith.index_cast %swap3A_950 : i32 to index
    %swap3A_952 = arith.constant 112 : index
    %swap3A_953 = tpu.vector_load %arg16[%swap3A_951, %swap3A_952] {strides = array<i32>} : memref<8x128xi32, #tpu.memory_space<vmem>>, vector<1x16xi32>,
    %swap3A_954 = vector.shape_cast %swap3A_953 : vector<1x16xi32> to vector<16xi32>
    %swap3A_955 = vector.shape_cast %add3A_949 : vector<16xi32> to vector<1x16xi32>
    tpu.vector_store %arg16[%swap3A_951, %swap3A_952], %swap3A_955 {strides = array<i32>} : memref<8x128xi32, #tpu.memory_space<vmem>>, vector<1x16xi32>,
    %mul3A_956 = arith.constant 128 : i32
    %mul3A_957 = arith.muli %arg1, %mul3A_956 : i32
    %add3A_958 = arith.constant 112 : i32
    %add3A_959 = arith.addi %mul3A_957, %add3A_958 : i32
    %add3A_960 = arith.constant 0 : i32
    %add3A_961 = arith.addi %add3A_959, %add3A_960 : i32
    %shift_right_arithmetic3A_962 = arith.constant 3 : i32
    %shift_right_arithmetic3A_963 = vector.broadcast %shift_right_arithmetic3A_962 : i32 to vector<16xi32>
    %shift_right_arithmetic3A_964 = arith.shrsi %iota3A, %shift_right_arithmetic3A_963 : vector<16xi32>
    %add3A_965 = vector.broadcast %add3A_961 : i32 to vector<16xi32>
    %add3A_966 = arith.addi %add3A_965, %shift_right_arithmetic3A_964 : vector<16xi32>
    %swap3A_967 = arith.constant 7 : i32
    %swap3A_968 = arith.index_cast %swap3A_967 : i32 to index
    %swap3A_969 = arith.constant 0 : index
    %swap3A_970 = tpu.vector_load %arg16[%swap3A_968, %swap3A_969] {strides = array<i32>} : memref<8x128xi32, #tpu.memory_space<vmem>>, vector<1x16xi32>,
    %swap3A_971 = vector.shape_cast %swap3A_970 : vector<1x16xi32> to vector<16xi32>
    %swap3A_972 = vector.shape_cast %add3A_966 : vector<16xi32> to vector<1x16xi32>
    tpu.vector_store %arg16[%swap3A_968, %swap3A_969], %swap3A_972 {strides = array<i32>} : memref<8x128xi32, #tpu.memory_space<vmem>>, vector<1x16xi32>,
    %mul3A_973 = arith.constant 128 : i32
    %mul3A_974 = arith.muli %arg1, %mul3A_973 : i32
    %add3A_975 = arith.constant 112 : i32
    %add3A_976 = arith.addi %mul3A_974, %add3A_975 : i32
    %add3A_977 = arith.constant 2 : i32
    %add3A_978 = arith.addi %add3A_976, %add3A_977 : i32
    %shift_right_arithmetic3A_979 = arith.constant 3 : i32
    %shift_right_arithmetic3A_980 = vector.broadcast %shift_right_arithmetic3A_979 : i32 to vector<16xi32>
    %shift_right_arithmetic3A_981 = arith.shrsi %iota3A, %shift_right_arithmetic3A_980 : vector<16xi32>
    %add3A_982 = vector.broadcast %add3A_978 : i32 to vector<16xi32>
    %add3A_983 = arith.addi %add3A_982, %shift_right_arithmetic3A_981 : vector<16xi32>
    %swap3A_984 = arith.constant 7 : i32
    %swap3A_985 = arith.index_cast %swap3A_984 : i32 to index
    %swap3A_986 = arith.constant 16 : index
    %swap3A_987 = tpu.vector_load %arg16[%swap3A_985, %swap3A_986] {strides = array<i32>} : memref<8x128xi32, #tpu.memory_space<vmem>>, vector<1x16xi32>,
    %swap3A_988 = vector.shape_cast %swap3A_987 : vector<1x16xi32> to vector<16xi32>
    %swap3A_989 = vector.shape_cast %add3A_983 : vector<16xi32> to vector<1x16xi32>
    tpu.vector_store %arg16[%swap3A_985, %swap3A_986], %swap3A_989 {strides = array<i32>} : memref<8x128xi32, #tpu.memory_space<vmem>>, vector<1x16xi32>,
    %mul3A_990 = arith.constant 128 : i32
    %mul3A_991 = arith.muli %arg1, %mul3A_990 : i32
    %add3A_992 = arith.constant 112 : i32
    %add3A_993 = arith.addi %mul3A_991, %add3A_992 : i32
    %add3A_994 = arith.constant 4 : i32
    %add3A_995 = arith.addi %add3A_993, %add3A_994 : i32
    %shift_right_arithmetic3A_996 = arith.constant 3 : i32
    %shift_right_arithmetic3A_997 = vector.broadcast %shift_right_arithmetic3A_996 : i32 to vector<16xi32>
    %shift_right_arithmetic3A_998 = arith.shrsi %iota3A, %shift_right_arithmetic3A_997 : vector<16xi32>
    %add3A_999 = vector.broadcast %add3A_995 : i32 to vector<16xi32>
    %add3A_1000 = arith.addi %add3A_999, %shift_right_arithmetic3A_998 : vector<16xi32>
    %swap3A_1001 = arith.constant 7 : i32
    %swap3A_1002 = arith.index_cast %swap3A_1001 : i32 to index
    %swap3A_1003 = arith.constant 32 : index
    %swap3A_1004 = tpu.vector_load %arg16[%swap3A_1002, %swap3A_1003] {strides = array<i32>} : memref<8x128xi32, #tpu.memory_space<vmem>>, vector<1x16xi32>,
    %swap3A_1005 = vector.shape_cast %swap3A_1004 : vector<1x16xi32> to vector<16xi32>
    %swap3A_1006 = vector.shape_cast %add3A_1000 : vector<16xi32> to vector<1x16xi32>
    tpu.vector_store %arg16[%swap3A_1002, %swap3A_1003], %swap3A_1006 {strides = array<i32>} : memref<8x128xi32, #tpu.memory_space<vmem>>, vector<1x16xi32>,
    %mul3A_1007 = arith.constant 128 : i32
    %mul3A_1008 = arith.muli %arg1, %mul3A_1007 : i32
    %add3A_1009 = arith.constant 112 : i32
    %add3A_1010 = arith.addi %mul3A_1008, %add3A_1009 : i32
    %add3A_1011 = arith.constant 6 : i32
    %add3A_1012 = arith.addi %add3A_1010, %add3A_1011 : i32
    %shift_right_arithmetic3A_1013 = arith.constant 3 : i32
    %shift_right_arithmetic3A_1014 = vector.broadcast %shift_right_arithmetic3A_1013 : i32 to vector<16xi32>
    %shift_right_arithmetic3A_1015 = arith.shrsi %iota3A, %shift_right_arithmetic3A_1014 : vector<16xi32>
    %add3A_1016 = vector.broadcast %add3A_1012 : i32 to vector<16xi32>
    %add3A_1017 = arith.addi %add3A_1016, %shift_right_arithmetic3A_1015 : vector<16xi32>
    %swap3A_1018 = arith.constant 7 : i32
    %swap3A_1019 = arith.index_cast %swap3A_1018 : i32 to index
    %swap3A_1020 = arith.constant 48 : index
    %swap3A_1021 = tpu.vector_load %arg16[%swap3A_1019, %swap3A_1020] {strides = array<i32>} : memref<8x128xi32, #tpu.memory_space<vmem>>, vector<1x16xi32>,
    %swap3A_1022 = vector.shape_cast %swap3A_1021 : vector<1x16xi32> to vector<16xi32>
    %swap3A_1023 = vector.shape_cast %add3A_1017 : vector<16xi32> to vector<1x16xi32>
    tpu.vector_store %arg16[%swap3A_1019, %swap3A_1020], %swap3A_1023 {strides = array<i32>} : memref<8x128xi32, #tpu.memory_space<vmem>>, vector<1x16xi32>,
    %mul3A_1024 = arith.constant 128 : i32
    %mul3A_1025 = arith.muli %arg1, %mul3A_1024 : i32
    %add3A_1026 = arith.constant 112 : i32
    %add3A_1027 = arith.addi %mul3A_1025, %add3A_1026 : i32
    %add3A_1028 = arith.constant 8 : i32
    %add3A_1029 = arith.addi %add3A_1027, %add3A_1028 : i32
    %shift_right_arithmetic3A_1030 = arith.constant 3 : i32
    %shift_right_arithmetic3A_1031 = vector.broadcast %shift_right_arithmetic3A_1030 : i32 to vector<16xi32>
    %shift_right_arithmetic3A_1032 = arith.shrsi %iota3A, %shift_right_arithmetic3A_1031 : vector<16xi32>
    %add3A_1033 = vector.broadcast %add3A_1029 : i32 to vector<16xi32>
    %add3A_1034 = arith.addi %add3A_1033, %shift_right_arithmetic3A_1032 : vector<16xi32>
    %swap3A_1035 = arith.constant 7 : i32
    %swap3A_1036 = arith.index_cast %swap3A_1035 : i32 to index
    %swap3A_1037 = arith.constant 64 : index
    %swap3A_1038 = tpu.vector_load %arg16[%swap3A_1036, %swap3A_1037] {strides = array<i32>} : memref<8x128xi32, #tpu.memory_space<vmem>>, vector<1x16xi32>,
    %swap3A_1039 = vector.shape_cast %swap3A_1038 : vector<1x16xi32> to vector<16xi32>
    %swap3A_1040 = vector.shape_cast %add3A_1034 : vector<16xi32> to vector<1x16xi32>
    tpu.vector_store %arg16[%swap3A_1036, %swap3A_1037], %swap3A_1040 {strides = array<i32>} : memref<8x128xi32, #tpu.memory_space<vmem>>, vector<1x16xi32>,
    %mul3A_1041 = arith.constant 128 : i32
    %mul3A_1042 = arith.muli %arg1, %mul3A_1041 : i32
    %add3A_1043 = arith.constant 112 : i32
    %add3A_1044 = arith.addi %mul3A_1042, %add3A_1043 : i32
    %add3A_1045 = arith.constant 10 : i32
    %add3A_1046 = arith.addi %add3A_1044, %add3A_1045 : i32
    %shift_right_arithmetic3A_1047 = arith.constant 3 : i32
    %shift_right_arithmetic3A_1048 = vector.broadcast %shift_right_arithmetic3A_1047 : i32 to vector<16xi32>
    %shift_right_arithmetic3A_1049 = arith.shrsi %iota3A, %shift_right_arithmetic3A_1048 : vector<16xi32>
    %add3A_1050 = vector.broadcast %add3A_1046 : i32 to vector<16xi32>
    %add3A_1051 = arith.addi %add3A_1050, %shift_right_arithmetic3A_1049 : vector<16xi32>
    %swap3A_1052 = arith.constant 7 : i32
    %swap3A_1053 = arith.index_cast %swap3A_1052 : i32 to index
    %swap3A_1054 = arith.constant 80 : index
    %swap3A_1055 = tpu.vector_load %arg16[%swap3A_1053, %swap3A_1054] {strides = array<i32>} : memref<8x128xi32, #tpu.memory_space<vmem>>, vector<1x16xi32>,
    %swap3A_1056 = vector.shape_cast %swap3A_1055 : vector<1x16xi32> to vector<16xi32>
    %swap3A_1057 = vector.shape_cast %add3A_1051 : vector<16xi32> to vector<1x16xi32>
    tpu.vector_store %arg16[%swap3A_1053, %swap3A_1054], %swap3A_1057 {strides = array<i32>} : memref<8x128xi32, #tpu.memory_space<vmem>>, vector<1x16xi32>,
    %mul3A_1058 = arith.constant 128 : i32
    %mul3A_1059 = arith.muli %arg1, %mul3A_1058 : i32
    %add3A_1060 = arith.constant 112 : i32
    %add3A_1061 = arith.addi %mul3A_1059, %add3A_1060 : i32
    %add3A_1062 = arith.constant 12 : i32
    %add3A_1063 = arith.addi %add3A_1061, %add3A_1062 : i32
    %shift_right_arithmetic3A_1064 = arith.constant 3 : i32
    %shift_right_arithmetic3A_1065 = vector.broadcast %shift_right_arithmetic3A_1064 : i32 to vector<16xi32>
    %shift_right_arithmetic3A_1066 = arith.shrsi %iota3A, %shift_right_arithmetic3A_1065 : vector<16xi32>
    %add3A_1067 = vector.broadcast %add3A_1063 : i32 to vector<16xi32>
    %add3A_1068 = arith.addi %add3A_1067, %shift_right_arithmetic3A_1066 : vector<16xi32>
    %swap3A_1069 = arith.constant 7 : i32
    %swap3A_1070 = arith.index_cast %swap3A_1069 : i32 to index
    %swap3A_1071 = arith.constant 96 : index
    %swap3A_1072 = tpu.vector_load %arg16[%swap3A_1070, %swap3A_1071] {strides = array<i32>} : memref<8x128xi32, #tpu.memory_space<vmem>>, vector<1x16xi32>,
    %swap3A_1073 = vector.shape_cast %swap3A_1072 : vector<1x16xi32> to vector<16xi32>
    %swap3A_1074 = vector.shape_cast %add3A_1068 : vector<16xi32> to vector<1x16xi32>
    tpu.vector_store %arg16[%swap3A_1070, %swap3A_1071], %swap3A_1074 {strides = array<i32>} : memref<8x128xi32, #tpu.memory_space<vmem>>, vector<1x16xi32>,
    %mul3A_1075 = arith.constant 128 : i32
    %mul3A_1076 = arith.muli %arg1, %mul3A_1075 : i32
    %add3A_1077 = arith.constant 112 : i32
    %add3A_1078 = arith.addi %mul3A_1076, %add3A_1077 : i32
    %add3A_1079 = arith.constant 14 : i32
    %add3A_1080 = arith.addi %add3A_1078, %add3A_1079 : i32
    %shift_right_arithmetic3A_1081 = arith.constant 3 : i32
    %shift_right_arithmetic3A_1082 = vector.broadcast %shift_right_arithmetic3A_1081 : i32 to vector<16xi32>
    %shift_right_arithmetic3A_1083 = arith.shrsi %iota3A, %shift_right_arithmetic3A_1082 : vector<16xi32>
    %add3A_1084 = vector.broadcast %add3A_1080 : i32 to vector<16xi32>
    %add3A_1085 = arith.addi %add3A_1084, %shift_right_arithmetic3A_1083 : vector<16xi32>
    %swap3A_1086 = arith.constant 7 : i32
    %swap3A_1087 = arith.index_cast %swap3A_1086 : i32 to index
    %swap3A_1088 = arith.constant 112 : index
    %swap3A_1089 = tpu.vector_load %arg16[%swap3A_1087, %swap3A_1088] {strides = array<i32>} : memref<8x128xi32, #tpu.memory_space<vmem>>, vector<1x16xi32>,
    %swap3A_1090 = vector.shape_cast %swap3A_1089 : vector<1x16xi32> to vector<16xi32>
    %swap3A_1091 = vector.shape_cast %add3A_1085 : vector<16xi32> to vector<1x16xi32>
    tpu.vector_store %arg16[%swap3A_1087, %swap3A_1088], %swap3A_1091 {strides = array<i32>} : memref<8x128xi32, #tpu.memory_space<vmem>>, vector<1x16xi32>,
    %scan3A_1092 = arith.constant 0 : i32
    %scan3A_1093 = arith.constant 13 : i32
    %scan3A_1094 = arith.addi %scan3A_1092, %scan3A_1093 : i32
    %scan3A_1095 = arith.constant 1 : i32
    scf.for %scan3A_1121 = %scan3A_1092 to %scan3A_1094 step %scan3A_1095  : i32 {
      %mul3A_1122 = arith.constant 1 : i32
      %mul3A_1123 = arith.muli %scan3A_1121, %mul3A_1122 : i32
      %add3A_1124 = arith.constant 0 : i32
      %add3A_1125 = arith.addi %add3A_1124, %mul3A_1123 : i32
      %mul3A_1126 = arith.constant 32 : i32
      %mul3A_1127 = arith.muli %add3A_1125, %mul3A_1126 : i32
      %add3A_1128 = arith.addi %mul3A_1127, %add3A : i32
      %lt3A = arith.constant 400 : i32
      %lt3A_1129 = arith.cmpi slt, %add3A_1128, %lt3A : i32
      %convert_element_type3A = arith.extui %lt3A_1129 : i1 to i32
      %cond3A = arith.constant 0 : i32
      %cond3A_1130 = arith.cmpi ne, %convert_element_type3A, %cond3A : i32
      scf.if %cond3A_1130 {
        %mul3A_1131 = arith.constant 128 : i32
        %mul3A_1132 = arith.muli %add3A_1128, %mul3A_1131 : i32
        %gt3A = arith.constant 0 : i32
        %gt3A_1133 = arith.cmpi sgt, %add3A_1125, %gt3A : i32
        %convert_element_type3A_1134 = arith.extui %gt3A_1133 : i1 to i32
        %cond3A_1135 = arith.constant 0 : i32
        %cond3A_1136 = arith.cmpi ne, %convert_element_type3A_1134, %cond3A_1135 : i32
        scf.if %cond3A_1136 {
          %mul3A_1580 = arith.constant 128 : i32
          %mul3A_1581 = arith.muli %arg1, %mul3A_1580 : i32
          %dma_wait3A_1582 = arith.constant 64 : i32
          %dma_wait3A_1583 = tpu.memref_slice %arg10[%mul3A_1132, %dma_wait3A_1582] : memref<51200x128xf32, #tpu.memory_space<hbm>> -> memref<128x64xf32, #tpu.memory_space<hbm>>
          %dma_wait3A_1584 = arith.constant 0 : i32
          %dma_wait3A_1585 = tpu.memref_slice %arg22[%mul3A_1581, %dma_wait3A_1584] : memref<2048x64xf32, #tpu.memory_space<vmem_shared>> -> memref<128x64xf32, #tpu.memory_space<vmem_shared>>
          tpu.wait_dma2 semaphore(%arg29 : memref<!tpu.dma_semaphore, #tpu.memory_space<semaphore_mem>>) src(%dma_wait3A_1585 : memref<128x64xf32, #tpu.memory_space<vmem_shared>>) dst(%dma_wait3A_1583 : memref<128x64xf32, #tpu.memory_space<hbm>>)
          %dma_wait3A_1586 = arith.constant 0 : i32
          %dma_wait3A_1587 = tpu.memref_slice %arg10[%mul3A_1132, %dma_wait3A_1586] : memref<51200x128xf32, #tpu.memory_space<hbm>> -> memref<128x64xf32, #tpu.memory_space<hbm>>
          %dma_wait3A_1588 = arith.constant 0 : i32
          %dma_wait3A_1589 = tpu.memref_slice %arg10[%mul3A_1132, %dma_wait3A_1588] : memref<51200x128xf32, #tpu.memory_space<hbm>> -> memref<128x64xf32, #tpu.memory_space<hbm>>
          tpu.wait_dma2 semaphore(%arg26 : memref<!tpu.dma_semaphore, #tpu.memory_space<semaphore_mem>>) src(%arg17 : memref<128x64xf32, #tpu.memory_space<vmem>>) dst(%dma_wait3A_1589 : memref<128x64xf32, #tpu.memory_space<hbm>>)
          %mul3A_1590 = arith.constant 384 : i32
          %mul3A_1591 = arith.muli %add3A_1128, %mul3A_1590 : i32
          %dma_wait3A_1592 = arith.constant 0 : i32
          %dma_wait3A_1593 = tpu.memref_slice %arg11[%mul3A_1591, %dma_wait3A_1592] : memref<153600x128xf32, #tpu.memory_space<hbm>> -> memref<384x64xf32, #tpu.memory_space<hbm>>
          %dma_wait3A_1594 = arith.constant 0 : i32
          %dma_wait3A_1595 = tpu.memref_slice %arg11[%mul3A_1591, %dma_wait3A_1594] : memref<153600x128xf32, #tpu.memory_space<hbm>> -> memref<384x64xf32, #tpu.memory_space<hbm>>
          tpu.wait_dma2 semaphore(%arg27 : memref<!tpu.dma_semaphore, #tpu.memory_space<semaphore_mem>>) src(%arg19 : memref<384x64xf32, #tpu.memory_space<vmem>>) dst(%dma_wait3A_1595 : memref<384x64xf32, #tpu.memory_space<hbm>>)
          %mul3A_1596 = arith.constant 384 : i32
          %mul3A_1597 = arith.muli %add3A_1128, %mul3A_1596 : i32
          %dma_wait3A_1598 = arith.constant 64 : i32
          %dma_wait3A_1599 = tpu.memref_slice %arg11[%mul3A_1597, %dma_wait3A_1598] : memref<153600x128xf32, #tpu.memory_space<hbm>> -> memref<384x32xf32, #tpu.memory_space<hbm>>
          %dma_wait3A_1600 = arith.constant 64 : i32
          %dma_wait3A_1601 = tpu.memref_slice %arg11[%mul3A_1597, %dma_wait3A_1600] : memref<153600x128xf32, #tpu.memory_space<hbm>> -> memref<384x32xf32, #tpu.memory_space<hbm>>
          tpu.wait_dma2 semaphore(%arg28 : memref<!tpu.dma_semaphore, #tpu.memory_space<semaphore_mem>>) src(%arg20 : memref<384x32xf32, #tpu.memory_space<vmem>>) dst(%dma_wait3A_1601 : memref<384x32xf32, #tpu.memory_space<hbm>>)
        } else {
        }
        %dma_start3A = tpu.memref_slice %arg2[%mul3A_1132] : memref<51200xi32, #tpu.memory_space<hbm>> -> memref<128xi32, #tpu.memory_space<hbm>>
        %dma_start3A_1137 = tpu.memref_slice %arg2[%mul3A_1132] : memref<51200xi32, #tpu.memory_space<hbm>> -> memref<128xi32, #tpu.memory_space<hbm>>
        tpu.enqueue_dma source(%dma_start3A_1137 : memref<128xi32, #tpu.memory_space<hbm>>) target(%arg12 : memref<128xi32, #tpu.memory_space<vmem>>) target_semaphore(%arg23 : memref<!tpu.dma_semaphore, #tpu.memory_space<semaphore_mem>>)
        %mul3A_1138 = arith.constant 8 : i32
        %mul3A_1139 = arith.muli %mul3A_1132, %mul3A_1138 : i32
        %dma_start3A_1140 = tpu.memref_slice %arg3[%mul3A_1139] : memref<409600xi32, #tpu.memory_space<hbm>> -> memref<1024xi32, #tpu.memory_space<hbm>>
        %dma_start3A_1141 = tpu.memref_slice %arg3[%mul3A_1139] : memref<409600xi32, #tpu.memory_space<hbm>> -> memref<1024xi32, #tpu.memory_space<hbm>>
        tpu.enqueue_dma source(%dma_start3A_1141 : memref<1024xi32, #tpu.memory_space<hbm>>) target(%arg13 : memref<1024xi32, #tpu.memory_space<vmem>>) target_semaphore(%arg23 : memref<!tpu.dma_semaphore, #tpu.memory_space<semaphore_mem>>)
        %mul3A_1142 = arith.constant 3 : i32
        %mul3A_1143 = arith.muli %mul3A_1132, %mul3A_1142 : i32
        %dma_start3A_1144 = tpu.memref_slice %arg4[%mul3A_1143] : memref<153600xi32, #tpu.memory_space<hbm>> -> memref<384xi32, #tpu.memory_space<hbm>>
        %dma_start3A_1145 = tpu.memref_slice %arg4[%mul3A_1143] : memref<153600xi32, #tpu.memory_space<hbm>> -> memref<384xi32, #tpu.memory_space<hbm>>
        tpu.enqueue_dma source(%dma_start3A_1145 : memref<384xi32, #tpu.memory_space<hbm>>) target(%arg14 : memref<384xi32, #tpu.memory_space<vmem>>) target_semaphore(%arg23 : memref<!tpu.dma_semaphore, #tpu.memory_space<semaphore_mem>>)
        %mul3A_1146 = arith.constant 3 : i32
        %mul3A_1147 = arith.muli %mul3A_1132, %mul3A_1146 : i32
        %dma_start3A_1148 = tpu.memref_slice %arg5[%mul3A_1147] : memref<153600xi32, #tpu.memory_space<hbm>> -> memref<384xi32, #tpu.memory_space<hbm>>
        %dma_start3A_1149 = tpu.memref_slice %arg5[%mul3A_1147] : memref<153600xi32, #tpu.memory_space<hbm>> -> memref<384xi32, #tpu.memory_space<hbm>>
        tpu.enqueue_dma source(%dma_start3A_1149 : memref<384xi32, #tpu.memory_space<hbm>>) target(%arg15 : memref<384xi32, #tpu.memory_space<vmem>>) target_semaphore(%arg23 : memref<!tpu.dma_semaphore, #tpu.memory_space<semaphore_mem>>)
        %mul3A_1150 = arith.constant 128 : i32
        %mul3A_1151 = arith.muli %arg1, %mul3A_1150 : i32
        %dma_start3A_1152 = arith.constant 0 : i32
        %dma_start3A_1153 = tpu.memref_slice %arg22[%mul3A_1151, %dma_start3A_1152] : memref<2048x64xf32, #tpu.memory_space<vmem_shared>> -> memref<128x64xf32, #tpu.memory_space<vmem_shared>>
        %dma_start3A_1154 = arith.constant 0 : i32
        %dma_start3A_1155 = tpu.memref_slice %arg22[%mul3A_1151, %dma_start3A_1154] : memref<2048x64xf32, #tpu.memory_space<vmem_shared>> -> memref<128x64xf32, #tpu.memory_space<vmem_shared>>
        tpu.enqueue_dma source(%arg21 : memref<128x64xf32, #tpu.memory_space<vmem>>) target(%dma_start3A_1155 : memref<128x64xf32, #tpu.memory_space<vmem_shared>>) target_semaphore(%arg25 : memref<!tpu.dma_semaphore, #tpu.memory_space<semaphore_mem>>)
        %dma_wait3A_1156 = tpu.memref_slice %arg2[%mul3A_1132] : memref<51200xi32, #tpu.memory_space<hbm>> -> memref<128xi32, #tpu.memory_space<hbm>>
        %dma_wait3A_1157 = tpu.memref_slice %arg2[%mul3A_1132] : memref<51200xi32, #tpu.memory_space<hbm>> -> memref<128xi32, #tpu.memory_space<hbm>>
        tpu.wait_dma2 semaphore(%arg23 : memref<!tpu.dma_semaphore, #tpu.memory_space<semaphore_mem>>) src(%dma_wait3A_1157 : memref<128xi32, #tpu.memory_space<hbm>>) dst(%arg12 : memref<128xi32, #tpu.memory_space<vmem>>)
        %dma_wait3A_1158 = tpu.memref_slice %arg3[%mul3A_1139] : memref<409600xi32, #tpu.memory_space<hbm>> -> memref<1024xi32, #tpu.memory_space<hbm>>
        %dma_wait3A_1159 = tpu.memref_slice %arg3[%mul3A_1139] : memref<409600xi32, #tpu.memory_space<hbm>> -> memref<1024xi32, #tpu.memory_space<hbm>>
        tpu.wait_dma2 semaphore(%arg23 : memref<!tpu.dma_semaphore, #tpu.memory_space<semaphore_mem>>) src(%dma_wait3A_1159 : memref<1024xi32, #tpu.memory_space<hbm>>) dst(%arg13 : memref<1024xi32, #tpu.memory_space<vmem>>)
        %dma_wait3A_1160 = tpu.memref_slice %arg4[%mul3A_1143] : memref<153600xi32, #tpu.memory_space<hbm>> -> memref<384xi32, #tpu.memory_space<hbm>>
        %dma_wait3A_1161 = tpu.memref_slice %arg4[%mul3A_1143] : memref<153600xi32, #tpu.memory_space<hbm>> -> memref<384xi32, #tpu.memory_space<hbm>>
        tpu.wait_dma2 semaphore(%arg23 : memref<!tpu.dma_semaphore, #tpu.memory_space<semaphore_mem>>) src(%dma_wait3A_1161 : memref<384xi32, #tpu.memory_space<hbm>>) dst(%arg14 : memref<384xi32, #tpu.memory_space<vmem>>)
        %dma_wait3A_1162 = tpu.memref_slice %arg5[%mul3A_1147] : memref<153600xi32, #tpu.memory_space<hbm>> -> memref<384xi32, #tpu.memory_space<hbm>>
        %dma_wait3A_1163 = tpu.memref_slice %arg5[%mul3A_1147] : memref<153600xi32, #tpu.memory_space<hbm>> -> memref<384xi32, #tpu.memory_space<hbm>>
        tpu.wait_dma2 semaphore(%arg23 : memref<!tpu.dma_semaphore, #tpu.memory_space<semaphore_mem>>) src(%dma_wait3A_1163 : memref<384xi32, #tpu.memory_space<hbm>>) dst(%arg15 : memref<384xi32, #tpu.memory_space<vmem>>)
        %dma_start3A_1164 = arith.constant 0 : i32
        %dma_start3A_1165 = arith.constant 0 : i32
        %dma_start3A_1166 = tpu.memref_slice %arg18[%dma_start3A_1164, %dma_start3A_1165] : memref<1024x64xf32, #tpu.memory_space<vmem>> -> memref<128x64xf32, #tpu.memory_space<vmem>>
        %dma_start3A_1167 = arith.constant 0 : i32
        %dma_start3A_1168 = tpu.memref_slice %arg13[%dma_start3A_1167] : memref<1024xi32, #tpu.memory_space<vmem>> -> memref<128xi32, #tpu.memory_space<vmem>>
        %dma_start3A_1169 = arith.constant 0 : i32
        %dma_start3A_1170 = arith.constant 0 : i32
        %dma_start3A_1171 = tpu.memref_slice %arg7[%dma_start3A_1169, %dma_start3A_1170] : memref<100000x64xf32, #tpu.memory_space<hbm>> -> memref<100000x64xf32, #tpu.memory_space<hbm>>
        tpu.enqueue_indirect_dma source(%dma_start3A_1171 : memref<100000x64xf32, #tpu.memory_space<hbm>>) target(%dma_start3A_1166 : memref<128x64xf32, #tpu.memory_space<vmem>>) offsets(%dma_start3A_1168 : memref<128xi32, #tpu.memory_space<vmem>>) semaphore(%arg30 : memref<!tpu.dma_semaphore, #tpu.memory_space<semaphore_mem>>)
        %dma_start3A_1172 = arith.constant 128 : i32
        %dma_start3A_1173 = arith.constant 0 : i32
        %dma_start3A_1174 = tpu.memref_slice %arg18[%dma_start3A_1172, %dma_start3A_1173] : memref<1024x64xf32, #tpu.memory_space<vmem>> -> memref<128x64xf32, #tpu.memory_space<vmem>>
        %dma_start3A_1175 = arith.constant 128 : i32
        %dma_start3A_1176 = tpu.memref_slice %arg13[%dma_start3A_1175] : memref<1024xi32, #tpu.memory_space<vmem>> -> memref<128xi32, #tpu.memory_space<vmem>>
        %dma_start3A_1177 = arith.constant 0 : i32
        %dma_start3A_1178 = arith.constant 0 : i32
        %dma_start3A_1179 = tpu.memref_slice %arg7[%dma_start3A_1177, %dma_start3A_1178] : memref<100000x64xf32, #tpu.memory_space<hbm>> -> memref<100000x64xf32, #tpu.memory_space<hbm>>
        tpu.enqueue_indirect_dma source(%dma_start3A_1179 : memref<100000x64xf32, #tpu.memory_space<hbm>>) target(%dma_start3A_1174 : memref<128x64xf32, #tpu.memory_space<vmem>>) offsets(%dma_start3A_1176 : memref<128xi32, #tpu.memory_space<vmem>>) semaphore(%arg31 : memref<!tpu.dma_semaphore, #tpu.memory_space<semaphore_mem>>)
        %dma_start3A_1180 = arith.constant 256 : i32
        %dma_start3A_1181 = arith.constant 0 : i32
        %dma_start3A_1182 = tpu.memref_slice %arg18[%dma_start3A_1180, %dma_start3A_1181] : memref<1024x64xf32, #tpu.memory_space<vmem>> -> memref<128x64xf32, #tpu.memory_space<vmem>>
        %dma_start3A_1183 = arith.constant 256 : i32
        %dma_start3A_1184 = tpu.memref_slice %arg13[%dma_start3A_1183] : memref<1024xi32, #tpu.memory_space<vmem>> -> memref<128xi32, #tpu.memory_space<vmem>>
        %dma_start3A_1185 = arith.constant 0 : i32
        %dma_start3A_1186 = arith.constant 0 : i32
        %dma_start3A_1187 = tpu.memref_slice %arg7[%dma_start3A_1185, %dma_start3A_1186] : memref<100000x64xf32, #tpu.memory_space<hbm>> -> memref<100000x64xf32, #tpu.memory_space<hbm>>
        tpu.enqueue_indirect_dma source(%dma_start3A_1187 : memref<100000x64xf32, #tpu.memory_space<hbm>>) target(%dma_start3A_1182 : memref<128x64xf32, #tpu.memory_space<vmem>>) offsets(%dma_start3A_1184 : memref<128xi32, #tpu.memory_space<vmem>>) semaphore(%arg32 : memref<!tpu.dma_semaphore, #tpu.memory_space<semaphore_mem>>)
        %dma_start3A_1188 = arith.constant 384 : i32
        %dma_start3A_1189 = arith.constant 0 : i32
        %dma_start3A_1190 = tpu.memref_slice %arg18[%dma_start3A_1188, %dma_start3A_1189] : memref<1024x64xf32, #tpu.memory_space<vmem>> -> memref<128x64xf32, #tpu.memory_space<vmem>>
        %dma_start3A_1191 = arith.constant 384 : i32
        %dma_start3A_1192 = tpu.memref_slice %arg13[%dma_start3A_1191] : memref<1024xi32, #tpu.memory_space<vmem>> -> memref<128xi32, #tpu.memory_space<vmem>>
        %dma_start3A_1193 = arith.constant 0 : i32
        %dma_start3A_1194 = arith.constant 0 : i32
        %dma_start3A_1195 = tpu.memref_slice %arg7[%dma_start3A_1193, %dma_start3A_1194] : memref<100000x64xf32, #tpu.memory_space<hbm>> -> memref<100000x64xf32, #tpu.memory_space<hbm>>
        tpu.enqueue_indirect_dma source(%dma_start3A_1195 : memref<100000x64xf32, #tpu.memory_space<hbm>>) target(%dma_start3A_1190 : memref<128x64xf32, #tpu.memory_space<vmem>>) offsets(%dma_start3A_1192 : memref<128xi32, #tpu.memory_space<vmem>>) semaphore(%arg33 : memref<!tpu.dma_semaphore, #tpu.memory_space<semaphore_mem>>)
        %dma_start3A_1196 = arith.constant 512 : i32
        %dma_start3A_1197 = arith.constant 0 : i32
        %dma_start3A_1198 = tpu.memref_slice %arg18[%dma_start3A_1196, %dma_start3A_1197] : memref<1024x64xf32, #tpu.memory_space<vmem>> -> memref<128x64xf32, #tpu.memory_space<vmem>>
        %dma_start3A_1199 = arith.constant 512 : i32
        %dma_start3A_1200 = tpu.memref_slice %arg13[%dma_start3A_1199] : memref<1024xi32, #tpu.memory_space<vmem>> -> memref<128xi32, #tpu.memory_space<vmem>>
        %dma_start3A_1201 = arith.constant 0 : i32
        %dma_start3A_1202 = arith.constant 0 : i32
        %dma_start3A_1203 = tpu.memref_slice %arg7[%dma_start3A_1201, %dma_start3A_1202] : memref<100000x64xf32, #tpu.memory_space<hbm>> -> memref<100000x64xf32, #tpu.memory_space<hbm>>
        tpu.enqueue_indirect_dma source(%dma_start3A_1203 : memref<100000x64xf32, #tpu.memory_space<hbm>>) target(%dma_start3A_1198 : memref<128x64xf32, #tpu.memory_space<vmem>>) offsets(%dma_start3A_1200 : memref<128xi32, #tpu.memory_space<vmem>>) semaphore(%arg34 : memref<!tpu.dma_semaphore, #tpu.memory_space<semaphore_mem>>)
        %dma_start3A_1204 = arith.constant 640 : i32
        %dma_start3A_1205 = arith.constant 0 : i32
        %dma_start3A_1206 = tpu.memref_slice %arg18[%dma_start3A_1204, %dma_start3A_1205] : memref<1024x64xf32, #tpu.memory_space<vmem>> -> memref<128x64xf32, #tpu.memory_space<vmem>>
        %dma_start3A_1207 = arith.constant 640 : i32
        %dma_start3A_1208 = tpu.memref_slice %arg13[%dma_start3A_1207] : memref<1024xi32, #tpu.memory_space<vmem>> -> memref<128xi32, #tpu.memory_space<vmem>>
        %dma_start3A_1209 = arith.constant 0 : i32
        %dma_start3A_1210 = arith.constant 0 : i32
        %dma_start3A_1211 = tpu.memref_slice %arg7[%dma_start3A_1209, %dma_start3A_1210] : memref<100000x64xf32, #tpu.memory_space<hbm>> -> memref<100000x64xf32, #tpu.memory_space<hbm>>
        tpu.enqueue_indirect_dma source(%dma_start3A_1211 : memref<100000x64xf32, #tpu.memory_space<hbm>>) target(%dma_start3A_1206 : memref<128x64xf32, #tpu.memory_space<vmem>>) offsets(%dma_start3A_1208 : memref<128xi32, #tpu.memory_space<vmem>>) semaphore(%arg35 : memref<!tpu.dma_semaphore, #tpu.memory_space<semaphore_mem>>)
        %dma_start3A_1212 = arith.constant 768 : i32
        %dma_start3A_1213 = arith.constant 0 : i32
        %dma_start3A_1214 = tpu.memref_slice %arg18[%dma_start3A_1212, %dma_start3A_1213] : memref<1024x64xf32, #tpu.memory_space<vmem>> -> memref<128x64xf32, #tpu.memory_space<vmem>>
        %dma_start3A_1215 = arith.constant 768 : i32
        %dma_start3A_1216 = tpu.memref_slice %arg13[%dma_start3A_1215] : memref<1024xi32, #tpu.memory_space<vmem>> -> memref<128xi32, #tpu.memory_space<vmem>>
        %dma_start3A_1217 = arith.constant 0 : i32
        %dma_start3A_1218 = arith.constant 0 : i32
        %dma_start3A_1219 = tpu.memref_slice %arg7[%dma_start3A_1217, %dma_start3A_1218] : memref<100000x64xf32, #tpu.memory_space<hbm>> -> memref<100000x64xf32, #tpu.memory_space<hbm>>
        tpu.enqueue_indirect_dma source(%dma_start3A_1219 : memref<100000x64xf32, #tpu.memory_space<hbm>>) target(%dma_start3A_1214 : memref<128x64xf32, #tpu.memory_space<vmem>>) offsets(%dma_start3A_1216 : memref<128xi32, #tpu.memory_space<vmem>>) semaphore(%arg36 : memref<!tpu.dma_semaphore, #tpu.memory_space<semaphore_mem>>)
        %dma_start3A_1220 = arith.constant 896 : i32
        %dma_start3A_1221 = arith.constant 0 : i32
        %dma_start3A_1222 = tpu.memref_slice %arg18[%dma_start3A_1220, %dma_start3A_1221] : memref<1024x64xf32, #tpu.memory_space<vmem>> -> memref<128x64xf32, #tpu.memory_space<vmem>>
        %dma_start3A_1223 = arith.constant 896 : i32
        %dma_start3A_1224 = tpu.memref_slice %arg13[%dma_start3A_1223] : memref<1024xi32, #tpu.memory_space<vmem>> -> memref<128xi32, #tpu.memory_space<vmem>>
        %dma_start3A_1225 = arith.constant 0 : i32
        %dma_start3A_1226 = arith.constant 0 : i32
        %dma_start3A_1227 = tpu.memref_slice %arg7[%dma_start3A_1225, %dma_start3A_1226] : memref<100000x64xf32, #tpu.memory_space<hbm>> -> memref<100000x64xf32, #tpu.memory_space<hbm>>
        tpu.enqueue_indirect_dma source(%dma_start3A_1227 : memref<100000x64xf32, #tpu.memory_space<hbm>>) target(%dma_start3A_1222 : memref<128x64xf32, #tpu.memory_space<vmem>>) offsets(%dma_start3A_1224 : memref<128xi32, #tpu.memory_space<vmem>>) semaphore(%arg37 : memref<!tpu.dma_semaphore, #tpu.memory_space<semaphore_mem>>)
        %dma_start3A_1228 = arith.constant 0 : i32
        %dma_start3A_1229 = arith.constant 0 : i32
        %dma_start3A_1230 = tpu.memref_slice %arg6[%dma_start3A_1228, %dma_start3A_1229] : memref<100000x64xf32, #tpu.memory_space<hbm>> -> memref<100000x64xf32, #tpu.memory_space<hbm>>
        tpu.enqueue_indirect_dma source(%dma_start3A_1230 : memref<100000x64xf32, #tpu.memory_space<hbm>>) target(%arg17 : memref<128x64xf32, #tpu.memory_space<vmem>>) offsets(%arg12 : memref<128xi32, #tpu.memory_space<vmem>>) semaphore(%arg24 : memref<!tpu.dma_semaphore, #tpu.memory_space<semaphore_mem>>)
        %dma_start3A_1231 = arith.constant 0 : i32
        %dma_start3A_1232 = arith.constant 0 : i32
        %dma_start3A_1233 = tpu.memref_slice %arg19[%dma_start3A_1231, %dma_start3A_1232] : memref<384x64xf32, #tpu.memory_space<vmem>> -> memref<128x64xf32, #tpu.memory_space<vmem>>
        %dma_start3A_1234 = arith.constant 0 : i32
        %dma_start3A_1235 = tpu.memref_slice %arg14[%dma_start3A_1234] : memref<384xi32, #tpu.memory_space<vmem>> -> memref<128xi32, #tpu.memory_space<vmem>>
        %dma_start3A_1236 = arith.constant 0 : i32
        %dma_start3A_1237 = arith.constant 0 : i32
        %dma_start3A_1238 = tpu.memref_slice %arg8[%dma_start3A_1236, %dma_start3A_1237] : memref<100000x64xf32, #tpu.memory_space<hbm>> -> memref<100000x64xf32, #tpu.memory_space<hbm>>
        tpu.enqueue_indirect_dma source(%dma_start3A_1238 : memref<100000x64xf32, #tpu.memory_space<hbm>>) target(%dma_start3A_1233 : memref<128x64xf32, #tpu.memory_space<vmem>>) offsets(%dma_start3A_1235 : memref<128xi32, #tpu.memory_space<vmem>>) semaphore(%arg24 : memref<!tpu.dma_semaphore, #tpu.memory_space<semaphore_mem>>)
        %dma_start3A_1239 = arith.constant 128 : i32
        %dma_start3A_1240 = arith.constant 0 : i32
        %dma_start3A_1241 = tpu.memref_slice %arg19[%dma_start3A_1239, %dma_start3A_1240] : memref<384x64xf32, #tpu.memory_space<vmem>> -> memref<128x64xf32, #tpu.memory_space<vmem>>
        %dma_start3A_1242 = arith.constant 128 : i32
        %dma_start3A_1243 = tpu.memref_slice %arg14[%dma_start3A_1242] : memref<384xi32, #tpu.memory_space<vmem>> -> memref<128xi32, #tpu.memory_space<vmem>>
        %dma_start3A_1244 = arith.constant 0 : i32
        %dma_start3A_1245 = arith.constant 0 : i32
        %dma_start3A_1246 = tpu.memref_slice %arg8[%dma_start3A_1244, %dma_start3A_1245] : memref<100000x64xf32, #tpu.memory_space<hbm>> -> memref<100000x64xf32, #tpu.memory_space<hbm>>
        tpu.enqueue_indirect_dma source(%dma_start3A_1246 : memref<100000x64xf32, #tpu.memory_space<hbm>>) target(%dma_start3A_1241 : memref<128x64xf32, #tpu.memory_space<vmem>>) offsets(%dma_start3A_1243 : memref<128xi32, #tpu.memory_space<vmem>>) semaphore(%arg24 : memref<!tpu.dma_semaphore, #tpu.memory_space<semaphore_mem>>)
        %dma_start3A_1247 = arith.constant 256 : i32
        %dma_start3A_1248 = arith.constant 0 : i32
        %dma_start3A_1249 = tpu.memref_slice %arg19[%dma_start3A_1247, %dma_start3A_1248] : memref<384x64xf32, #tpu.memory_space<vmem>> -> memref<128x64xf32, #tpu.memory_space<vmem>>
        %dma_start3A_1250 = arith.constant 256 : i32
        %dma_start3A_1251 = tpu.memref_slice %arg14[%dma_start3A_1250] : memref<384xi32, #tpu.memory_space<vmem>> -> memref<128xi32, #tpu.memory_space<vmem>>
        %dma_start3A_1252 = arith.constant 0 : i32
        %dma_start3A_1253 = arith.constant 0 : i32
        %dma_start3A_1254 = tpu.memref_slice %arg8[%dma_start3A_1252, %dma_start3A_1253] : memref<100000x64xf32, #tpu.memory_space<hbm>> -> memref<100000x64xf32, #tpu.memory_space<hbm>>
        tpu.enqueue_indirect_dma source(%dma_start3A_1254 : memref<100000x64xf32, #tpu.memory_space<hbm>>) target(%dma_start3A_1249 : memref<128x64xf32, #tpu.memory_space<vmem>>) offsets(%dma_start3A_1251 : memref<128xi32, #tpu.memory_space<vmem>>) semaphore(%arg24 : memref<!tpu.dma_semaphore, #tpu.memory_space<semaphore_mem>>)
        %dma_start3A_1255 = arith.constant 0 : i32
        %dma_start3A_1256 = arith.constant 0 : i32
        %dma_start3A_1257 = tpu.memref_slice %arg20[%dma_start3A_1255, %dma_start3A_1256] : memref<384x32xf32, #tpu.memory_space<vmem>> -> memref<128x32xf32, #tpu.memory_space<vmem>>
        %dma_start3A_1258 = arith.constant 0 : i32
        %dma_start3A_1259 = tpu.memref_slice %arg15[%dma_start3A_1258] : memref<384xi32, #tpu.memory_space<vmem>> -> memref<128xi32, #tpu.memory_space<vmem>>
        %dma_start3A_1260 = arith.constant 0 : i32
        %dma_start3A_1261 = arith.constant 0 : i32
        %dma_start3A_1262 = tpu.memref_slice %arg9[%dma_start3A_1260, %dma_start3A_1261] : memref<1000x32xf32, #tpu.memory_space<hbm>> -> memref<1000x32xf32, #tpu.memory_space<hbm>>
        tpu.enqueue_indirect_dma source(%dma_start3A_1262 : memref<1000x32xf32, #tpu.memory_space<hbm>>) target(%dma_start3A_1257 : memref<128x32xf32, #tpu.memory_space<vmem>>) offsets(%dma_start3A_1259 : memref<128xi32, #tpu.memory_space<vmem>>) semaphore(%arg24 : memref<!tpu.dma_semaphore, #tpu.memory_space<semaphore_mem>>)
        %dma_start3A_1263 = arith.constant 128 : i32
        %dma_start3A_1264 = arith.constant 0 : i32
        %dma_start3A_1265 = tpu.memref_slice %arg20[%dma_start3A_1263, %dma_start3A_1264] : memref<384x32xf32, #tpu.memory_space<vmem>> -> memref<128x32xf32, #tpu.memory_space<vmem>>
        %dma_start3A_1266 = arith.constant 128 : i32
        %dma_start3A_1267 = tpu.memref_slice %arg15[%dma_start3A_1266] : memref<384xi32, #tpu.memory_space<vmem>> -> memref<128xi32, #tpu.memory_space<vmem>>
        %dma_start3A_1268 = arith.constant 0 : i32
        %dma_start3A_1269 = arith.constant 0 : i32
        %dma_start3A_1270 = tpu.memref_slice %arg9[%dma_start3A_1268, %dma_start3A_1269] : memref<1000x32xf32, #tpu.memory_space<hbm>> -> memref<1000x32xf32, #tpu.memory_space<hbm>>
        tpu.enqueue_indirect_dma source(%dma_start3A_1270 : memref<1000x32xf32, #tpu.memory_space<hbm>>) target(%dma_start3A_1265 : memref<128x32xf32, #tpu.memory_space<vmem>>) offsets(%dma_start3A_1267 : memref<128xi32, #tpu.memory_space<vmem>>) semaphore(%arg24 : memref<!tpu.dma_semaphore, #tpu.memory_space<semaphore_mem>>)
        %dma_start3A_1271 = arith.constant 256 : i32
        %dma_start3A_1272 = arith.constant 0 : i32
        %dma_start3A_1273 = tpu.memref_slice %arg20[%dma_start3A_1271, %dma_start3A_1272] : memref<384x32xf32, #tpu.memory_space<vmem>> -> memref<128x32xf32, #tpu.memory_space<vmem>>
        %dma_start3A_1274 = arith.constant 256 : i32
        %dma_start3A_1275 = tpu.memref_slice %arg15[%dma_start3A_1274] : memref<384xi32, #tpu.memory_space<vmem>> -> memref<128xi32, #tpu.memory_space<vmem>>
        %dma_start3A_1276 = arith.constant 0 : i32
        %dma_start3A_1277 = arith.constant 0 : i32
        %dma_start3A_1278 = tpu.memref_slice %arg9[%dma_start3A_1276, %dma_start3A_1277] : memref<1000x32xf32, #tpu.memory_space<hbm>> -> memref<1000x32xf32, #tpu.memory_space<hbm>>
        tpu.enqueue_indirect_dma source(%dma_start3A_1278 : memref<1000x32xf32, #tpu.memory_space<hbm>>) target(%dma_start3A_1273 : memref<128x32xf32, #tpu.memory_space<vmem>>) offsets(%dma_start3A_1275 : memref<128xi32, #tpu.memory_space<vmem>>) semaphore(%arg24 : memref<!tpu.dma_semaphore, #tpu.memory_space<semaphore_mem>>)
        %dma_wait3A_1279 = arith.constant 0 : i32
        %dma_wait3A_1280 = tpu.memref_slice %arg22[%mul3A_1151, %dma_wait3A_1279] : memref<2048x64xf32, #tpu.memory_space<vmem_shared>> -> memref<128x64xf32, #tpu.memory_space<vmem_shared>>
        %dma_wait3A_1281 = arith.constant 0 : i32
        %dma_wait3A_1282 = tpu.memref_slice %arg22[%mul3A_1151, %dma_wait3A_1281] : memref<2048x64xf32, #tpu.memory_space<vmem_shared>> -> memref<128x64xf32, #tpu.memory_space<vmem_shared>>
        tpu.wait_dma2 semaphore(%arg25 : memref<!tpu.dma_semaphore, #tpu.memory_space<semaphore_mem>>) src(%arg21 : memref<128x64xf32, #tpu.memory_space<vmem>>) dst(%dma_wait3A_1282 : memref<128x64xf32, #tpu.memory_space<vmem_shared>>)
        %dma_wait3A_1283 = arith.constant 0 : i32
        %dma_wait3A_1284 = arith.constant 0 : i32
        %dma_wait3A_1285 = tpu.memref_slice %arg18[%dma_wait3A_1283, %dma_wait3A_1284] : memref<1024x64xf32, #tpu.memory_space<vmem>> -> memref<128x64xf32, #tpu.memory_space<vmem>>
        %dma_wait3A_1286 = arith.constant 0 : i32
        %dma_wait3A_1287 = tpu.memref_slice %arg13[%dma_wait3A_1286] : memref<1024xi32, #tpu.memory_space<vmem>> -> memref<128xi32, #tpu.memory_space<vmem>>
        %dma_wait3A_1288 = arith.constant 0 : i32
        %dma_wait3A_1289 = arith.constant 0 : i32
        %dma_wait3A_1290 = tpu.memref_slice %arg7[%dma_wait3A_1288, %dma_wait3A_1289] : memref<100000x64xf32, #tpu.memory_space<hbm>> -> memref<100000x64xf32, #tpu.memory_space<hbm>>
        tpu.wait_indirect_dma semaphore(%arg30 : memref<!tpu.dma_semaphore, #tpu.memory_space<semaphore_mem>>) src(%dma_wait3A_1290 : memref<100000x64xf32, #tpu.memory_space<hbm>>) dst(%dma_wait3A_1285 : memref<128x64xf32, #tpu.memory_space<vmem>>)
        %dma_start3A_1291 = arith.constant 0 : i32
        %dma_start3A_1292 = arith.constant 0 : i32
        %dma_start3A_1293 = arith.constant 0 : i32
        %dma_start3A_1294 = tpu.memref_slice %arg18[%dma_start3A_1292, %dma_start3A_1293] : memref<1024x64xf32, #tpu.memory_space<vmem>> -> memref<128x64xf32, #tpu.memory_space<vmem>>
        %dma_start3A_1295 = arith.constant 0 : i32
        %dma_start3A_1296 = tpu.memref_slice %arg16[%dma_start3A_1291, %dma_start3A_1295] : memref<8x128xi32, #tpu.memory_space<vmem>> -> memref<1x128xi32, #tpu.memory_space<vmem>>
        %dma_start3A_1297 = tpu.memref_squeeze %dma_start3A_1296 : memref<1x128xi32, #tpu.memory_space<vmem>> -> memref<128xi32, #tpu.memory_space<vmem>>
        %dma_start3A_1298 = arith.constant 0 : i32
        %dma_start3A_1299 = arith.constant 0 : i32
        %dma_start3A_1300 = tpu.memref_slice %arg22[%dma_start3A_1298, %dma_start3A_1299] : memref<2048x64xf32, #tpu.memory_space<vmem_shared>> -> memref<2048x64xf32, #tpu.memory_space<vmem_shared>>
        tpu.enqueue_indirect_dma source(%dma_start3A_1294 : memref<128x64xf32, #tpu.memory_space<vmem>>) target(%dma_start3A_1300 : memref<2048x64xf32, #tpu.memory_space<vmem_shared>>) offsets(%dma_start3A_1297 : memref<128xi32, #tpu.memory_space<vmem>>) semaphore(%arg25 : memref<!tpu.dma_semaphore, #tpu.memory_space<semaphore_mem>>) {add = true}
        %dma_wait3A_1301 = arith.constant 128 : i32
        %dma_wait3A_1302 = arith.constant 0 : i32
        %dma_wait3A_1303 = tpu.memref_slice %arg18[%dma_wait3A_1301, %dma_wait3A_1302] : memref<1024x64xf32, #tpu.memory_space<vmem>> -> memref<128x64xf32, #tpu.memory_space<vmem>>
        %dma_wait3A_1304 = arith.constant 128 : i32
        %dma_wait3A_1305 = tpu.memref_slice %arg13[%dma_wait3A_1304] : memref<1024xi32, #tpu.memory_space<vmem>> -> memref<128xi32, #tpu.memory_space<vmem>>
        %dma_wait3A_1306 = arith.constant 0 : i32
        %dma_wait3A_1307 = arith.constant 0 : i32
        %dma_wait3A_1308 = tpu.memref_slice %arg7[%dma_wait3A_1306, %dma_wait3A_1307] : memref<100000x64xf32, #tpu.memory_space<hbm>> -> memref<100000x64xf32, #tpu.memory_space<hbm>>
        tpu.wait_indirect_dma semaphore(%arg31 : memref<!tpu.dma_semaphore, #tpu.memory_space<semaphore_mem>>) src(%dma_wait3A_1308 : memref<100000x64xf32, #tpu.memory_space<hbm>>) dst(%dma_wait3A_1303 : memref<128x64xf32, #tpu.memory_space<vmem>>)
        %dma_start3A_1309 = arith.constant 1 : i32
        %dma_start3A_1310 = arith.constant 128 : i32
        %dma_start3A_1311 = arith.constant 0 : i32
        %dma_start3A_1312 = tpu.memref_slice %arg18[%dma_start3A_1310, %dma_start3A_1311] : memref<1024x64xf32, #tpu.memory_space<vmem>> -> memref<128x64xf32, #tpu.memory_space<vmem>>
        %dma_start3A_1313 = arith.constant 0 : i32
        %dma_start3A_1314 = tpu.memref_slice %arg16[%dma_start3A_1309, %dma_start3A_1313] : memref<8x128xi32, #tpu.memory_space<vmem>> -> memref<1x128xi32, #tpu.memory_space<vmem>>
        %dma_start3A_1315 = tpu.memref_squeeze %dma_start3A_1314 : memref<1x128xi32, #tpu.memory_space<vmem>> -> memref<128xi32, #tpu.memory_space<vmem>>
        %dma_start3A_1316 = arith.constant 0 : i32
        %dma_start3A_1317 = arith.constant 0 : i32
        %dma_start3A_1318 = tpu.memref_slice %arg22[%dma_start3A_1316, %dma_start3A_1317] : memref<2048x64xf32, #tpu.memory_space<vmem_shared>> -> memref<2048x64xf32, #tpu.memory_space<vmem_shared>>
        tpu.enqueue_indirect_dma source(%dma_start3A_1312 : memref<128x64xf32, #tpu.memory_space<vmem>>) target(%dma_start3A_1318 : memref<2048x64xf32, #tpu.memory_space<vmem_shared>>) offsets(%dma_start3A_1315 : memref<128xi32, #tpu.memory_space<vmem>>) semaphore(%arg25 : memref<!tpu.dma_semaphore, #tpu.memory_space<semaphore_mem>>) {add = true}
        %dma_wait3A_1319 = arith.constant 256 : i32
        %dma_wait3A_1320 = arith.constant 0 : i32
        %dma_wait3A_1321 = tpu.memref_slice %arg18[%dma_wait3A_1319, %dma_wait3A_1320] : memref<1024x64xf32, #tpu.memory_space<vmem>> -> memref<128x64xf32, #tpu.memory_space<vmem>>
        %dma_wait3A_1322 = arith.constant 256 : i32
        %dma_wait3A_1323 = tpu.memref_slice %arg13[%dma_wait3A_1322] : memref<1024xi32, #tpu.memory_space<vmem>> -> memref<128xi32, #tpu.memory_space<vmem>>
        %dma_wait3A_1324 = arith.constant 0 : i32
        %dma_wait3A_1325 = arith.constant 0 : i32
        %dma_wait3A_1326 = tpu.memref_slice %arg7[%dma_wait3A_1324, %dma_wait3A_1325] : memref<100000x64xf32, #tpu.memory_space<hbm>> -> memref<100000x64xf32, #tpu.memory_space<hbm>>
        tpu.wait_indirect_dma semaphore(%arg32 : memref<!tpu.dma_semaphore, #tpu.memory_space<semaphore_mem>>) src(%dma_wait3A_1326 : memref<100000x64xf32, #tpu.memory_space<hbm>>) dst(%dma_wait3A_1321 : memref<128x64xf32, #tpu.memory_space<vmem>>)
        %dma_start3A_1327 = arith.constant 2 : i32
        %dma_start3A_1328 = arith.constant 256 : i32
        %dma_start3A_1329 = arith.constant 0 : i32
        %dma_start3A_1330 = tpu.memref_slice %arg18[%dma_start3A_1328, %dma_start3A_1329] : memref<1024x64xf32, #tpu.memory_space<vmem>> -> memref<128x64xf32, #tpu.memory_space<vmem>>
        %dma_start3A_1331 = arith.constant 0 : i32
        %dma_start3A_1332 = tpu.memref_slice %arg16[%dma_start3A_1327, %dma_start3A_1331] : memref<8x128xi32, #tpu.memory_space<vmem>> -> memref<1x128xi32, #tpu.memory_space<vmem>>
        %dma_start3A_1333 = tpu.memref_squeeze %dma_start3A_1332 : memref<1x128xi32, #tpu.memory_space<vmem>> -> memref<128xi32, #tpu.memory_space<vmem>>
        %dma_start3A_1334 = arith.constant 0 : i32
        %dma_start3A_1335 = arith.constant 0 : i32
        %dma_start3A_1336 = tpu.memref_slice %arg22[%dma_start3A_1334, %dma_start3A_1335] : memref<2048x64xf32, #tpu.memory_space<vmem_shared>> -> memref<2048x64xf32, #tpu.memory_space<vmem_shared>>
        tpu.enqueue_indirect_dma source(%dma_start3A_1330 : memref<128x64xf32, #tpu.memory_space<vmem>>) target(%dma_start3A_1336 : memref<2048x64xf32, #tpu.memory_space<vmem_shared>>) offsets(%dma_start3A_1333 : memref<128xi32, #tpu.memory_space<vmem>>) semaphore(%arg25 : memref<!tpu.dma_semaphore, #tpu.memory_space<semaphore_mem>>) {add = true}
        %dma_wait3A_1337 = arith.constant 384 : i32
        %dma_wait3A_1338 = arith.constant 0 : i32
        %dma_wait3A_1339 = tpu.memref_slice %arg18[%dma_wait3A_1337, %dma_wait3A_1338] : memref<1024x64xf32, #tpu.memory_space<vmem>> -> memref<128x64xf32, #tpu.memory_space<vmem>>
        %dma_wait3A_1340 = arith.constant 384 : i32
        %dma_wait3A_1341 = tpu.memref_slice %arg13[%dma_wait3A_1340] : memref<1024xi32, #tpu.memory_space<vmem>> -> memref<128xi32, #tpu.memory_space<vmem>>
        %dma_wait3A_1342 = arith.constant 0 : i32
        %dma_wait3A_1343 = arith.constant 0 : i32
        %dma_wait3A_1344 = tpu.memref_slice %arg7[%dma_wait3A_1342, %dma_wait3A_1343] : memref<100000x64xf32, #tpu.memory_space<hbm>> -> memref<100000x64xf32, #tpu.memory_space<hbm>>
        tpu.wait_indirect_dma semaphore(%arg33 : memref<!tpu.dma_semaphore, #tpu.memory_space<semaphore_mem>>) src(%dma_wait3A_1344 : memref<100000x64xf32, #tpu.memory_space<hbm>>) dst(%dma_wait3A_1339 : memref<128x64xf32, #tpu.memory_space<vmem>>)
        %dma_start3A_1345 = arith.constant 3 : i32
        %dma_start3A_1346 = arith.constant 384 : i32
        %dma_start3A_1347 = arith.constant 0 : i32
        %dma_start3A_1348 = tpu.memref_slice %arg18[%dma_start3A_1346, %dma_start3A_1347] : memref<1024x64xf32, #tpu.memory_space<vmem>> -> memref<128x64xf32, #tpu.memory_space<vmem>>
        %dma_start3A_1349 = arith.constant 0 : i32
        %dma_start3A_1350 = tpu.memref_slice %arg16[%dma_start3A_1345, %dma_start3A_1349] : memref<8x128xi32, #tpu.memory_space<vmem>> -> memref<1x128xi32, #tpu.memory_space<vmem>>
        %dma_start3A_1351 = tpu.memref_squeeze %dma_start3A_1350 : memref<1x128xi32, #tpu.memory_space<vmem>> -> memref<128xi32, #tpu.memory_space<vmem>>
        %dma_start3A_1352 = arith.constant 0 : i32
        %dma_start3A_1353 = arith.constant 0 : i32
        %dma_start3A_1354 = tpu.memref_slice %arg22[%dma_start3A_1352, %dma_start3A_1353] : memref<2048x64xf32, #tpu.memory_space<vmem_shared>> -> memref<2048x64xf32, #tpu.memory_space<vmem_shared>>
        tpu.enqueue_indirect_dma source(%dma_start3A_1348 : memref<128x64xf32, #tpu.memory_space<vmem>>) target(%dma_start3A_1354 : memref<2048x64xf32, #tpu.memory_space<vmem_shared>>) offsets(%dma_start3A_1351 : memref<128xi32, #tpu.memory_space<vmem>>) semaphore(%arg25 : memref<!tpu.dma_semaphore, #tpu.memory_space<semaphore_mem>>) {add = true}
        %dma_wait3A_1355 = arith.constant 512 : i32
        %dma_wait3A_1356 = arith.constant 0 : i32
        %dma_wait3A_1357 = tpu.memref_slice %arg18[%dma_wait3A_1355, %dma_wait3A_1356] : memref<1024x64xf32, #tpu.memory_space<vmem>> -> memref<128x64xf32, #tpu.memory_space<vmem>>
        %dma_wait3A_1358 = arith.constant 512 : i32
        %dma_wait3A_1359 = tpu.memref_slice %arg13[%dma_wait3A_1358] : memref<1024xi32, #tpu.memory_space<vmem>> -> memref<128xi32, #tpu.memory_space<vmem>>
        %dma_wait3A_1360 = arith.constant 0 : i32
        %dma_wait3A_1361 = arith.constant 0 : i32
        %dma_wait3A_1362 = tpu.memref_slice %arg7[%dma_wait3A_1360, %dma_wait3A_1361] : memref<100000x64xf32, #tpu.memory_space<hbm>> -> memref<100000x64xf32, #tpu.memory_space<hbm>>
        tpu.wait_indirect_dma semaphore(%arg34 : memref<!tpu.dma_semaphore, #tpu.memory_space<semaphore_mem>>) src(%dma_wait3A_1362 : memref<100000x64xf32, #tpu.memory_space<hbm>>) dst(%dma_wait3A_1357 : memref<128x64xf32, #tpu.memory_space<vmem>>)
        %dma_start3A_1363 = arith.constant 4 : i32
        %dma_start3A_1364 = arith.constant 512 : i32
        %dma_start3A_1365 = arith.constant 0 : i32
        %dma_start3A_1366 = tpu.memref_slice %arg18[%dma_start3A_1364, %dma_start3A_1365] : memref<1024x64xf32, #tpu.memory_space<vmem>> -> memref<128x64xf32, #tpu.memory_space<vmem>>
        %dma_start3A_1367 = arith.constant 0 : i32
        %dma_start3A_1368 = tpu.memref_slice %arg16[%dma_start3A_1363, %dma_start3A_1367] : memref<8x128xi32, #tpu.memory_space<vmem>> -> memref<1x128xi32, #tpu.memory_space<vmem>>
        %dma_start3A_1369 = tpu.memref_squeeze %dma_start3A_1368 : memref<1x128xi32, #tpu.memory_space<vmem>> -> memref<128xi32, #tpu.memory_space<vmem>>
        %dma_start3A_1370 = arith.constant 0 : i32
        %dma_start3A_1371 = arith.constant 0 : i32
        %dma_start3A_1372 = tpu.memref_slice %arg22[%dma_start3A_1370, %dma_start3A_1371] : memref<2048x64xf32, #tpu.memory_space<vmem_shared>> -> memref<2048x64xf32, #tpu.memory_space<vmem_shared>>
        tpu.enqueue_indirect_dma source(%dma_start3A_1366 : memref<128x64xf32, #tpu.memory_space<vmem>>) target(%dma_start3A_1372 : memref<2048x64xf32, #tpu.memory_space<vmem_shared>>) offsets(%dma_start3A_1369 : memref<128xi32, #tpu.memory_space<vmem>>) semaphore(%arg25 : memref<!tpu.dma_semaphore, #tpu.memory_space<semaphore_mem>>) {add = true}
        %dma_wait3A_1373 = arith.constant 640 : i32
        %dma_wait3A_1374 = arith.constant 0 : i32
        %dma_wait3A_1375 = tpu.memref_slice %arg18[%dma_wait3A_1373, %dma_wait3A_1374] : memref<1024x64xf32, #tpu.memory_space<vmem>> -> memref<128x64xf32, #tpu.memory_space<vmem>>
        %dma_wait3A_1376 = arith.constant 640 : i32
        %dma_wait3A_1377 = tpu.memref_slice %arg13[%dma_wait3A_1376] : memref<1024xi32, #tpu.memory_space<vmem>> -> memref<128xi32, #tpu.memory_space<vmem>>
        %dma_wait3A_1378 = arith.constant 0 : i32
        %dma_wait3A_1379 = arith.constant 0 : i32
        %dma_wait3A_1380 = tpu.memref_slice %arg7[%dma_wait3A_1378, %dma_wait3A_1379] : memref<100000x64xf32, #tpu.memory_space<hbm>> -> memref<100000x64xf32, #tpu.memory_space<hbm>>
        tpu.wait_indirect_dma semaphore(%arg35 : memref<!tpu.dma_semaphore, #tpu.memory_space<semaphore_mem>>) src(%dma_wait3A_1380 : memref<100000x64xf32, #tpu.memory_space<hbm>>) dst(%dma_wait3A_1375 : memref<128x64xf32, #tpu.memory_space<vmem>>)
        %dma_start3A_1381 = arith.constant 5 : i32
        %dma_start3A_1382 = arith.constant 640 : i32
        %dma_start3A_1383 = arith.constant 0 : i32
        %dma_start3A_1384 = tpu.memref_slice %arg18[%dma_start3A_1382, %dma_start3A_1383] : memref<1024x64xf32, #tpu.memory_space<vmem>> -> memref<128x64xf32, #tpu.memory_space<vmem>>
        %dma_start3A_1385 = arith.constant 0 : i32
        %dma_start3A_1386 = tpu.memref_slice %arg16[%dma_start3A_1381, %dma_start3A_1385] : memref<8x128xi32, #tpu.memory_space<vmem>> -> memref<1x128xi32, #tpu.memory_space<vmem>>
        %dma_start3A_1387 = tpu.memref_squeeze %dma_start3A_1386 : memref<1x128xi32, #tpu.memory_space<vmem>> -> memref<128xi32, #tpu.memory_space<vmem>>
        %dma_start3A_1388 = arith.constant 0 : i32
        %dma_start3A_1389 = arith.constant 0 : i32
        %dma_start3A_1390 = tpu.memref_slice %arg22[%dma_start3A_1388, %dma_start3A_1389] : memref<2048x64xf32, #tpu.memory_space<vmem_shared>> -> memref<2048x64xf32, #tpu.memory_space<vmem_shared>>
        tpu.enqueue_indirect_dma source(%dma_start3A_1384 : memref<128x64xf32, #tpu.memory_space<vmem>>) target(%dma_start3A_1390 : memref<2048x64xf32, #tpu.memory_space<vmem_shared>>) offsets(%dma_start3A_1387 : memref<128xi32, #tpu.memory_space<vmem>>) semaphore(%arg25 : memref<!tpu.dma_semaphore, #tpu.memory_space<semaphore_mem>>) {add = true}
        %dma_wait3A_1391 = arith.constant 768 : i32
        %dma_wait3A_1392 = arith.constant 0 : i32
        %dma_wait3A_1393 = tpu.memref_slice %arg18[%dma_wait3A_1391, %dma_wait3A_1392] : memref<1024x64xf32, #tpu.memory_space<vmem>> -> memref<128x64xf32, #tpu.memory_space<vmem>>
        %dma_wait3A_1394 = arith.constant 768 : i32
        %dma_wait3A_1395 = tpu.memref_slice %arg13[%dma_wait3A_1394] : memref<1024xi32, #tpu.memory_space<vmem>> -> memref<128xi32, #tpu.memory_space<vmem>>
        %dma_wait3A_1396 = arith.constant 0 : i32
        %dma_wait3A_1397 = arith.constant 0 : i32
        %dma_wait3A_1398 = tpu.memref_slice %arg7[%dma_wait3A_1396, %dma_wait3A_1397] : memref<100000x64xf32, #tpu.memory_space<hbm>> -> memref<100000x64xf32, #tpu.memory_space<hbm>>
        tpu.wait_indirect_dma semaphore(%arg36 : memref<!tpu.dma_semaphore, #tpu.memory_space<semaphore_mem>>) src(%dma_wait3A_1398 : memref<100000x64xf32, #tpu.memory_space<hbm>>) dst(%dma_wait3A_1393 : memref<128x64xf32, #tpu.memory_space<vmem>>)
        %dma_start3A_1399 = arith.constant 6 : i32
        %dma_start3A_1400 = arith.constant 768 : i32
        %dma_start3A_1401 = arith.constant 0 : i32
        %dma_start3A_1402 = tpu.memref_slice %arg18[%dma_start3A_1400, %dma_start3A_1401] : memref<1024x64xf32, #tpu.memory_space<vmem>> -> memref<128x64xf32, #tpu.memory_space<vmem>>
        %dma_start3A_1403 = arith.constant 0 : i32
        %dma_start3A_1404 = tpu.memref_slice %arg16[%dma_start3A_1399, %dma_start3A_1403] : memref<8x128xi32, #tpu.memory_space<vmem>> -> memref<1x128xi32, #tpu.memory_space<vmem>>
        %dma_start3A_1405 = tpu.memref_squeeze %dma_start3A_1404 : memref<1x128xi32, #tpu.memory_space<vmem>> -> memref<128xi32, #tpu.memory_space<vmem>>
        %dma_start3A_1406 = arith.constant 0 : i32
        %dma_start3A_1407 = arith.constant 0 : i32
        %dma_start3A_1408 = tpu.memref_slice %arg22[%dma_start3A_1406, %dma_start3A_1407] : memref<2048x64xf32, #tpu.memory_space<vmem_shared>> -> memref<2048x64xf32, #tpu.memory_space<vmem_shared>>
        tpu.enqueue_indirect_dma source(%dma_start3A_1402 : memref<128x64xf32, #tpu.memory_space<vmem>>) target(%dma_start3A_1408 : memref<2048x64xf32, #tpu.memory_space<vmem_shared>>) offsets(%dma_start3A_1405 : memref<128xi32, #tpu.memory_space<vmem>>) semaphore(%arg25 : memref<!tpu.dma_semaphore, #tpu.memory_space<semaphore_mem>>) {add = true}
        %dma_wait3A_1409 = arith.constant 896 : i32
        %dma_wait3A_1410 = arith.constant 0 : i32
        %dma_wait3A_1411 = tpu.memref_slice %arg18[%dma_wait3A_1409, %dma_wait3A_1410] : memref<1024x64xf32, #tpu.memory_space<vmem>> -> memref<128x64xf32, #tpu.memory_space<vmem>>
        %dma_wait3A_1412 = arith.constant 896 : i32
        %dma_wait3A_1413 = tpu.memref_slice %arg13[%dma_wait3A_1412] : memref<1024xi32, #tpu.memory_space<vmem>> -> memref<128xi32, #tpu.memory_space<vmem>>
        %dma_wait3A_1414 = arith.constant 0 : i32
        %dma_wait3A_1415 = arith.constant 0 : i32
        %dma_wait3A_1416 = tpu.memref_slice %arg7[%dma_wait3A_1414, %dma_wait3A_1415] : memref<100000x64xf32, #tpu.memory_space<hbm>> -> memref<100000x64xf32, #tpu.memory_space<hbm>>
        tpu.wait_indirect_dma semaphore(%arg37 : memref<!tpu.dma_semaphore, #tpu.memory_space<semaphore_mem>>) src(%dma_wait3A_1416 : memref<100000x64xf32, #tpu.memory_space<hbm>>) dst(%dma_wait3A_1411 : memref<128x64xf32, #tpu.memory_space<vmem>>)
        %dma_start3A_1417 = arith.constant 7 : i32
        %dma_start3A_1418 = arith.constant 896 : i32
        %dma_start3A_1419 = arith.constant 0 : i32
        %dma_start3A_1420 = tpu.memref_slice %arg18[%dma_start3A_1418, %dma_start3A_1419] : memref<1024x64xf32, #tpu.memory_space<vmem>> -> memref<128x64xf32, #tpu.memory_space<vmem>>
        %dma_start3A_1421 = arith.constant 0 : i32
        %dma_start3A_1422 = tpu.memref_slice %arg16[%dma_start3A_1417, %dma_start3A_1421] : memref<8x128xi32, #tpu.memory_space<vmem>> -> memref<1x128xi32, #tpu.memory_space<vmem>>
        %dma_start3A_1423 = tpu.memref_squeeze %dma_start3A_1422 : memref<1x128xi32, #tpu.memory_space<vmem>> -> memref<128xi32, #tpu.memory_space<vmem>>
        %dma_start3A_1424 = arith.constant 0 : i32
        %dma_start3A_1425 = arith.constant 0 : i32
        %dma_start3A_1426 = tpu.memref_slice %arg22[%dma_start3A_1424, %dma_start3A_1425] : memref<2048x64xf32, #tpu.memory_space<vmem_shared>> -> memref<2048x64xf32, #tpu.memory_space<vmem_shared>>
        tpu.enqueue_indirect_dma source(%dma_start3A_1420 : memref<128x64xf32, #tpu.memory_space<vmem>>) target(%dma_start3A_1426 : memref<2048x64xf32, #tpu.memory_space<vmem_shared>>) offsets(%dma_start3A_1423 : memref<128xi32, #tpu.memory_space<vmem>>) semaphore(%arg25 : memref<!tpu.dma_semaphore, #tpu.memory_space<semaphore_mem>>) {add = true}
        %dma_wait3A_1427 = arith.constant 0 : i32
        %dma_wait3A_1428 = arith.constant 0 : i32
        %dma_wait3A_1429 = tpu.memref_slice %arg6[%dma_wait3A_1427, %dma_wait3A_1428] : memref<100000x64xf32, #tpu.memory_space<hbm>> -> memref<100000x64xf32, #tpu.memory_space<hbm>>
        tpu.wait_indirect_dma semaphore(%arg24 : memref<!tpu.dma_semaphore, #tpu.memory_space<semaphore_mem>>) src(%dma_wait3A_1429 : memref<100000x64xf32, #tpu.memory_space<hbm>>) dst(%arg17 : memref<128x64xf32, #tpu.memory_space<vmem>>)
        %dma_wait3A_1430 = arith.constant 0 : i32
        %dma_wait3A_1431 = arith.constant 0 : i32
        %dma_wait3A_1432 = tpu.memref_slice %arg19[%dma_wait3A_1430, %dma_wait3A_1431] : memref<384x64xf32, #tpu.memory_space<vmem>> -> memref<128x64xf32, #tpu.memory_space<vmem>>
        %dma_wait3A_1433 = arith.constant 0 : i32
        %dma_wait3A_1434 = tpu.memref_slice %arg14[%dma_wait3A_1433] : memref<384xi32, #tpu.memory_space<vmem>> -> memref<128xi32, #tpu.memory_space<vmem>>
        %dma_wait3A_1435 = arith.constant 0 : i32
        %dma_wait3A_1436 = arith.constant 0 : i32
        %dma_wait3A_1437 = tpu.memref_slice %arg8[%dma_wait3A_1435, %dma_wait3A_1436] : memref<100000x64xf32, #tpu.memory_space<hbm>> -> memref<100000x64xf32, #tpu.memory_space<hbm>>
        tpu.wait_indirect_dma semaphore(%arg24 : memref<!tpu.dma_semaphore, #tpu.memory_space<semaphore_mem>>) src(%dma_wait3A_1437 : memref<100000x64xf32, #tpu.memory_space<hbm>>) dst(%dma_wait3A_1432 : memref<128x64xf32, #tpu.memory_space<vmem>>)
        %dma_wait3A_1438 = arith.constant 128 : i32
        %dma_wait3A_1439 = arith.constant 0 : i32
        %dma_wait3A_1440 = tpu.memref_slice %arg19[%dma_wait3A_1438, %dma_wait3A_1439] : memref<384x64xf32, #tpu.memory_space<vmem>> -> memref<128x64xf32, #tpu.memory_space<vmem>>
        %dma_wait3A_1441 = arith.constant 128 : i32
        %dma_wait3A_1442 = tpu.memref_slice %arg14[%dma_wait3A_1441] : memref<384xi32, #tpu.memory_space<vmem>> -> memref<128xi32, #tpu.memory_space<vmem>>
        %dma_wait3A_1443 = arith.constant 0 : i32
        %dma_wait3A_1444 = arith.constant 0 : i32
        %dma_wait3A_1445 = tpu.memref_slice %arg8[%dma_wait3A_1443, %dma_wait3A_1444] : memref<100000x64xf32, #tpu.memory_space<hbm>> -> memref<100000x64xf32, #tpu.memory_space<hbm>>
        tpu.wait_indirect_dma semaphore(%arg24 : memref<!tpu.dma_semaphore, #tpu.memory_space<semaphore_mem>>) src(%dma_wait3A_1445 : memref<100000x64xf32, #tpu.memory_space<hbm>>) dst(%dma_wait3A_1440 : memref<128x64xf32, #tpu.memory_space<vmem>>)
        %dma_wait3A_1446 = arith.constant 256 : i32
        %dma_wait3A_1447 = arith.constant 0 : i32
        %dma_wait3A_1448 = tpu.memref_slice %arg19[%dma_wait3A_1446, %dma_wait3A_1447] : memref<384x64xf32, #tpu.memory_space<vmem>> -> memref<128x64xf32, #tpu.memory_space<vmem>>
        %dma_wait3A_1449 = arith.constant 256 : i32
        %dma_wait3A_1450 = tpu.memref_slice %arg14[%dma_wait3A_1449] : memref<384xi32, #tpu.memory_space<vmem>> -> memref<128xi32, #tpu.memory_space<vmem>>
        %dma_wait3A_1451 = arith.constant 0 : i32
        %dma_wait3A_1452 = arith.constant 0 : i32
        %dma_wait3A_1453 = tpu.memref_slice %arg8[%dma_wait3A_1451, %dma_wait3A_1452] : memref<100000x64xf32, #tpu.memory_space<hbm>> -> memref<100000x64xf32, #tpu.memory_space<hbm>>
        tpu.wait_indirect_dma semaphore(%arg24 : memref<!tpu.dma_semaphore, #tpu.memory_space<semaphore_mem>>) src(%dma_wait3A_1453 : memref<100000x64xf32, #tpu.memory_space<hbm>>) dst(%dma_wait3A_1448 : memref<128x64xf32, #tpu.memory_space<vmem>>)
        %dma_wait3A_1454 = arith.constant 0 : i32
        %dma_wait3A_1455 = arith.constant 0 : i32
        %dma_wait3A_1456 = tpu.memref_slice %arg20[%dma_wait3A_1454, %dma_wait3A_1455] : memref<384x32xf32, #tpu.memory_space<vmem>> -> memref<128x32xf32, #tpu.memory_space<vmem>>
        %dma_wait3A_1457 = arith.constant 0 : i32
        %dma_wait3A_1458 = tpu.memref_slice %arg15[%dma_wait3A_1457] : memref<384xi32, #tpu.memory_space<vmem>> -> memref<128xi32, #tpu.memory_space<vmem>>
        %dma_wait3A_1459 = arith.constant 0 : i32
        %dma_wait3A_1460 = arith.constant 0 : i32
        %dma_wait3A_1461 = tpu.memref_slice %arg9[%dma_wait3A_1459, %dma_wait3A_1460] : memref<1000x32xf32, #tpu.memory_space<hbm>> -> memref<1000x32xf32, #tpu.memory_space<hbm>>
        tpu.wait_indirect_dma semaphore(%arg24 : memref<!tpu.dma_semaphore, #tpu.memory_space<semaphore_mem>>) src(%dma_wait3A_1461 : memref<1000x32xf32, #tpu.memory_space<hbm>>) dst(%dma_wait3A_1456 : memref<128x32xf32, #tpu.memory_space<vmem>>)
        %dma_wait3A_1462 = arith.constant 128 : i32
        %dma_wait3A_1463 = arith.constant 0 : i32
        %dma_wait3A_1464 = tpu.memref_slice %arg20[%dma_wait3A_1462, %dma_wait3A_1463] : memref<384x32xf32, #tpu.memory_space<vmem>> -> memref<128x32xf32, #tpu.memory_space<vmem>>
        %dma_wait3A_1465 = arith.constant 128 : i32
        %dma_wait3A_1466 = tpu.memref_slice %arg15[%dma_wait3A_1465] : memref<384xi32, #tpu.memory_space<vmem>> -> memref<128xi32, #tpu.memory_space<vmem>>
        %dma_wait3A_1467 = arith.constant 0 : i32
        %dma_wait3A_1468 = arith.constant 0 : i32
        %dma_wait3A_1469 = tpu.memref_slice %arg9[%dma_wait3A_1467, %dma_wait3A_1468] : memref<1000x32xf32, #tpu.memory_space<hbm>> -> memref<1000x32xf32, #tpu.memory_space<hbm>>
        tpu.wait_indirect_dma semaphore(%arg24 : memref<!tpu.dma_semaphore, #tpu.memory_space<semaphore_mem>>) src(%dma_wait3A_1469 : memref<1000x32xf32, #tpu.memory_space<hbm>>) dst(%dma_wait3A_1464 : memref<128x32xf32, #tpu.memory_space<vmem>>)
        %dma_wait3A_1470 = arith.constant 256 : i32
        %dma_wait3A_1471 = arith.constant 0 : i32
        %dma_wait3A_1472 = tpu.memref_slice %arg20[%dma_wait3A_1470, %dma_wait3A_1471] : memref<384x32xf32, #tpu.memory_space<vmem>> -> memref<128x32xf32, #tpu.memory_space<vmem>>
        %dma_wait3A_1473 = arith.constant 256 : i32
        %dma_wait3A_1474 = tpu.memref_slice %arg15[%dma_wait3A_1473] : memref<384xi32, #tpu.memory_space<vmem>> -> memref<128xi32, #tpu.memory_space<vmem>>
        %dma_wait3A_1475 = arith.constant 0 : i32
        %dma_wait3A_1476 = arith.constant 0 : i32
        %dma_wait3A_1477 = tpu.memref_slice %arg9[%dma_wait3A_1475, %dma_wait3A_1476] : memref<1000x32xf32, #tpu.memory_space<hbm>> -> memref<1000x32xf32, #tpu.memory_space<hbm>>
        tpu.wait_indirect_dma semaphore(%arg24 : memref<!tpu.dma_semaphore, #tpu.memory_space<semaphore_mem>>) src(%dma_wait3A_1477 : memref<1000x32xf32, #tpu.memory_space<hbm>>) dst(%dma_wait3A_1472 : memref<128x32xf32, #tpu.memory_space<vmem>>)
        %dma_start3A_1478 = arith.constant 0 : i32
        %dma_start3A_1479 = tpu.memref_slice %arg10[%mul3A_1132, %dma_start3A_1478] : memref<51200x128xf32, #tpu.memory_space<hbm>> -> memref<128x64xf32, #tpu.memory_space<hbm>>
        %dma_start3A_1480 = arith.constant 0 : i32
        %dma_start3A_1481 = tpu.memref_slice %arg10[%mul3A_1132, %dma_start3A_1480] : memref<51200x128xf32, #tpu.memory_space<hbm>> -> memref<128x64xf32, #tpu.memory_space<hbm>>
        tpu.enqueue_dma source(%arg17 : memref<128x64xf32, #tpu.memory_space<vmem>>) target(%dma_start3A_1481 : memref<128x64xf32, #tpu.memory_space<hbm>>) target_semaphore(%arg26 : memref<!tpu.dma_semaphore, #tpu.memory_space<semaphore_mem>>)
        %mul3A_1482 = arith.constant 384 : i32
        %mul3A_1483 = arith.muli %add3A_1128, %mul3A_1482 : i32
        %dma_start3A_1484 = arith.constant 0 : i32
        %dma_start3A_1485 = tpu.memref_slice %arg11[%mul3A_1483, %dma_start3A_1484] : memref<153600x128xf32, #tpu.memory_space<hbm>> -> memref<384x64xf32, #tpu.memory_space<hbm>>
        %dma_start3A_1486 = arith.constant 0 : i32
        %dma_start3A_1487 = tpu.memref_slice %arg11[%mul3A_1483, %dma_start3A_1486] : memref<153600x128xf32, #tpu.memory_space<hbm>> -> memref<384x64xf32, #tpu.memory_space<hbm>>
        tpu.enqueue_dma source(%arg19 : memref<384x64xf32, #tpu.memory_space<vmem>>) target(%dma_start3A_1487 : memref<384x64xf32, #tpu.memory_space<hbm>>) target_semaphore(%arg27 : memref<!tpu.dma_semaphore, #tpu.memory_space<semaphore_mem>>)
        %mul3A_1488 = arith.constant 384 : i32
        %mul3A_1489 = arith.muli %add3A_1128, %mul3A_1488 : i32
        %dma_start3A_1490 = arith.constant 64 : i32
        %dma_start3A_1491 = tpu.memref_slice %arg11[%mul3A_1489, %dma_start3A_1490] : memref<153600x128xf32, #tpu.memory_space<hbm>> -> memref<384x32xf32, #tpu.memory_space<hbm>>
        %dma_start3A_1492 = arith.constant 64 : i32
        %dma_start3A_1493 = tpu.memref_slice %arg11[%mul3A_1489, %dma_start3A_1492] : memref<153600x128xf32, #tpu.memory_space<hbm>> -> memref<384x32xf32, #tpu.memory_space<hbm>>
        tpu.enqueue_dma source(%arg20 : memref<384x32xf32, #tpu.memory_space<vmem>>) target(%dma_start3A_1493 : memref<384x32xf32, #tpu.memory_space<hbm>>) target_semaphore(%arg28 : memref<!tpu.dma_semaphore, #tpu.memory_space<semaphore_mem>>)
        %dma_wait3A_1494 = arith.constant 0 : i32
        %dma_wait3A_1495 = arith.constant 0 : i32
        %dma_wait3A_1496 = arith.constant 0 : i32
        %dma_wait3A_1497 = tpu.memref_slice %arg18[%dma_wait3A_1495, %dma_wait3A_1496] : memref<1024x64xf32, #tpu.memory_space<vmem>> -> memref<128x64xf32, #tpu.memory_space<vmem>>
        %dma_wait3A_1498 = arith.constant 0 : i32
        %dma_wait3A_1499 = tpu.memref_slice %arg16[%dma_wait3A_1494, %dma_wait3A_1498] : memref<8x128xi32, #tpu.memory_space<vmem>> -> memref<1x128xi32, #tpu.memory_space<vmem>>
        %dma_wait3A_1500 = tpu.memref_squeeze %dma_wait3A_1499 : memref<1x128xi32, #tpu.memory_space<vmem>> -> memref<128xi32, #tpu.memory_space<vmem>>
        %dma_wait3A_1501 = arith.constant 0 : i32
        %dma_wait3A_1502 = arith.constant 0 : i32
        %dma_wait3A_1503 = tpu.memref_slice %arg22[%dma_wait3A_1501, %dma_wait3A_1502] : memref<2048x64xf32, #tpu.memory_space<vmem_shared>> -> memref<2048x64xf32, #tpu.memory_space<vmem_shared>>
        tpu.wait_indirect_dma semaphore(%arg25 : memref<!tpu.dma_semaphore, #tpu.memory_space<semaphore_mem>>) src(%dma_wait3A_1497 : memref<128x64xf32, #tpu.memory_space<vmem>>) dst(%dma_wait3A_1503 : memref<2048x64xf32, #tpu.memory_space<vmem_shared>>)
        %dma_wait3A_1504 = arith.constant 1 : i32
        %dma_wait3A_1505 = arith.constant 128 : i32
        %dma_wait3A_1506 = arith.constant 0 : i32
        %dma_wait3A_1507 = tpu.memref_slice %arg18[%dma_wait3A_1505, %dma_wait3A_1506] : memref<1024x64xf32, #tpu.memory_space<vmem>> -> memref<128x64xf32, #tpu.memory_space<vmem>>
        %dma_wait3A_1508 = arith.constant 0 : i32
        %dma_wait3A_1509 = tpu.memref_slice %arg16[%dma_wait3A_1504, %dma_wait3A_1508] : memref<8x128xi32, #tpu.memory_space<vmem>> -> memref<1x128xi32, #tpu.memory_space<vmem>>
        %dma_wait3A_1510 = tpu.memref_squeeze %dma_wait3A_1509 : memref<1x128xi32, #tpu.memory_space<vmem>> -> memref<128xi32, #tpu.memory_space<vmem>>
        %dma_wait3A_1511 = arith.constant 0 : i32
        %dma_wait3A_1512 = arith.constant 0 : i32
        %dma_wait3A_1513 = tpu.memref_slice %arg22[%dma_wait3A_1511, %dma_wait3A_1512] : memref<2048x64xf32, #tpu.memory_space<vmem_shared>> -> memref<2048x64xf32, #tpu.memory_space<vmem_shared>>
        tpu.wait_indirect_dma semaphore(%arg25 : memref<!tpu.dma_semaphore, #tpu.memory_space<semaphore_mem>>) src(%dma_wait3A_1507 : memref<128x64xf32, #tpu.memory_space<vmem>>) dst(%dma_wait3A_1513 : memref<2048x64xf32, #tpu.memory_space<vmem_shared>>)
        %dma_wait3A_1514 = arith.constant 2 : i32
        %dma_wait3A_1515 = arith.constant 256 : i32
        %dma_wait3A_1516 = arith.constant 0 : i32
        %dma_wait3A_1517 = tpu.memref_slice %arg18[%dma_wait3A_1515, %dma_wait3A_1516] : memref<1024x64xf32, #tpu.memory_space<vmem>> -> memref<128x64xf32, #tpu.memory_space<vmem>>
        %dma_wait3A_1518 = arith.constant 0 : i32
        %dma_wait3A_1519 = tpu.memref_slice %arg16[%dma_wait3A_1514, %dma_wait3A_1518] : memref<8x128xi32, #tpu.memory_space<vmem>> -> memref<1x128xi32, #tpu.memory_space<vmem>>
        %dma_wait3A_1520 = tpu.memref_squeeze %dma_wait3A_1519 : memref<1x128xi32, #tpu.memory_space<vmem>> -> memref<128xi32, #tpu.memory_space<vmem>>
        %dma_wait3A_1521 = arith.constant 0 : i32
        %dma_wait3A_1522 = arith.constant 0 : i32
        %dma_wait3A_1523 = tpu.memref_slice %arg22[%dma_wait3A_1521, %dma_wait3A_1522] : memref<2048x64xf32, #tpu.memory_space<vmem_shared>> -> memref<2048x64xf32, #tpu.memory_space<vmem_shared>>
        tpu.wait_indirect_dma semaphore(%arg25 : memref<!tpu.dma_semaphore, #tpu.memory_space<semaphore_mem>>) src(%dma_wait3A_1517 : memref<128x64xf32, #tpu.memory_space<vmem>>) dst(%dma_wait3A_1523 : memref<2048x64xf32, #tpu.memory_space<vmem_shared>>)
        %dma_wait3A_1524 = arith.constant 3 : i32
        %dma_wait3A_1525 = arith.constant 384 : i32
        %dma_wait3A_1526 = arith.constant 0 : i32
        %dma_wait3A_1527 = tpu.memref_slice %arg18[%dma_wait3A_1525, %dma_wait3A_1526] : memref<1024x64xf32, #tpu.memory_space<vmem>> -> memref<128x64xf32, #tpu.memory_space<vmem>>
        %dma_wait3A_1528 = arith.constant 0 : i32
        %dma_wait3A_1529 = tpu.memref_slice %arg16[%dma_wait3A_1524, %dma_wait3A_1528] : memref<8x128xi32, #tpu.memory_space<vmem>> -> memref<1x128xi32, #tpu.memory_space<vmem>>
        %dma_wait3A_1530 = tpu.memref_squeeze %dma_wait3A_1529 : memref<1x128xi32, #tpu.memory_space<vmem>> -> memref<128xi32, #tpu.memory_space<vmem>>
        %dma_wait3A_1531 = arith.constant 0 : i32
        %dma_wait3A_1532 = arith.constant 0 : i32
        %dma_wait3A_1533 = tpu.memref_slice %arg22[%dma_wait3A_1531, %dma_wait3A_1532] : memref<2048x64xf32, #tpu.memory_space<vmem_shared>> -> memref<2048x64xf32, #tpu.memory_space<vmem_shared>>
        tpu.wait_indirect_dma semaphore(%arg25 : memref<!tpu.dma_semaphore, #tpu.memory_space<semaphore_mem>>) src(%dma_wait3A_1527 : memref<128x64xf32, #tpu.memory_space<vmem>>) dst(%dma_wait3A_1533 : memref<2048x64xf32, #tpu.memory_space<vmem_shared>>)
        %dma_wait3A_1534 = arith.constant 4 : i32
        %dma_wait3A_1535 = arith.constant 512 : i32
        %dma_wait3A_1536 = arith.constant 0 : i32
        %dma_wait3A_1537 = tpu.memref_slice %arg18[%dma_wait3A_1535, %dma_wait3A_1536] : memref<1024x64xf32, #tpu.memory_space<vmem>> -> memref<128x64xf32, #tpu.memory_space<vmem>>
        %dma_wait3A_1538 = arith.constant 0 : i32
        %dma_wait3A_1539 = tpu.memref_slice %arg16[%dma_wait3A_1534, %dma_wait3A_1538] : memref<8x128xi32, #tpu.memory_space<vmem>> -> memref<1x128xi32, #tpu.memory_space<vmem>>
        %dma_wait3A_1540 = tpu.memref_squeeze %dma_wait3A_1539 : memref<1x128xi32, #tpu.memory_space<vmem>> -> memref<128xi32, #tpu.memory_space<vmem>>
        %dma_wait3A_1541 = arith.constant 0 : i32
        %dma_wait3A_1542 = arith.constant 0 : i32
        %dma_wait3A_1543 = tpu.memref_slice %arg22[%dma_wait3A_1541, %dma_wait3A_1542] : memref<2048x64xf32, #tpu.memory_space<vmem_shared>> -> memref<2048x64xf32, #tpu.memory_space<vmem_shared>>
        tpu.wait_indirect_dma semaphore(%arg25 : memref<!tpu.dma_semaphore, #tpu.memory_space<semaphore_mem>>) src(%dma_wait3A_1537 : memref<128x64xf32, #tpu.memory_space<vmem>>) dst(%dma_wait3A_1543 : memref<2048x64xf32, #tpu.memory_space<vmem_shared>>)
        %dma_wait3A_1544 = arith.constant 5 : i32
        %dma_wait3A_1545 = arith.constant 640 : i32
        %dma_wait3A_1546 = arith.constant 0 : i32
        %dma_wait3A_1547 = tpu.memref_slice %arg18[%dma_wait3A_1545, %dma_wait3A_1546] : memref<1024x64xf32, #tpu.memory_space<vmem>> -> memref<128x64xf32, #tpu.memory_space<vmem>>
        %dma_wait3A_1548 = arith.constant 0 : i32
        %dma_wait3A_1549 = tpu.memref_slice %arg16[%dma_wait3A_1544, %dma_wait3A_1548] : memref<8x128xi32, #tpu.memory_space<vmem>> -> memref<1x128xi32, #tpu.memory_space<vmem>>
        %dma_wait3A_1550 = tpu.memref_squeeze %dma_wait3A_1549 : memref<1x128xi32, #tpu.memory_space<vmem>> -> memref<128xi32, #tpu.memory_space<vmem>>
        %dma_wait3A_1551 = arith.constant 0 : i32
        %dma_wait3A_1552 = arith.constant 0 : i32
        %dma_wait3A_1553 = tpu.memref_slice %arg22[%dma_wait3A_1551, %dma_wait3A_1552] : memref<2048x64xf32, #tpu.memory_space<vmem_shared>> -> memref<2048x64xf32, #tpu.memory_space<vmem_shared>>
        tpu.wait_indirect_dma semaphore(%arg25 : memref<!tpu.dma_semaphore, #tpu.memory_space<semaphore_mem>>) src(%dma_wait3A_1547 : memref<128x64xf32, #tpu.memory_space<vmem>>) dst(%dma_wait3A_1553 : memref<2048x64xf32, #tpu.memory_space<vmem_shared>>)
        %dma_wait3A_1554 = arith.constant 6 : i32
        %dma_wait3A_1555 = arith.constant 768 : i32
        %dma_wait3A_1556 = arith.constant 0 : i32
        %dma_wait3A_1557 = tpu.memref_slice %arg18[%dma_wait3A_1555, %dma_wait3A_1556] : memref<1024x64xf32, #tpu.memory_space<vmem>> -> memref<128x64xf32, #tpu.memory_space<vmem>>
        %dma_wait3A_1558 = arith.constant 0 : i32
        %dma_wait3A_1559 = tpu.memref_slice %arg16[%dma_wait3A_1554, %dma_wait3A_1558] : memref<8x128xi32, #tpu.memory_space<vmem>> -> memref<1x128xi32, #tpu.memory_space<vmem>>
        %dma_wait3A_1560 = tpu.memref_squeeze %dma_wait3A_1559 : memref<1x128xi32, #tpu.memory_space<vmem>> -> memref<128xi32, #tpu.memory_space<vmem>>
        %dma_wait3A_1561 = arith.constant 0 : i32
        %dma_wait3A_1562 = arith.constant 0 : i32
        %dma_wait3A_1563 = tpu.memref_slice %arg22[%dma_wait3A_1561, %dma_wait3A_1562] : memref<2048x64xf32, #tpu.memory_space<vmem_shared>> -> memref<2048x64xf32, #tpu.memory_space<vmem_shared>>
        tpu.wait_indirect_dma semaphore(%arg25 : memref<!tpu.dma_semaphore, #tpu.memory_space<semaphore_mem>>) src(%dma_wait3A_1557 : memref<128x64xf32, #tpu.memory_space<vmem>>) dst(%dma_wait3A_1563 : memref<2048x64xf32, #tpu.memory_space<vmem_shared>>)
        %dma_wait3A_1564 = arith.constant 7 : i32
        %dma_wait3A_1565 = arith.constant 896 : i32
        %dma_wait3A_1566 = arith.constant 0 : i32
        %dma_wait3A_1567 = tpu.memref_slice %arg18[%dma_wait3A_1565, %dma_wait3A_1566] : memref<1024x64xf32, #tpu.memory_space<vmem>> -> memref<128x64xf32, #tpu.memory_space<vmem>>
        %dma_wait3A_1568 = arith.constant 0 : i32
        %dma_wait3A_1569 = tpu.memref_slice %arg16[%dma_wait3A_1564, %dma_wait3A_1568] : memref<8x128xi32, #tpu.memory_space<vmem>> -> memref<1x128xi32, #tpu.memory_space<vmem>>
        %dma_wait3A_1570 = tpu.memref_squeeze %dma_wait3A_1569 : memref<1x128xi32, #tpu.memory_space<vmem>> -> memref<128xi32, #tpu.memory_space<vmem>>
        %dma_wait3A_1571 = arith.constant 0 : i32
        %dma_wait3A_1572 = arith.constant 0 : i32
        %dma_wait3A_1573 = tpu.memref_slice %arg22[%dma_wait3A_1571, %dma_wait3A_1572] : memref<2048x64xf32, #tpu.memory_space<vmem_shared>> -> memref<2048x64xf32, #tpu.memory_space<vmem_shared>>
        tpu.wait_indirect_dma semaphore(%arg25 : memref<!tpu.dma_semaphore, #tpu.memory_space<semaphore_mem>>) src(%dma_wait3A_1567 : memref<128x64xf32, #tpu.memory_space<vmem>>) dst(%dma_wait3A_1573 : memref<2048x64xf32, #tpu.memory_space<vmem_shared>>)
        %mul3A_1574 = arith.constant 128 : i32
        %mul3A_1575 = arith.muli %arg1, %mul3A_1574 : i32
        %dma_start3A_1576 = arith.constant 64 : i32
        %dma_start3A_1577 = tpu.memref_slice %arg10[%mul3A_1132, %dma_start3A_1576] : memref<51200x128xf32, #tpu.memory_space<hbm>> -> memref<128x64xf32, #tpu.memory_space<hbm>>
        %dma_start3A_1578 = arith.constant 0 : i32
        %dma_start3A_1579 = tpu.memref_slice %arg22[%mul3A_1575, %dma_start3A_1578] : memref<2048x64xf32, #tpu.memory_space<vmem_shared>> -> memref<128x64xf32, #tpu.memory_space<vmem_shared>>
        tpu.enqueue_dma source(%dma_start3A_1579 : memref<128x64xf32, #tpu.memory_space<vmem_shared>>) target(%dma_start3A_1577 : memref<128x64xf32, #tpu.memory_space<hbm>>) target_semaphore(%arg29 : memref<!tpu.dma_semaphore, #tpu.memory_space<semaphore_mem>>)
      } else {
      }
    }
    %scan3A_1096 = arith.constant 13 : i32
    %dma_wait3A = arith.constant 0 : i32
    %dma_wait3A_1097 = arith.constant 0 : i32
    %dma_wait3A_1098 = tpu.memref_slice %arg10[%dma_wait3A, %dma_wait3A_1097] : memref<51200x128xf32, #tpu.memory_space<hbm>> -> memref<128x64xf32, #tpu.memory_space<hbm>>
    %dma_wait3A_1099 = arith.constant 0 : i32
    %dma_wait3A_1100 = arith.constant 0 : i32
    %dma_wait3A_1101 = tpu.memref_slice %arg10[%dma_wait3A_1099, %dma_wait3A_1100] : memref<51200x128xf32, #tpu.memory_space<hbm>> -> memref<128x64xf32, #tpu.memory_space<hbm>>
    tpu.wait_dma2 semaphore(%arg26 : memref<!tpu.dma_semaphore, #tpu.memory_space<semaphore_mem>>) src(%arg17 : memref<128x64xf32, #tpu.memory_space<vmem>>) dst(%dma_wait3A_1101 : memref<128x64xf32, #tpu.memory_space<hbm>>)
    %dma_wait3A_1102 = arith.constant 0 : i32
    %dma_wait3A_1103 = arith.constant 0 : i32
    %dma_wait3A_1104 = tpu.memref_slice %arg11[%dma_wait3A_1102, %dma_wait3A_1103] : memref<153600x128xf32, #tpu.memory_space<hbm>> -> memref<384x64xf32, #tpu.memory_space<hbm>>
    %dma_wait3A_1105 = arith.constant 0 : i32
    %dma_wait3A_1106 = arith.constant 0 : i32
    %dma_wait3A_1107 = tpu.memref_slice %arg11[%dma_wait3A_1105, %dma_wait3A_1106] : memref<153600x128xf32, #tpu.memory_space<hbm>> -> memref<384x64xf32, #tpu.memory_space<hbm>>
    tpu.wait_dma2 semaphore(%arg27 : memref<!tpu.dma_semaphore, #tpu.memory_space<semaphore_mem>>) src(%arg19 : memref<384x64xf32, #tpu.memory_space<vmem>>) dst(%dma_wait3A_1107 : memref<384x64xf32, #tpu.memory_space<hbm>>)
    %dma_wait3A_1108 = arith.constant 0 : i32
    %dma_wait3A_1109 = arith.constant 64 : i32
    %dma_wait3A_1110 = tpu.memref_slice %arg11[%dma_wait3A_1108, %dma_wait3A_1109] : memref<153600x128xf32, #tpu.memory_space<hbm>> -> memref<384x32xf32, #tpu.memory_space<hbm>>
    %dma_wait3A_1111 = arith.constant 0 : i32
    %dma_wait3A_1112 = arith.constant 64 : i32
    %dma_wait3A_1113 = tpu.memref_slice %arg11[%dma_wait3A_1111, %dma_wait3A_1112] : memref<153600x128xf32, #tpu.memory_space<hbm>> -> memref<384x32xf32, #tpu.memory_space<hbm>>
    tpu.wait_dma2 semaphore(%arg28 : memref<!tpu.dma_semaphore, #tpu.memory_space<semaphore_mem>>) src(%arg20 : memref<384x32xf32, #tpu.memory_space<vmem>>) dst(%dma_wait3A_1113 : memref<384x32xf32, #tpu.memory_space<hbm>>)
    %mul3A_1114 = arith.constant 128 : i32
    %mul3A_1115 = arith.muli %arg1, %mul3A_1114 : i32
    %dma_wait3A_1116 = arith.constant 0 : i32
    %dma_wait3A_1117 = arith.constant 64 : i32
    %dma_wait3A_1118 = tpu.memref_slice %arg10[%dma_wait3A_1116, %dma_wait3A_1117] : memref<51200x128xf32, #tpu.memory_space<hbm>> -> memref<128x64xf32, #tpu.memory_space<hbm>>
    %dma_wait3A_1119 = arith.constant 0 : i32
    %dma_wait3A_1120 = tpu.memref_slice %arg22[%mul3A_1115, %dma_wait3A_1119] : memref<2048x64xf32, #tpu.memory_space<vmem_shared>> -> memref<128x64xf32, #tpu.memory_space<vmem_shared>>
    tpu.wait_dma2 semaphore(%arg29 : memref<!tpu.dma_semaphore, #tpu.memory_space<semaphore_mem>>) src(%dma_wait3A_1120 : memref<128x64xf32, #tpu.memory_space<vmem_shared>>) dst(%dma_wait3A_1118 : memref<128x64xf32, #tpu.memory_space<hbm>>)
    return
  }
}

module attributes {stable_mosaic.version = 14 : i64} {
  func.func @_tc_body(%arg0: i32, %arg1: memref<1600x128xf32, #tpu.memory_space<vmem>>, %arg2: memref<1600x16xi32, #tpu.memory_space<vmem>>, %arg3: memref<1x128xf32, #tpu.memory_space<vmem>>, %arg4: memref<1x128xf32, #tpu.memory_space<vmem>>, %arg5: memref<128x96xf32, #tpu.memory_space<vmem>>, %arg6: memref<1x96xf32, #tpu.memory_space<vmem>>, %arg7: memref<16x16xf32, #tpu.memory_space<vmem>>, %arg8: memref<4800x128xf32, #tpu.memory_space<vmem>>, %arg9: memref<96x96xf32, #tpu.memory_space<vmem>>, %arg10: memref<1x96xf32, #tpu.memory_space<vmem>>, %arg11: memref<1x1x4800xi32, #tpu.memory_space<vmem>>, %arg12: memref<32x50x96xf32, #tpu.memory_space<vmem>>, %arg13: memref<32x50x16xf32, #tpu.memory_space<vmem>>, %arg14: memref<32x50x3x96xf32, #tpu.memory_space<vmem>>, %arg15: memref<1x1x4800xi32, #tpu.memory_space<vmem>>) attributes {dimension_semantics = [#tpu.dimension_semantics<arbitrary>], iteration_bounds = array<i64: 32>, scalar_prefetch = 0 : i64, scratch_operands = 0 : i64, tpu.core_type = #tpu.core_type<tc>, window_params = [{transform_indices = @transform_0, window_bounds = array<i64: 1600, 128>}, {transform_indices = @transform_1, window_bounds = array<i64: 1600, 16>}, {pipeline_mode = #tpu.pipeline_mode<synchronous>, transform_indices = @transform_2, window_bounds = array<i64: 1, 128>}, {pipeline_mode = #tpu.pipeline_mode<synchronous>, transform_indices = @transform_3, window_bounds = array<i64: 1, 128>}, {pipeline_mode = #tpu.pipeline_mode<synchronous>, transform_indices = @transform_4, window_bounds = array<i64: 128, 96>}, {pipeline_mode = #tpu.pipeline_mode<synchronous>, transform_indices = @transform_5, window_bounds = array<i64: 1, 96>}, {pipeline_mode = #tpu.pipeline_mode<synchronous>, transform_indices = @transform_6, window_bounds = array<i64: 16, 16>}, {transform_indices = @transform_7, window_bounds = array<i64: 4800, 128>}, {pipeline_mode = #tpu.pipeline_mode<synchronous>, transform_indices = @transform_8, window_bounds = array<i64: 96, 96>}, {pipeline_mode = #tpu.pipeline_mode<synchronous>, transform_indices = @transform_9, window_bounds = array<i64: 1, 96>}, {transform_indices = @transform_10, window_bounds = array<i64: 1, 1, 4800>}, {transform_indices = @transform_11, window_bounds = array<i64: 32, 50, 96>}, {transform_indices = @transform_12, window_bounds = array<i64: 32, 50, 16>}, {transform_indices = @transform_13, window_bounds = array<i64: 32, 50, 3, 96>}, {transform_indices = @transform_14, window_bounds = array<i64: 1, 1, 4800>}]} {
    %get3A = arith.constant 0 : index
    %get3A_0 = arith.constant 0 : index
    %get3A_1 = vector.load %arg2[%get3A, %get3A_0] : memref<1600x16xi32, #tpu.memory_space<vmem>>, vector<1600x16xi32>
    %slice3A = vector.extract_strided_slice %get3A_1 {offsets = [0, 0], sizes = [1600, 8], strides = [1, 1]} : vector<1600x16xi32> to vector<1600x8xi32>
    %ne3A = arith.constant 0 : i32
    %ne3A_2 = vector.broadcast %ne3A : i32 to vector<1600x8xi32>
    %ne3A_3 = arith.cmpi ne, %slice3A, %ne3A_2 : vector<1600x8xi32>
    %convert_element_type3A = arith.extui %ne3A_3 : vector<1600x8xi1> to vector<1600x8xi32>
    %convert_element_type3A_4 = arith.sitofp %convert_element_type3A : vector<1600x8xi32> to vector<1600x8xf32>
    %reduce_sum3A = arith.constant dense<0.000000e+00> : vector<1600xf32>
    %reduce_sum3A_5 = vector.multi_reduction <add>, %convert_element_type3A_4, %reduce_sum3A [1] : vector<1600x8xf32> to vector<1600xf32>
    %broadcast_in_dim3A = vector.shape_cast %reduce_sum3A_5 : vector<1600xf32> to vector<1600x1xf32>
    %max3A = arith.constant 1.000000e+00 : f32
    %max3A_6 = vector.broadcast %max3A : f32 to vector<1600x1xf32>
    %max3A_7 = arith.maximumf %broadcast_in_dim3A, %max3A_6 : vector<1600x1xf32>
    %div3A = arith.constant 1.000000e+00 : f32
    %div3A_8 = vector.broadcast %div3A : f32 to vector<1600x1xf32>
    %div3A_9 = arith.divf %div3A_8, %max3A_7 : vector<1600x1xf32>
    %sub3A = arith.constant 1.000000e+00 : f32
    %sub3A_10 = vector.broadcast %sub3A : f32 to vector<1600x1xf32>
    %sub3A_11 = arith.subf %div3A_9, %sub3A_10 : vector<1600x1xf32>
    %get3A_12 = arith.constant 0 : index
    %get3A_13 = arith.constant 0 : index
    %get3A_14 = vector.load %arg4[%get3A_12, %get3A_13] : memref<1x128xf32, #tpu.memory_space<vmem>>, vector<1x128xf32>
    %mul3A = vector.broadcast %sub3A_11 : vector<1600x1xf32> to vector<1600x128xf32>
    %mul3A_15 = vector.broadcast %get3A_14 : vector<1x128xf32> to vector<1600x128xf32>
    %mul3A_16 = arith.mulf %mul3A, %mul3A_15 : vector<1600x128xf32>
    %add3A = arith.constant 1.000000e+00 : f32
    %add3A_17 = vector.broadcast %add3A : f32 to vector<1600x128xf32>
    %add3A_18 = arith.addf %add3A_17, %mul3A_16 : vector<1600x128xf32>
    %get3A_19 = arith.constant 0 : index
    %get3A_20 = arith.constant 0 : index
    %get3A_21 = vector.load %arg1[%get3A_19, %get3A_20] : memref<1600x128xf32, #tpu.memory_space<vmem>>, vector<1600x128xf32>
    %mul3A_22 = arith.mulf %get3A_21, %add3A_18 : vector<1600x128xf32>
    %sub3A_23 = arith.constant 8.000000e+00 : f32
    %sub3A_24 = vector.broadcast %sub3A_23 : f32 to vector<1600x1xf32>
    %sub3A_25 = arith.subf %sub3A_24, %broadcast_in_dim3A : vector<1600x1xf32>
    %mul3A_26 = arith.mulf %sub3A_25, %div3A_9 : vector<1600x1xf32>
    %get3A_27 = arith.constant 0 : index
    %get3A_28 = arith.constant 0 : index
    %get3A_29 = vector.load %arg3[%get3A_27, %get3A_28] : memref<1x128xf32, #tpu.memory_space<vmem>>, vector<1x128xf32>
    %mul3A_30 = vector.broadcast %mul3A_26 : vector<1600x1xf32> to vector<1600x128xf32>
    %mul3A_31 = vector.broadcast %get3A_29 : vector<1x128xf32> to vector<1600x128xf32>
    %mul3A_32 = arith.mulf %mul3A_30, %mul3A_31 : vector<1600x128xf32>
    %sub3A_33 = arith.subf %mul3A_22, %mul3A_32 : vector<1600x128xf32>
    %get3A_34 = arith.constant 0 : index
    %get3A_35 = arith.constant 0 : index
    %get3A_36 = vector.load %arg5[%get3A_34, %get3A_35] : memref<128x96xf32, #tpu.memory_space<vmem>>, vector<128x96xf32>
    %dot_general3A = arith.constant dense<0.000000e+00> : vector<1600x96xf32>
    %dot_general3A_37 = tpu.matmul %sub3A_33, %get3A_36, %dot_general3A {dimension_numbers = #tpu.dot_dimension_numbers<[1], [0], [0], [1], [0, 0, 1, 1], [], []>, transpose_lhs_hint = false} : vector<1600x128xf32>, vector<128x96xf32>, vector<1600x96xf32> -> vector<1600x96xf32>
    %get3A_38 = arith.constant 0 : index
    %get3A_39 = arith.constant 0 : index
    %get3A_40 = vector.load %arg6[%get3A_38, %get3A_39] : memref<1x96xf32, #tpu.memory_space<vmem>>, vector<1x96xf32>
    %add3A_41 = vector.broadcast %get3A_40 : vector<1x96xf32> to vector<1600x96xf32>
    %add3A_42 = arith.addf %dot_general3A_37, %add3A_41 : vector<1600x96xf32>
    %slice3A_43 = vector.extract_strided_slice %get3A_1 {offsets = [0, 8], sizes = [1600, 1], strides = [1, 1]} : vector<1600x16xi32> to vector<1600x1xi32>
    %iota3A = tpu.iota {dimensions = array<i32: 1>} : vector<1x16xi32>
    %eq3A = vector.broadcast %slice3A_43 : vector<1600x1xi32> to vector<1600x16xi32>
    %eq3A_44 = vector.broadcast %iota3A : vector<1x16xi32> to vector<1600x16xi32>
    %eq3A_45 = arith.cmpi eq, %eq3A, %eq3A_44 : vector<1600x16xi32>
    %convert_element_type3A_46 = arith.extui %eq3A_45 : vector<1600x16xi1> to vector<1600x16xi32>
    %convert_element_type3A_47 = arith.sitofp %convert_element_type3A_46 : vector<1600x16xi32> to vector<1600x16xf32>
    %get3A_48 = arith.constant 0 : index
    %get3A_49 = arith.constant 0 : index
    %get3A_50 = vector.load %arg7[%get3A_48, %get3A_49] : memref<16x16xf32, #tpu.memory_space<vmem>>, vector<16x16xf32>
    %dot_general3A_51 = arith.constant dense<0.000000e+00> : vector<1600x16xf32>
    %dot_general3A_52 = tpu.matmul %convert_element_type3A_47, %get3A_50, %dot_general3A_51 {dimension_numbers = #tpu.dot_dimension_numbers<[1], [0], [0], [1], [0, 0, 1, 1], [], []>, precision = #tpu.contract_precision<fp32>, transpose_lhs_hint = false} : vector<1600x16xf32>, vector<16x16xf32>, vector<1600x16xf32> -> vector<1600x16xf32>
    %get3A_53 = arith.constant 0 : index
    %get3A_54 = arith.constant 0 : index
    %get3A_55 = vector.load %arg8[%get3A_53, %get3A_54] : memref<4800x128xf32, #tpu.memory_space<vmem>>, vector<4800x96xf32>
    %get3A_56 = arith.constant 0 : index
    %get3A_57 = arith.constant 0 : index
    %get3A_58 = vector.load %arg9[%get3A_56, %get3A_57] : memref<96x96xf32, #tpu.memory_space<vmem>>, vector<96x96xf32>
    %dot_general3A_59 = arith.constant dense<0.000000e+00> : vector<4800x96xf32>
    %dot_general3A_60 = tpu.matmul %get3A_55, %get3A_58, %dot_general3A_59 {dimension_numbers = #tpu.dot_dimension_numbers<[1], [0], [0], [1], [0, 0, 1, 1], [], []>, transpose_lhs_hint = false} : vector<4800x96xf32>, vector<96x96xf32>, vector<4800x96xf32> -> vector<4800x96xf32>
    %get3A_61 = arith.constant 0 : index
    %get3A_62 = arith.constant 0 : index
    %get3A_63 = vector.load %arg10[%get3A_61, %get3A_62] : memref<1x96xf32, #tpu.memory_space<vmem>>, vector<1x96xf32>
    %add3A_64 = vector.broadcast %get3A_63 : vector<1x96xf32> to vector<4800x96xf32>
    %add3A_65 = arith.addf %dot_general3A_60, %add3A_64 : vector<4800x96xf32>
    %slice3A_66 = vector.extract_strided_slice %add3A_42 {offsets = [0, 0], sizes = [50, 96], strides = [1, 1]} : vector<1600x96xf32> to vector<50x96xf32>
    %swap3A = arith.constant 0 : index
    %swap3A_67 = arith.constant 0 : index
    %swap3A_68 = arith.constant 0 : index
    %swap3A_69 = vector.load %arg12[%swap3A, %swap3A_67, %swap3A_68] : memref<32x50x96xf32, #tpu.memory_space<vmem>>, vector<1x50x96xf32>
    %swap3A_70 = vector.shape_cast %swap3A_69 : vector<1x50x96xf32> to vector<50x96xf32>
    %swap3A_71 = vector.shape_cast %slice3A_66 : vector<50x96xf32> to vector<1x50x96xf32>
    tpu.vector_store %arg12[%swap3A, %swap3A_67, %swap3A_68], %swap3A_71 {strides = array<i32>} : memref<32x50x96xf32, #tpu.memory_space<vmem>>, vector<1x50x96xf32>,
    %slice3A_72 = vector.extract_strided_slice %dot_general3A_52 {offsets = [0, 0], sizes = [50, 16], strides = [1, 1]} : vector<1600x16xf32> to vector<50x16xf32>
    %swap3A_73 = arith.constant 0 : index
    %swap3A_74 = arith.constant 0 : index
    %swap3A_75 = arith.constant 0 : index
    %swap3A_76 = vector.load %arg13[%swap3A_73, %swap3A_74, %swap3A_75] : memref<32x50x16xf32, #tpu.memory_space<vmem>>, vector<1x50x16xf32>
    %swap3A_77 = vector.shape_cast %swap3A_76 : vector<1x50x16xf32> to vector<50x16xf32>
    %swap3A_78 = vector.shape_cast %slice3A_72 : vector<50x16xf32> to vector<1x50x16xf32>
    tpu.vector_store %arg13[%swap3A_73, %swap3A_74, %swap3A_75], %swap3A_78 {strides = array<i32>} : memref<32x50x16xf32, #tpu.memory_space<vmem>>, vector<1x50x16xf32>,
    %slice3A_79 = vector.extract_strided_slice %add3A_65 {offsets = [0, 0], sizes = [150, 96], strides = [1, 1]} : vector<4800x96xf32> to vector<150x96xf32>
    %reshape3A = vector.shape_cast %slice3A_79 : vector<150x96xf32> to vector<50x3x96xf32>
    %swap3A_80 = arith.constant 0 : index
    %swap3A_81 = arith.constant 0 : index
    %swap3A_82 = arith.constant 0 : index
    %swap3A_83 = arith.constant 0 : index
    %swap3A_84 = vector.load %arg14[%swap3A_80, %swap3A_81, %swap3A_82, %swap3A_83] : memref<32x50x3x96xf32, #tpu.memory_space<vmem>>, vector<1x50x3x96xf32>
    %swap3A_85 = vector.shape_cast %swap3A_84 : vector<1x50x3x96xf32> to vector<50x3x96xf32>
    %swap3A_86 = vector.shape_cast %reshape3A : vector<50x3x96xf32> to vector<1x50x3x96xf32>
    tpu.vector_store %arg14[%swap3A_80, %swap3A_81, %swap3A_82, %swap3A_83], %swap3A_86 {strides = array<i32>} : memref<32x50x3x96xf32, #tpu.memory_space<vmem>>, vector<1x50x3x96xf32>,
    %slice3A_87 = vector.extract_strided_slice %add3A_42 {offsets = [50, 0], sizes = [50, 96], strides = [1, 1]} : vector<1600x96xf32> to vector<50x96xf32>
    %swap3A_88 = arith.constant 1 : index
    %swap3A_89 = arith.constant 0 : index
    %swap3A_90 = arith.constant 0 : index
    %swap3A_91 = vector.load %arg12[%swap3A_88, %swap3A_89, %swap3A_90] : memref<32x50x96xf32, #tpu.memory_space<vmem>>, vector<1x50x96xf32>
    %swap3A_92 = vector.shape_cast %swap3A_91 : vector<1x50x96xf32> to vector<50x96xf32>
    %swap3A_93 = vector.shape_cast %slice3A_87 : vector<50x96xf32> to vector<1x50x96xf32>
    tpu.vector_store %arg12[%swap3A_88, %swap3A_89, %swap3A_90], %swap3A_93 {strides = array<i32>} : memref<32x50x96xf32, #tpu.memory_space<vmem>>, vector<1x50x96xf32>,
    %slice3A_94 = vector.extract_strided_slice %dot_general3A_52 {offsets = [50, 0], sizes = [50, 16], strides = [1, 1]} : vector<1600x16xf32> to vector<50x16xf32>
    %swap3A_95 = arith.constant 1 : index
    %swap3A_96 = arith.constant 0 : index
    %swap3A_97 = arith.constant 0 : index
    %swap3A_98 = vector.load %arg13[%swap3A_95, %swap3A_96, %swap3A_97] : memref<32x50x16xf32, #tpu.memory_space<vmem>>, vector<1x50x16xf32>
    %swap3A_99 = vector.shape_cast %swap3A_98 : vector<1x50x16xf32> to vector<50x16xf32>
    %swap3A_100 = vector.shape_cast %slice3A_94 : vector<50x16xf32> to vector<1x50x16xf32>
    tpu.vector_store %arg13[%swap3A_95, %swap3A_96, %swap3A_97], %swap3A_100 {strides = array<i32>} : memref<32x50x16xf32, #tpu.memory_space<vmem>>, vector<1x50x16xf32>,
    %slice3A_101 = vector.extract_strided_slice %add3A_65 {offsets = [150, 0], sizes = [150, 96], strides = [1, 1]} : vector<4800x96xf32> to vector<150x96xf32>
    %reshape3A_102 = vector.shape_cast %slice3A_101 : vector<150x96xf32> to vector<50x3x96xf32>
    %swap3A_103 = arith.constant 1 : index
    %swap3A_104 = arith.constant 0 : index
    %swap3A_105 = arith.constant 0 : index
    %swap3A_106 = arith.constant 0 : index
    %swap3A_107 = vector.load %arg14[%swap3A_103, %swap3A_104, %swap3A_105, %swap3A_106] : memref<32x50x3x96xf32, #tpu.memory_space<vmem>>, vector<1x50x3x96xf32>
    %swap3A_108 = vector.shape_cast %swap3A_107 : vector<1x50x3x96xf32> to vector<50x3x96xf32>
    %swap3A_109 = vector.shape_cast %reshape3A_102 : vector<50x3x96xf32> to vector<1x50x3x96xf32>
    tpu.vector_store %arg14[%swap3A_103, %swap3A_104, %swap3A_105, %swap3A_106], %swap3A_109 {strides = array<i32>} : memref<32x50x3x96xf32, #tpu.memory_space<vmem>>, vector<1x50x3x96xf32>,
    %slice3A_110 = vector.extract_strided_slice %add3A_42 {offsets = [100, 0], sizes = [50, 96], strides = [1, 1]} : vector<1600x96xf32> to vector<50x96xf32>
    %swap3A_111 = arith.constant 2 : index
    %swap3A_112 = arith.constant 0 : index
    %swap3A_113 = arith.constant 0 : index
    %swap3A_114 = vector.load %arg12[%swap3A_111, %swap3A_112, %swap3A_113] : memref<32x50x96xf32, #tpu.memory_space<vmem>>, vector<1x50x96xf32>
    %swap3A_115 = vector.shape_cast %swap3A_114 : vector<1x50x96xf32> to vector<50x96xf32>
    %swap3A_116 = vector.shape_cast %slice3A_110 : vector<50x96xf32> to vector<1x50x96xf32>
    tpu.vector_store %arg12[%swap3A_111, %swap3A_112, %swap3A_113], %swap3A_116 {strides = array<i32>} : memref<32x50x96xf32, #tpu.memory_space<vmem>>, vector<1x50x96xf32>,
    %slice3A_117 = vector.extract_strided_slice %dot_general3A_52 {offsets = [100, 0], sizes = [50, 16], strides = [1, 1]} : vector<1600x16xf32> to vector<50x16xf32>
    %swap3A_118 = arith.constant 2 : index
    %swap3A_119 = arith.constant 0 : index
    %swap3A_120 = arith.constant 0 : index
    %swap3A_121 = vector.load %arg13[%swap3A_118, %swap3A_119, %swap3A_120] : memref<32x50x16xf32, #tpu.memory_space<vmem>>, vector<1x50x16xf32>
    %swap3A_122 = vector.shape_cast %swap3A_121 : vector<1x50x16xf32> to vector<50x16xf32>
    %swap3A_123 = vector.shape_cast %slice3A_117 : vector<50x16xf32> to vector<1x50x16xf32>
    tpu.vector_store %arg13[%swap3A_118, %swap3A_119, %swap3A_120], %swap3A_123 {strides = array<i32>} : memref<32x50x16xf32, #tpu.memory_space<vmem>>, vector<1x50x16xf32>,
    %slice3A_124 = vector.extract_strided_slice %add3A_65 {offsets = [300, 0], sizes = [150, 96], strides = [1, 1]} : vector<4800x96xf32> to vector<150x96xf32>
    %reshape3A_125 = vector.shape_cast %slice3A_124 : vector<150x96xf32> to vector<50x3x96xf32>
    %swap3A_126 = arith.constant 2 : index
    %swap3A_127 = arith.constant 0 : index
    %swap3A_128 = arith.constant 0 : index
    %swap3A_129 = arith.constant 0 : index
    %swap3A_130 = vector.load %arg14[%swap3A_126, %swap3A_127, %swap3A_128, %swap3A_129] : memref<32x50x3x96xf32, #tpu.memory_space<vmem>>, vector<1x50x3x96xf32>
    %swap3A_131 = vector.shape_cast %swap3A_130 : vector<1x50x3x96xf32> to vector<50x3x96xf32>
    %swap3A_132 = vector.shape_cast %reshape3A_125 : vector<50x3x96xf32> to vector<1x50x3x96xf32>
    tpu.vector_store %arg14[%swap3A_126, %swap3A_127, %swap3A_128, %swap3A_129], %swap3A_132 {strides = array<i32>} : memref<32x50x3x96xf32, #tpu.memory_space<vmem>>, vector<1x50x3x96xf32>,
    %slice3A_133 = vector.extract_strided_slice %add3A_42 {offsets = [150, 0], sizes = [50, 96], strides = [1, 1]} : vector<1600x96xf32> to vector<50x96xf32>
    %swap3A_134 = arith.constant 3 : index
    %swap3A_135 = arith.constant 0 : index
    %swap3A_136 = arith.constant 0 : index
    %swap3A_137 = vector.load %arg12[%swap3A_134, %swap3A_135, %swap3A_136] : memref<32x50x96xf32, #tpu.memory_space<vmem>>, vector<1x50x96xf32>
    %swap3A_138 = vector.shape_cast %swap3A_137 : vector<1x50x96xf32> to vector<50x96xf32>
    %swap3A_139 = vector.shape_cast %slice3A_133 : vector<50x96xf32> to vector<1x50x96xf32>
    tpu.vector_store %arg12[%swap3A_134, %swap3A_135, %swap3A_136], %swap3A_139 {strides = array<i32>} : memref<32x50x96xf32, #tpu.memory_space<vmem>>, vector<1x50x96xf32>,
    %slice3A_140 = vector.extract_strided_slice %dot_general3A_52 {offsets = [150, 0], sizes = [50, 16], strides = [1, 1]} : vector<1600x16xf32> to vector<50x16xf32>
    %swap3A_141 = arith.constant 3 : index
    %swap3A_142 = arith.constant 0 : index
    %swap3A_143 = arith.constant 0 : index
    %swap3A_144 = vector.load %arg13[%swap3A_141, %swap3A_142, %swap3A_143] : memref<32x50x16xf32, #tpu.memory_space<vmem>>, vector<1x50x16xf32>
    %swap3A_145 = vector.shape_cast %swap3A_144 : vector<1x50x16xf32> to vector<50x16xf32>
    %swap3A_146 = vector.shape_cast %slice3A_140 : vector<50x16xf32> to vector<1x50x16xf32>
    tpu.vector_store %arg13[%swap3A_141, %swap3A_142, %swap3A_143], %swap3A_146 {strides = array<i32>} : memref<32x50x16xf32, #tpu.memory_space<vmem>>, vector<1x50x16xf32>,
    %slice3A_147 = vector.extract_strided_slice %add3A_65 {offsets = [450, 0], sizes = [150, 96], strides = [1, 1]} : vector<4800x96xf32> to vector<150x96xf32>
    %reshape3A_148 = vector.shape_cast %slice3A_147 : vector<150x96xf32> to vector<50x3x96xf32>
    %swap3A_149 = arith.constant 3 : index
    %swap3A_150 = arith.constant 0 : index
    %swap3A_151 = arith.constant 0 : index
    %swap3A_152 = arith.constant 0 : index
    %swap3A_153 = vector.load %arg14[%swap3A_149, %swap3A_150, %swap3A_151, %swap3A_152] : memref<32x50x3x96xf32, #tpu.memory_space<vmem>>, vector<1x50x3x96xf32>
    %swap3A_154 = vector.shape_cast %swap3A_153 : vector<1x50x3x96xf32> to vector<50x3x96xf32>
    %swap3A_155 = vector.shape_cast %reshape3A_148 : vector<50x3x96xf32> to vector<1x50x3x96xf32>
    tpu.vector_store %arg14[%swap3A_149, %swap3A_150, %swap3A_151, %swap3A_152], %swap3A_155 {strides = array<i32>} : memref<32x50x3x96xf32, #tpu.memory_space<vmem>>, vector<1x50x3x96xf32>,
    %slice3A_156 = vector.extract_strided_slice %add3A_42 {offsets = [200, 0], sizes = [50, 96], strides = [1, 1]} : vector<1600x96xf32> to vector<50x96xf32>
    %swap3A_157 = arith.constant 4 : index
    %swap3A_158 = arith.constant 0 : index
    %swap3A_159 = arith.constant 0 : index
    %swap3A_160 = vector.load %arg12[%swap3A_157, %swap3A_158, %swap3A_159] : memref<32x50x96xf32, #tpu.memory_space<vmem>>, vector<1x50x96xf32>
    %swap3A_161 = vector.shape_cast %swap3A_160 : vector<1x50x96xf32> to vector<50x96xf32>
    %swap3A_162 = vector.shape_cast %slice3A_156 : vector<50x96xf32> to vector<1x50x96xf32>
    tpu.vector_store %arg12[%swap3A_157, %swap3A_158, %swap3A_159], %swap3A_162 {strides = array<i32>} : memref<32x50x96xf32, #tpu.memory_space<vmem>>, vector<1x50x96xf32>,
    %slice3A_163 = vector.extract_strided_slice %dot_general3A_52 {offsets = [200, 0], sizes = [50, 16], strides = [1, 1]} : vector<1600x16xf32> to vector<50x16xf32>
    %swap3A_164 = arith.constant 4 : index
    %swap3A_165 = arith.constant 0 : index
    %swap3A_166 = arith.constant 0 : index
    %swap3A_167 = vector.load %arg13[%swap3A_164, %swap3A_165, %swap3A_166] : memref<32x50x16xf32, #tpu.memory_space<vmem>>, vector<1x50x16xf32>
    %swap3A_168 = vector.shape_cast %swap3A_167 : vector<1x50x16xf32> to vector<50x16xf32>
    %swap3A_169 = vector.shape_cast %slice3A_163 : vector<50x16xf32> to vector<1x50x16xf32>
    tpu.vector_store %arg13[%swap3A_164, %swap3A_165, %swap3A_166], %swap3A_169 {strides = array<i32>} : memref<32x50x16xf32, #tpu.memory_space<vmem>>, vector<1x50x16xf32>,
    %slice3A_170 = vector.extract_strided_slice %add3A_65 {offsets = [600, 0], sizes = [150, 96], strides = [1, 1]} : vector<4800x96xf32> to vector<150x96xf32>
    %reshape3A_171 = vector.shape_cast %slice3A_170 : vector<150x96xf32> to vector<50x3x96xf32>
    %swap3A_172 = arith.constant 4 : index
    %swap3A_173 = arith.constant 0 : index
    %swap3A_174 = arith.constant 0 : index
    %swap3A_175 = arith.constant 0 : index
    %swap3A_176 = vector.load %arg14[%swap3A_172, %swap3A_173, %swap3A_174, %swap3A_175] : memref<32x50x3x96xf32, #tpu.memory_space<vmem>>, vector<1x50x3x96xf32>
    %swap3A_177 = vector.shape_cast %swap3A_176 : vector<1x50x3x96xf32> to vector<50x3x96xf32>
    %swap3A_178 = vector.shape_cast %reshape3A_171 : vector<50x3x96xf32> to vector<1x50x3x96xf32>
    tpu.vector_store %arg14[%swap3A_172, %swap3A_173, %swap3A_174, %swap3A_175], %swap3A_178 {strides = array<i32>} : memref<32x50x3x96xf32, #tpu.memory_space<vmem>>, vector<1x50x3x96xf32>,
    %slice3A_179 = vector.extract_strided_slice %add3A_42 {offsets = [250, 0], sizes = [50, 96], strides = [1, 1]} : vector<1600x96xf32> to vector<50x96xf32>
    %swap3A_180 = arith.constant 5 : index
    %swap3A_181 = arith.constant 0 : index
    %swap3A_182 = arith.constant 0 : index
    %swap3A_183 = vector.load %arg12[%swap3A_180, %swap3A_181, %swap3A_182] : memref<32x50x96xf32, #tpu.memory_space<vmem>>, vector<1x50x96xf32>
    %swap3A_184 = vector.shape_cast %swap3A_183 : vector<1x50x96xf32> to vector<50x96xf32>
    %swap3A_185 = vector.shape_cast %slice3A_179 : vector<50x96xf32> to vector<1x50x96xf32>
    tpu.vector_store %arg12[%swap3A_180, %swap3A_181, %swap3A_182], %swap3A_185 {strides = array<i32>} : memref<32x50x96xf32, #tpu.memory_space<vmem>>, vector<1x50x96xf32>,
    %slice3A_186 = vector.extract_strided_slice %dot_general3A_52 {offsets = [250, 0], sizes = [50, 16], strides = [1, 1]} : vector<1600x16xf32> to vector<50x16xf32>
    %swap3A_187 = arith.constant 5 : index
    %swap3A_188 = arith.constant 0 : index
    %swap3A_189 = arith.constant 0 : index
    %swap3A_190 = vector.load %arg13[%swap3A_187, %swap3A_188, %swap3A_189] : memref<32x50x16xf32, #tpu.memory_space<vmem>>, vector<1x50x16xf32>
    %swap3A_191 = vector.shape_cast %swap3A_190 : vector<1x50x16xf32> to vector<50x16xf32>
    %swap3A_192 = vector.shape_cast %slice3A_186 : vector<50x16xf32> to vector<1x50x16xf32>
    tpu.vector_store %arg13[%swap3A_187, %swap3A_188, %swap3A_189], %swap3A_192 {strides = array<i32>} : memref<32x50x16xf32, #tpu.memory_space<vmem>>, vector<1x50x16xf32>,
    %slice3A_193 = vector.extract_strided_slice %add3A_65 {offsets = [750, 0], sizes = [150, 96], strides = [1, 1]} : vector<4800x96xf32> to vector<150x96xf32>
    %reshape3A_194 = vector.shape_cast %slice3A_193 : vector<150x96xf32> to vector<50x3x96xf32>
    %swap3A_195 = arith.constant 5 : index
    %swap3A_196 = arith.constant 0 : index
    %swap3A_197 = arith.constant 0 : index
    %swap3A_198 = arith.constant 0 : index
    %swap3A_199 = vector.load %arg14[%swap3A_195, %swap3A_196, %swap3A_197, %swap3A_198] : memref<32x50x3x96xf32, #tpu.memory_space<vmem>>, vector<1x50x3x96xf32>
    %swap3A_200 = vector.shape_cast %swap3A_199 : vector<1x50x3x96xf32> to vector<50x3x96xf32>
    %swap3A_201 = vector.shape_cast %reshape3A_194 : vector<50x3x96xf32> to vector<1x50x3x96xf32>
    tpu.vector_store %arg14[%swap3A_195, %swap3A_196, %swap3A_197, %swap3A_198], %swap3A_201 {strides = array<i32>} : memref<32x50x3x96xf32, #tpu.memory_space<vmem>>, vector<1x50x3x96xf32>,
    %slice3A_202 = vector.extract_strided_slice %add3A_42 {offsets = [300, 0], sizes = [50, 96], strides = [1, 1]} : vector<1600x96xf32> to vector<50x96xf32>
    %swap3A_203 = arith.constant 6 : index
    %swap3A_204 = arith.constant 0 : index
    %swap3A_205 = arith.constant 0 : index
    %swap3A_206 = vector.load %arg12[%swap3A_203, %swap3A_204, %swap3A_205] : memref<32x50x96xf32, #tpu.memory_space<vmem>>, vector<1x50x96xf32>
    %swap3A_207 = vector.shape_cast %swap3A_206 : vector<1x50x96xf32> to vector<50x96xf32>
    %swap3A_208 = vector.shape_cast %slice3A_202 : vector<50x96xf32> to vector<1x50x96xf32>
    tpu.vector_store %arg12[%swap3A_203, %swap3A_204, %swap3A_205], %swap3A_208 {strides = array<i32>} : memref<32x50x96xf32, #tpu.memory_space<vmem>>, vector<1x50x96xf32>,
    %slice3A_209 = vector.extract_strided_slice %dot_general3A_52 {offsets = [300, 0], sizes = [50, 16], strides = [1, 1]} : vector<1600x16xf32> to vector<50x16xf32>
    %swap3A_210 = arith.constant 6 : index
    %swap3A_211 = arith.constant 0 : index
    %swap3A_212 = arith.constant 0 : index
    %swap3A_213 = vector.load %arg13[%swap3A_210, %swap3A_211, %swap3A_212] : memref<32x50x16xf32, #tpu.memory_space<vmem>>, vector<1x50x16xf32>
    %swap3A_214 = vector.shape_cast %swap3A_213 : vector<1x50x16xf32> to vector<50x16xf32>
    %swap3A_215 = vector.shape_cast %slice3A_209 : vector<50x16xf32> to vector<1x50x16xf32>
    tpu.vector_store %arg13[%swap3A_210, %swap3A_211, %swap3A_212], %swap3A_215 {strides = array<i32>} : memref<32x50x16xf32, #tpu.memory_space<vmem>>, vector<1x50x16xf32>,
    %slice3A_216 = vector.extract_strided_slice %add3A_65 {offsets = [900, 0], sizes = [150, 96], strides = [1, 1]} : vector<4800x96xf32> to vector<150x96xf32>
    %reshape3A_217 = vector.shape_cast %slice3A_216 : vector<150x96xf32> to vector<50x3x96xf32>
    %swap3A_218 = arith.constant 6 : index
    %swap3A_219 = arith.constant 0 : index
    %swap3A_220 = arith.constant 0 : index
    %swap3A_221 = arith.constant 0 : index
    %swap3A_222 = vector.load %arg14[%swap3A_218, %swap3A_219, %swap3A_220, %swap3A_221] : memref<32x50x3x96xf32, #tpu.memory_space<vmem>>, vector<1x50x3x96xf32>
    %swap3A_223 = vector.shape_cast %swap3A_222 : vector<1x50x3x96xf32> to vector<50x3x96xf32>
    %swap3A_224 = vector.shape_cast %reshape3A_217 : vector<50x3x96xf32> to vector<1x50x3x96xf32>
    tpu.vector_store %arg14[%swap3A_218, %swap3A_219, %swap3A_220, %swap3A_221], %swap3A_224 {strides = array<i32>} : memref<32x50x3x96xf32, #tpu.memory_space<vmem>>, vector<1x50x3x96xf32>,
    %slice3A_225 = vector.extract_strided_slice %add3A_42 {offsets = [350, 0], sizes = [50, 96], strides = [1, 1]} : vector<1600x96xf32> to vector<50x96xf32>
    %swap3A_226 = arith.constant 7 : index
    %swap3A_227 = arith.constant 0 : index
    %swap3A_228 = arith.constant 0 : index
    %swap3A_229 = vector.load %arg12[%swap3A_226, %swap3A_227, %swap3A_228] : memref<32x50x96xf32, #tpu.memory_space<vmem>>, vector<1x50x96xf32>
    %swap3A_230 = vector.shape_cast %swap3A_229 : vector<1x50x96xf32> to vector<50x96xf32>
    %swap3A_231 = vector.shape_cast %slice3A_225 : vector<50x96xf32> to vector<1x50x96xf32>
    tpu.vector_store %arg12[%swap3A_226, %swap3A_227, %swap3A_228], %swap3A_231 {strides = array<i32>} : memref<32x50x96xf32, #tpu.memory_space<vmem>>, vector<1x50x96xf32>,
    %slice3A_232 = vector.extract_strided_slice %dot_general3A_52 {offsets = [350, 0], sizes = [50, 16], strides = [1, 1]} : vector<1600x16xf32> to vector<50x16xf32>
    %swap3A_233 = arith.constant 7 : index
    %swap3A_234 = arith.constant 0 : index
    %swap3A_235 = arith.constant 0 : index
    %swap3A_236 = vector.load %arg13[%swap3A_233, %swap3A_234, %swap3A_235] : memref<32x50x16xf32, #tpu.memory_space<vmem>>, vector<1x50x16xf32>
    %swap3A_237 = vector.shape_cast %swap3A_236 : vector<1x50x16xf32> to vector<50x16xf32>
    %swap3A_238 = vector.shape_cast %slice3A_232 : vector<50x16xf32> to vector<1x50x16xf32>
    tpu.vector_store %arg13[%swap3A_233, %swap3A_234, %swap3A_235], %swap3A_238 {strides = array<i32>} : memref<32x50x16xf32, #tpu.memory_space<vmem>>, vector<1x50x16xf32>,
    %slice3A_239 = vector.extract_strided_slice %add3A_65 {offsets = [1050, 0], sizes = [150, 96], strides = [1, 1]} : vector<4800x96xf32> to vector<150x96xf32>
    %reshape3A_240 = vector.shape_cast %slice3A_239 : vector<150x96xf32> to vector<50x3x96xf32>
    %swap3A_241 = arith.constant 7 : index
    %swap3A_242 = arith.constant 0 : index
    %swap3A_243 = arith.constant 0 : index
    %swap3A_244 = arith.constant 0 : index
    %swap3A_245 = vector.load %arg14[%swap3A_241, %swap3A_242, %swap3A_243, %swap3A_244] : memref<32x50x3x96xf32, #tpu.memory_space<vmem>>, vector<1x50x3x96xf32>
    %swap3A_246 = vector.shape_cast %swap3A_245 : vector<1x50x3x96xf32> to vector<50x3x96xf32>
    %swap3A_247 = vector.shape_cast %reshape3A_240 : vector<50x3x96xf32> to vector<1x50x3x96xf32>
    tpu.vector_store %arg14[%swap3A_241, %swap3A_242, %swap3A_243, %swap3A_244], %swap3A_247 {strides = array<i32>} : memref<32x50x3x96xf32, #tpu.memory_space<vmem>>, vector<1x50x3x96xf32>,
    %slice3A_248 = vector.extract_strided_slice %add3A_42 {offsets = [400, 0], sizes = [50, 96], strides = [1, 1]} : vector<1600x96xf32> to vector<50x96xf32>
    %swap3A_249 = arith.constant 8 : index
    %swap3A_250 = arith.constant 0 : index
    %swap3A_251 = arith.constant 0 : index
    %swap3A_252 = vector.load %arg12[%swap3A_249, %swap3A_250, %swap3A_251] : memref<32x50x96xf32, #tpu.memory_space<vmem>>, vector<1x50x96xf32>
    %swap3A_253 = vector.shape_cast %swap3A_252 : vector<1x50x96xf32> to vector<50x96xf32>
    %swap3A_254 = vector.shape_cast %slice3A_248 : vector<50x96xf32> to vector<1x50x96xf32>
    tpu.vector_store %arg12[%swap3A_249, %swap3A_250, %swap3A_251], %swap3A_254 {strides = array<i32>} : memref<32x50x96xf32, #tpu.memory_space<vmem>>, vector<1x50x96xf32>,
    %slice3A_255 = vector.extract_strided_slice %dot_general3A_52 {offsets = [400, 0], sizes = [50, 16], strides = [1, 1]} : vector<1600x16xf32> to vector<50x16xf32>
    %swap3A_256 = arith.constant 8 : index
    %swap3A_257 = arith.constant 0 : index
    %swap3A_258 = arith.constant 0 : index
    %swap3A_259 = vector.load %arg13[%swap3A_256, %swap3A_257, %swap3A_258] : memref<32x50x16xf32, #tpu.memory_space<vmem>>, vector<1x50x16xf32>
    %swap3A_260 = vector.shape_cast %swap3A_259 : vector<1x50x16xf32> to vector<50x16xf32>
    %swap3A_261 = vector.shape_cast %slice3A_255 : vector<50x16xf32> to vector<1x50x16xf32>
    tpu.vector_store %arg13[%swap3A_256, %swap3A_257, %swap3A_258], %swap3A_261 {strides = array<i32>} : memref<32x50x16xf32, #tpu.memory_space<vmem>>, vector<1x50x16xf32>,
    %slice3A_262 = vector.extract_strided_slice %add3A_65 {offsets = [1200, 0], sizes = [150, 96], strides = [1, 1]} : vector<4800x96xf32> to vector<150x96xf32>
    %reshape3A_263 = vector.shape_cast %slice3A_262 : vector<150x96xf32> to vector<50x3x96xf32>
    %swap3A_264 = arith.constant 8 : index
    %swap3A_265 = arith.constant 0 : index
    %swap3A_266 = arith.constant 0 : index
    %swap3A_267 = arith.constant 0 : index
    %swap3A_268 = vector.load %arg14[%swap3A_264, %swap3A_265, %swap3A_266, %swap3A_267] : memref<32x50x3x96xf32, #tpu.memory_space<vmem>>, vector<1x50x3x96xf32>
    %swap3A_269 = vector.shape_cast %swap3A_268 : vector<1x50x3x96xf32> to vector<50x3x96xf32>
    %swap3A_270 = vector.shape_cast %reshape3A_263 : vector<50x3x96xf32> to vector<1x50x3x96xf32>
    tpu.vector_store %arg14[%swap3A_264, %swap3A_265, %swap3A_266, %swap3A_267], %swap3A_270 {strides = array<i32>} : memref<32x50x3x96xf32, #tpu.memory_space<vmem>>, vector<1x50x3x96xf32>,
    %slice3A_271 = vector.extract_strided_slice %add3A_42 {offsets = [450, 0], sizes = [50, 96], strides = [1, 1]} : vector<1600x96xf32> to vector<50x96xf32>
    %swap3A_272 = arith.constant 9 : index
    %swap3A_273 = arith.constant 0 : index
    %swap3A_274 = arith.constant 0 : index
    %swap3A_275 = vector.load %arg12[%swap3A_272, %swap3A_273, %swap3A_274] : memref<32x50x96xf32, #tpu.memory_space<vmem>>, vector<1x50x96xf32>
    %swap3A_276 = vector.shape_cast %swap3A_275 : vector<1x50x96xf32> to vector<50x96xf32>
    %swap3A_277 = vector.shape_cast %slice3A_271 : vector<50x96xf32> to vector<1x50x96xf32>
    tpu.vector_store %arg12[%swap3A_272, %swap3A_273, %swap3A_274], %swap3A_277 {strides = array<i32>} : memref<32x50x96xf32, #tpu.memory_space<vmem>>, vector<1x50x96xf32>,
    %slice3A_278 = vector.extract_strided_slice %dot_general3A_52 {offsets = [450, 0], sizes = [50, 16], strides = [1, 1]} : vector<1600x16xf32> to vector<50x16xf32>
    %swap3A_279 = arith.constant 9 : index
    %swap3A_280 = arith.constant 0 : index
    %swap3A_281 = arith.constant 0 : index
    %swap3A_282 = vector.load %arg13[%swap3A_279, %swap3A_280, %swap3A_281] : memref<32x50x16xf32, #tpu.memory_space<vmem>>, vector<1x50x16xf32>
    %swap3A_283 = vector.shape_cast %swap3A_282 : vector<1x50x16xf32> to vector<50x16xf32>
    %swap3A_284 = vector.shape_cast %slice3A_278 : vector<50x16xf32> to vector<1x50x16xf32>
    tpu.vector_store %arg13[%swap3A_279, %swap3A_280, %swap3A_281], %swap3A_284 {strides = array<i32>} : memref<32x50x16xf32, #tpu.memory_space<vmem>>, vector<1x50x16xf32>,
    %slice3A_285 = vector.extract_strided_slice %add3A_65 {offsets = [1350, 0], sizes = [150, 96], strides = [1, 1]} : vector<4800x96xf32> to vector<150x96xf32>
    %reshape3A_286 = vector.shape_cast %slice3A_285 : vector<150x96xf32> to vector<50x3x96xf32>
    %swap3A_287 = arith.constant 9 : index
    %swap3A_288 = arith.constant 0 : index
    %swap3A_289 = arith.constant 0 : index
    %swap3A_290 = arith.constant 0 : index
    %swap3A_291 = vector.load %arg14[%swap3A_287, %swap3A_288, %swap3A_289, %swap3A_290] : memref<32x50x3x96xf32, #tpu.memory_space<vmem>>, vector<1x50x3x96xf32>
    %swap3A_292 = vector.shape_cast %swap3A_291 : vector<1x50x3x96xf32> to vector<50x3x96xf32>
    %swap3A_293 = vector.shape_cast %reshape3A_286 : vector<50x3x96xf32> to vector<1x50x3x96xf32>
    tpu.vector_store %arg14[%swap3A_287, %swap3A_288, %swap3A_289, %swap3A_290], %swap3A_293 {strides = array<i32>} : memref<32x50x3x96xf32, #tpu.memory_space<vmem>>, vector<1x50x3x96xf32>,
    %slice3A_294 = vector.extract_strided_slice %add3A_42 {offsets = [500, 0], sizes = [50, 96], strides = [1, 1]} : vector<1600x96xf32> to vector<50x96xf32>
    %swap3A_295 = arith.constant 10 : index
    %swap3A_296 = arith.constant 0 : index
    %swap3A_297 = arith.constant 0 : index
    %swap3A_298 = vector.load %arg12[%swap3A_295, %swap3A_296, %swap3A_297] : memref<32x50x96xf32, #tpu.memory_space<vmem>>, vector<1x50x96xf32>
    %swap3A_299 = vector.shape_cast %swap3A_298 : vector<1x50x96xf32> to vector<50x96xf32>
    %swap3A_300 = vector.shape_cast %slice3A_294 : vector<50x96xf32> to vector<1x50x96xf32>
    tpu.vector_store %arg12[%swap3A_295, %swap3A_296, %swap3A_297], %swap3A_300 {strides = array<i32>} : memref<32x50x96xf32, #tpu.memory_space<vmem>>, vector<1x50x96xf32>,
    %slice3A_301 = vector.extract_strided_slice %dot_general3A_52 {offsets = [500, 0], sizes = [50, 16], strides = [1, 1]} : vector<1600x16xf32> to vector<50x16xf32>
    %swap3A_302 = arith.constant 10 : index
    %swap3A_303 = arith.constant 0 : index
    %swap3A_304 = arith.constant 0 : index
    %swap3A_305 = vector.load %arg13[%swap3A_302, %swap3A_303, %swap3A_304] : memref<32x50x16xf32, #tpu.memory_space<vmem>>, vector<1x50x16xf32>
    %swap3A_306 = vector.shape_cast %swap3A_305 : vector<1x50x16xf32> to vector<50x16xf32>
    %swap3A_307 = vector.shape_cast %slice3A_301 : vector<50x16xf32> to vector<1x50x16xf32>
    tpu.vector_store %arg13[%swap3A_302, %swap3A_303, %swap3A_304], %swap3A_307 {strides = array<i32>} : memref<32x50x16xf32, #tpu.memory_space<vmem>>, vector<1x50x16xf32>,
    %slice3A_308 = vector.extract_strided_slice %add3A_65 {offsets = [1500, 0], sizes = [150, 96], strides = [1, 1]} : vector<4800x96xf32> to vector<150x96xf32>
    %reshape3A_309 = vector.shape_cast %slice3A_308 : vector<150x96xf32> to vector<50x3x96xf32>
    %swap3A_310 = arith.constant 10 : index
    %swap3A_311 = arith.constant 0 : index
    %swap3A_312 = arith.constant 0 : index
    %swap3A_313 = arith.constant 0 : index
    %swap3A_314 = vector.load %arg14[%swap3A_310, %swap3A_311, %swap3A_312, %swap3A_313] : memref<32x50x3x96xf32, #tpu.memory_space<vmem>>, vector<1x50x3x96xf32>
    %swap3A_315 = vector.shape_cast %swap3A_314 : vector<1x50x3x96xf32> to vector<50x3x96xf32>
    %swap3A_316 = vector.shape_cast %reshape3A_309 : vector<50x3x96xf32> to vector<1x50x3x96xf32>
    tpu.vector_store %arg14[%swap3A_310, %swap3A_311, %swap3A_312, %swap3A_313], %swap3A_316 {strides = array<i32>} : memref<32x50x3x96xf32, #tpu.memory_space<vmem>>, vector<1x50x3x96xf32>,
    %slice3A_317 = vector.extract_strided_slice %add3A_42 {offsets = [550, 0], sizes = [50, 96], strides = [1, 1]} : vector<1600x96xf32> to vector<50x96xf32>
    %swap3A_318 = arith.constant 11 : index
    %swap3A_319 = arith.constant 0 : index
    %swap3A_320 = arith.constant 0 : index
    %swap3A_321 = vector.load %arg12[%swap3A_318, %swap3A_319, %swap3A_320] : memref<32x50x96xf32, #tpu.memory_space<vmem>>, vector<1x50x96xf32>
    %swap3A_322 = vector.shape_cast %swap3A_321 : vector<1x50x96xf32> to vector<50x96xf32>
    %swap3A_323 = vector.shape_cast %slice3A_317 : vector<50x96xf32> to vector<1x50x96xf32>
    tpu.vector_store %arg12[%swap3A_318, %swap3A_319, %swap3A_320], %swap3A_323 {strides = array<i32>} : memref<32x50x96xf32, #tpu.memory_space<vmem>>, vector<1x50x96xf32>,
    %slice3A_324 = vector.extract_strided_slice %dot_general3A_52 {offsets = [550, 0], sizes = [50, 16], strides = [1, 1]} : vector<1600x16xf32> to vector<50x16xf32>
    %swap3A_325 = arith.constant 11 : index
    %swap3A_326 = arith.constant 0 : index
    %swap3A_327 = arith.constant 0 : index
    %swap3A_328 = vector.load %arg13[%swap3A_325, %swap3A_326, %swap3A_327] : memref<32x50x16xf32, #tpu.memory_space<vmem>>, vector<1x50x16xf32>
    %swap3A_329 = vector.shape_cast %swap3A_328 : vector<1x50x16xf32> to vector<50x16xf32>
    %swap3A_330 = vector.shape_cast %slice3A_324 : vector<50x16xf32> to vector<1x50x16xf32>
    tpu.vector_store %arg13[%swap3A_325, %swap3A_326, %swap3A_327], %swap3A_330 {strides = array<i32>} : memref<32x50x16xf32, #tpu.memory_space<vmem>>, vector<1x50x16xf32>,
    %slice3A_331 = vector.extract_strided_slice %add3A_65 {offsets = [1650, 0], sizes = [150, 96], strides = [1, 1]} : vector<4800x96xf32> to vector<150x96xf32>
    %reshape3A_332 = vector.shape_cast %slice3A_331 : vector<150x96xf32> to vector<50x3x96xf32>
    %swap3A_333 = arith.constant 11 : index
    %swap3A_334 = arith.constant 0 : index
    %swap3A_335 = arith.constant 0 : index
    %swap3A_336 = arith.constant 0 : index
    %swap3A_337 = vector.load %arg14[%swap3A_333, %swap3A_334, %swap3A_335, %swap3A_336] : memref<32x50x3x96xf32, #tpu.memory_space<vmem>>, vector<1x50x3x96xf32>
    %swap3A_338 = vector.shape_cast %swap3A_337 : vector<1x50x3x96xf32> to vector<50x3x96xf32>
    %swap3A_339 = vector.shape_cast %reshape3A_332 : vector<50x3x96xf32> to vector<1x50x3x96xf32>
    tpu.vector_store %arg14[%swap3A_333, %swap3A_334, %swap3A_335, %swap3A_336], %swap3A_339 {strides = array<i32>} : memref<32x50x3x96xf32, #tpu.memory_space<vmem>>, vector<1x50x3x96xf32>,
    %slice3A_340 = vector.extract_strided_slice %add3A_42 {offsets = [600, 0], sizes = [50, 96], strides = [1, 1]} : vector<1600x96xf32> to vector<50x96xf32>
    %swap3A_341 = arith.constant 12 : index
    %swap3A_342 = arith.constant 0 : index
    %swap3A_343 = arith.constant 0 : index
    %swap3A_344 = vector.load %arg12[%swap3A_341, %swap3A_342, %swap3A_343] : memref<32x50x96xf32, #tpu.memory_space<vmem>>, vector<1x50x96xf32>
    %swap3A_345 = vector.shape_cast %swap3A_344 : vector<1x50x96xf32> to vector<50x96xf32>
    %swap3A_346 = vector.shape_cast %slice3A_340 : vector<50x96xf32> to vector<1x50x96xf32>
    tpu.vector_store %arg12[%swap3A_341, %swap3A_342, %swap3A_343], %swap3A_346 {strides = array<i32>} : memref<32x50x96xf32, #tpu.memory_space<vmem>>, vector<1x50x96xf32>,
    %slice3A_347 = vector.extract_strided_slice %dot_general3A_52 {offsets = [600, 0], sizes = [50, 16], strides = [1, 1]} : vector<1600x16xf32> to vector<50x16xf32>
    %swap3A_348 = arith.constant 12 : index
    %swap3A_349 = arith.constant 0 : index
    %swap3A_350 = arith.constant 0 : index
    %swap3A_351 = vector.load %arg13[%swap3A_348, %swap3A_349, %swap3A_350] : memref<32x50x16xf32, #tpu.memory_space<vmem>>, vector<1x50x16xf32>
    %swap3A_352 = vector.shape_cast %swap3A_351 : vector<1x50x16xf32> to vector<50x16xf32>
    %swap3A_353 = vector.shape_cast %slice3A_347 : vector<50x16xf32> to vector<1x50x16xf32>
    tpu.vector_store %arg13[%swap3A_348, %swap3A_349, %swap3A_350], %swap3A_353 {strides = array<i32>} : memref<32x50x16xf32, #tpu.memory_space<vmem>>, vector<1x50x16xf32>,
    %slice3A_354 = vector.extract_strided_slice %add3A_65 {offsets = [1800, 0], sizes = [150, 96], strides = [1, 1]} : vector<4800x96xf32> to vector<150x96xf32>
    %reshape3A_355 = vector.shape_cast %slice3A_354 : vector<150x96xf32> to vector<50x3x96xf32>
    %swap3A_356 = arith.constant 12 : index
    %swap3A_357 = arith.constant 0 : index
    %swap3A_358 = arith.constant 0 : index
    %swap3A_359 = arith.constant 0 : index
    %swap3A_360 = vector.load %arg14[%swap3A_356, %swap3A_357, %swap3A_358, %swap3A_359] : memref<32x50x3x96xf32, #tpu.memory_space<vmem>>, vector<1x50x3x96xf32>
    %swap3A_361 = vector.shape_cast %swap3A_360 : vector<1x50x3x96xf32> to vector<50x3x96xf32>
    %swap3A_362 = vector.shape_cast %reshape3A_355 : vector<50x3x96xf32> to vector<1x50x3x96xf32>
    tpu.vector_store %arg14[%swap3A_356, %swap3A_357, %swap3A_358, %swap3A_359], %swap3A_362 {strides = array<i32>} : memref<32x50x3x96xf32, #tpu.memory_space<vmem>>, vector<1x50x3x96xf32>,
    %slice3A_363 = vector.extract_strided_slice %add3A_42 {offsets = [650, 0], sizes = [50, 96], strides = [1, 1]} : vector<1600x96xf32> to vector<50x96xf32>
    %swap3A_364 = arith.constant 13 : index
    %swap3A_365 = arith.constant 0 : index
    %swap3A_366 = arith.constant 0 : index
    %swap3A_367 = vector.load %arg12[%swap3A_364, %swap3A_365, %swap3A_366] : memref<32x50x96xf32, #tpu.memory_space<vmem>>, vector<1x50x96xf32>
    %swap3A_368 = vector.shape_cast %swap3A_367 : vector<1x50x96xf32> to vector<50x96xf32>
    %swap3A_369 = vector.shape_cast %slice3A_363 : vector<50x96xf32> to vector<1x50x96xf32>
    tpu.vector_store %arg12[%swap3A_364, %swap3A_365, %swap3A_366], %swap3A_369 {strides = array<i32>} : memref<32x50x96xf32, #tpu.memory_space<vmem>>, vector<1x50x96xf32>,
    %slice3A_370 = vector.extract_strided_slice %dot_general3A_52 {offsets = [650, 0], sizes = [50, 16], strides = [1, 1]} : vector<1600x16xf32> to vector<50x16xf32>
    %swap3A_371 = arith.constant 13 : index
    %swap3A_372 = arith.constant 0 : index
    %swap3A_373 = arith.constant 0 : index
    %swap3A_374 = vector.load %arg13[%swap3A_371, %swap3A_372, %swap3A_373] : memref<32x50x16xf32, #tpu.memory_space<vmem>>, vector<1x50x16xf32>
    %swap3A_375 = vector.shape_cast %swap3A_374 : vector<1x50x16xf32> to vector<50x16xf32>
    %swap3A_376 = vector.shape_cast %slice3A_370 : vector<50x16xf32> to vector<1x50x16xf32>
    tpu.vector_store %arg13[%swap3A_371, %swap3A_372, %swap3A_373], %swap3A_376 {strides = array<i32>} : memref<32x50x16xf32, #tpu.memory_space<vmem>>, vector<1x50x16xf32>,
    %slice3A_377 = vector.extract_strided_slice %add3A_65 {offsets = [1950, 0], sizes = [150, 96], strides = [1, 1]} : vector<4800x96xf32> to vector<150x96xf32>
    %reshape3A_378 = vector.shape_cast %slice3A_377 : vector<150x96xf32> to vector<50x3x96xf32>
    %swap3A_379 = arith.constant 13 : index
    %swap3A_380 = arith.constant 0 : index
    %swap3A_381 = arith.constant 0 : index
    %swap3A_382 = arith.constant 0 : index
    %swap3A_383 = vector.load %arg14[%swap3A_379, %swap3A_380, %swap3A_381, %swap3A_382] : memref<32x50x3x96xf32, #tpu.memory_space<vmem>>, vector<1x50x3x96xf32>
    %swap3A_384 = vector.shape_cast %swap3A_383 : vector<1x50x3x96xf32> to vector<50x3x96xf32>
    %swap3A_385 = vector.shape_cast %reshape3A_378 : vector<50x3x96xf32> to vector<1x50x3x96xf32>
    tpu.vector_store %arg14[%swap3A_379, %swap3A_380, %swap3A_381, %swap3A_382], %swap3A_385 {strides = array<i32>} : memref<32x50x3x96xf32, #tpu.memory_space<vmem>>, vector<1x50x3x96xf32>,
    %slice3A_386 = vector.extract_strided_slice %add3A_42 {offsets = [700, 0], sizes = [50, 96], strides = [1, 1]} : vector<1600x96xf32> to vector<50x96xf32>
    %swap3A_387 = arith.constant 14 : index
    %swap3A_388 = arith.constant 0 : index
    %swap3A_389 = arith.constant 0 : index
    %swap3A_390 = vector.load %arg12[%swap3A_387, %swap3A_388, %swap3A_389] : memref<32x50x96xf32, #tpu.memory_space<vmem>>, vector<1x50x96xf32>
    %swap3A_391 = vector.shape_cast %swap3A_390 : vector<1x50x96xf32> to vector<50x96xf32>
    %swap3A_392 = vector.shape_cast %slice3A_386 : vector<50x96xf32> to vector<1x50x96xf32>
    tpu.vector_store %arg12[%swap3A_387, %swap3A_388, %swap3A_389], %swap3A_392 {strides = array<i32>} : memref<32x50x96xf32, #tpu.memory_space<vmem>>, vector<1x50x96xf32>,
    %slice3A_393 = vector.extract_strided_slice %dot_general3A_52 {offsets = [700, 0], sizes = [50, 16], strides = [1, 1]} : vector<1600x16xf32> to vector<50x16xf32>
    %swap3A_394 = arith.constant 14 : index
    %swap3A_395 = arith.constant 0 : index
    %swap3A_396 = arith.constant 0 : index
    %swap3A_397 = vector.load %arg13[%swap3A_394, %swap3A_395, %swap3A_396] : memref<32x50x16xf32, #tpu.memory_space<vmem>>, vector<1x50x16xf32>
    %swap3A_398 = vector.shape_cast %swap3A_397 : vector<1x50x16xf32> to vector<50x16xf32>
    %swap3A_399 = vector.shape_cast %slice3A_393 : vector<50x16xf32> to vector<1x50x16xf32>
    tpu.vector_store %arg13[%swap3A_394, %swap3A_395, %swap3A_396], %swap3A_399 {strides = array<i32>} : memref<32x50x16xf32, #tpu.memory_space<vmem>>, vector<1x50x16xf32>,
    %slice3A_400 = vector.extract_strided_slice %add3A_65 {offsets = [2100, 0], sizes = [150, 96], strides = [1, 1]} : vector<4800x96xf32> to vector<150x96xf32>
    %reshape3A_401 = vector.shape_cast %slice3A_400 : vector<150x96xf32> to vector<50x3x96xf32>
    %swap3A_402 = arith.constant 14 : index
    %swap3A_403 = arith.constant 0 : index
    %swap3A_404 = arith.constant 0 : index
    %swap3A_405 = arith.constant 0 : index
    %swap3A_406 = vector.load %arg14[%swap3A_402, %swap3A_403, %swap3A_404, %swap3A_405] : memref<32x50x3x96xf32, #tpu.memory_space<vmem>>, vector<1x50x3x96xf32>
    %swap3A_407 = vector.shape_cast %swap3A_406 : vector<1x50x3x96xf32> to vector<50x3x96xf32>
    %swap3A_408 = vector.shape_cast %reshape3A_401 : vector<50x3x96xf32> to vector<1x50x3x96xf32>
    tpu.vector_store %arg14[%swap3A_402, %swap3A_403, %swap3A_404, %swap3A_405], %swap3A_408 {strides = array<i32>} : memref<32x50x3x96xf32, #tpu.memory_space<vmem>>, vector<1x50x3x96xf32>,
    %slice3A_409 = vector.extract_strided_slice %add3A_42 {offsets = [750, 0], sizes = [50, 96], strides = [1, 1]} : vector<1600x96xf32> to vector<50x96xf32>
    %swap3A_410 = arith.constant 15 : index
    %swap3A_411 = arith.constant 0 : index
    %swap3A_412 = arith.constant 0 : index
    %swap3A_413 = vector.load %arg12[%swap3A_410, %swap3A_411, %swap3A_412] : memref<32x50x96xf32, #tpu.memory_space<vmem>>, vector<1x50x96xf32>
    %swap3A_414 = vector.shape_cast %swap3A_413 : vector<1x50x96xf32> to vector<50x96xf32>
    %swap3A_415 = vector.shape_cast %slice3A_409 : vector<50x96xf32> to vector<1x50x96xf32>
    tpu.vector_store %arg12[%swap3A_410, %swap3A_411, %swap3A_412], %swap3A_415 {strides = array<i32>} : memref<32x50x96xf32, #tpu.memory_space<vmem>>, vector<1x50x96xf32>,
    %slice3A_416 = vector.extract_strided_slice %dot_general3A_52 {offsets = [750, 0], sizes = [50, 16], strides = [1, 1]} : vector<1600x16xf32> to vector<50x16xf32>
    %swap3A_417 = arith.constant 15 : index
    %swap3A_418 = arith.constant 0 : index
    %swap3A_419 = arith.constant 0 : index
    %swap3A_420 = vector.load %arg13[%swap3A_417, %swap3A_418, %swap3A_419] : memref<32x50x16xf32, #tpu.memory_space<vmem>>, vector<1x50x16xf32>
    %swap3A_421 = vector.shape_cast %swap3A_420 : vector<1x50x16xf32> to vector<50x16xf32>
    %swap3A_422 = vector.shape_cast %slice3A_416 : vector<50x16xf32> to vector<1x50x16xf32>
    tpu.vector_store %arg13[%swap3A_417, %swap3A_418, %swap3A_419], %swap3A_422 {strides = array<i32>} : memref<32x50x16xf32, #tpu.memory_space<vmem>>, vector<1x50x16xf32>,
    %slice3A_423 = vector.extract_strided_slice %add3A_65 {offsets = [2250, 0], sizes = [150, 96], strides = [1, 1]} : vector<4800x96xf32> to vector<150x96xf32>
    %reshape3A_424 = vector.shape_cast %slice3A_423 : vector<150x96xf32> to vector<50x3x96xf32>
    %swap3A_425 = arith.constant 15 : index
    %swap3A_426 = arith.constant 0 : index
    %swap3A_427 = arith.constant 0 : index
    %swap3A_428 = arith.constant 0 : index
    %swap3A_429 = vector.load %arg14[%swap3A_425, %swap3A_426, %swap3A_427, %swap3A_428] : memref<32x50x3x96xf32, #tpu.memory_space<vmem>>, vector<1x50x3x96xf32>
    %swap3A_430 = vector.shape_cast %swap3A_429 : vector<1x50x3x96xf32> to vector<50x3x96xf32>
    %swap3A_431 = vector.shape_cast %reshape3A_424 : vector<50x3x96xf32> to vector<1x50x3x96xf32>
    tpu.vector_store %arg14[%swap3A_425, %swap3A_426, %swap3A_427, %swap3A_428], %swap3A_431 {strides = array<i32>} : memref<32x50x3x96xf32, #tpu.memory_space<vmem>>, vector<1x50x3x96xf32>,
    %slice3A_432 = vector.extract_strided_slice %add3A_42 {offsets = [800, 0], sizes = [50, 96], strides = [1, 1]} : vector<1600x96xf32> to vector<50x96xf32>
    %swap3A_433 = arith.constant 16 : index
    %swap3A_434 = arith.constant 0 : index
    %swap3A_435 = arith.constant 0 : index
    %swap3A_436 = vector.load %arg12[%swap3A_433, %swap3A_434, %swap3A_435] : memref<32x50x96xf32, #tpu.memory_space<vmem>>, vector<1x50x96xf32>
    %swap3A_437 = vector.shape_cast %swap3A_436 : vector<1x50x96xf32> to vector<50x96xf32>
    %swap3A_438 = vector.shape_cast %slice3A_432 : vector<50x96xf32> to vector<1x50x96xf32>
    tpu.vector_store %arg12[%swap3A_433, %swap3A_434, %swap3A_435], %swap3A_438 {strides = array<i32>} : memref<32x50x96xf32, #tpu.memory_space<vmem>>, vector<1x50x96xf32>,
    %slice3A_439 = vector.extract_strided_slice %dot_general3A_52 {offsets = [800, 0], sizes = [50, 16], strides = [1, 1]} : vector<1600x16xf32> to vector<50x16xf32>
    %swap3A_440 = arith.constant 16 : index
    %swap3A_441 = arith.constant 0 : index
    %swap3A_442 = arith.constant 0 : index
    %swap3A_443 = vector.load %arg13[%swap3A_440, %swap3A_441, %swap3A_442] : memref<32x50x16xf32, #tpu.memory_space<vmem>>, vector<1x50x16xf32>
    %swap3A_444 = vector.shape_cast %swap3A_443 : vector<1x50x16xf32> to vector<50x16xf32>
    %swap3A_445 = vector.shape_cast %slice3A_439 : vector<50x16xf32> to vector<1x50x16xf32>
    tpu.vector_store %arg13[%swap3A_440, %swap3A_441, %swap3A_442], %swap3A_445 {strides = array<i32>} : memref<32x50x16xf32, #tpu.memory_space<vmem>>, vector<1x50x16xf32>,
    %slice3A_446 = vector.extract_strided_slice %add3A_65 {offsets = [2400, 0], sizes = [150, 96], strides = [1, 1]} : vector<4800x96xf32> to vector<150x96xf32>
    %reshape3A_447 = vector.shape_cast %slice3A_446 : vector<150x96xf32> to vector<50x3x96xf32>
    %swap3A_448 = arith.constant 16 : index
    %swap3A_449 = arith.constant 0 : index
    %swap3A_450 = arith.constant 0 : index
    %swap3A_451 = arith.constant 0 : index
    %swap3A_452 = vector.load %arg14[%swap3A_448, %swap3A_449, %swap3A_450, %swap3A_451] : memref<32x50x3x96xf32, #tpu.memory_space<vmem>>, vector<1x50x3x96xf32>
    %swap3A_453 = vector.shape_cast %swap3A_452 : vector<1x50x3x96xf32> to vector<50x3x96xf32>
    %swap3A_454 = vector.shape_cast %reshape3A_447 : vector<50x3x96xf32> to vector<1x50x3x96xf32>
    tpu.vector_store %arg14[%swap3A_448, %swap3A_449, %swap3A_450, %swap3A_451], %swap3A_454 {strides = array<i32>} : memref<32x50x3x96xf32, #tpu.memory_space<vmem>>, vector<1x50x3x96xf32>,
    %slice3A_455 = vector.extract_strided_slice %add3A_42 {offsets = [850, 0], sizes = [50, 96], strides = [1, 1]} : vector<1600x96xf32> to vector<50x96xf32>
    %swap3A_456 = arith.constant 17 : index
    %swap3A_457 = arith.constant 0 : index
    %swap3A_458 = arith.constant 0 : index
    %swap3A_459 = vector.load %arg12[%swap3A_456, %swap3A_457, %swap3A_458] : memref<32x50x96xf32, #tpu.memory_space<vmem>>, vector<1x50x96xf32>
    %swap3A_460 = vector.shape_cast %swap3A_459 : vector<1x50x96xf32> to vector<50x96xf32>
    %swap3A_461 = vector.shape_cast %slice3A_455 : vector<50x96xf32> to vector<1x50x96xf32>
    tpu.vector_store %arg12[%swap3A_456, %swap3A_457, %swap3A_458], %swap3A_461 {strides = array<i32>} : memref<32x50x96xf32, #tpu.memory_space<vmem>>, vector<1x50x96xf32>,
    %slice3A_462 = vector.extract_strided_slice %dot_general3A_52 {offsets = [850, 0], sizes = [50, 16], strides = [1, 1]} : vector<1600x16xf32> to vector<50x16xf32>
    %swap3A_463 = arith.constant 17 : index
    %swap3A_464 = arith.constant 0 : index
    %swap3A_465 = arith.constant 0 : index
    %swap3A_466 = vector.load %arg13[%swap3A_463, %swap3A_464, %swap3A_465] : memref<32x50x16xf32, #tpu.memory_space<vmem>>, vector<1x50x16xf32>
    %swap3A_467 = vector.shape_cast %swap3A_466 : vector<1x50x16xf32> to vector<50x16xf32>
    %swap3A_468 = vector.shape_cast %slice3A_462 : vector<50x16xf32> to vector<1x50x16xf32>
    tpu.vector_store %arg13[%swap3A_463, %swap3A_464, %swap3A_465], %swap3A_468 {strides = array<i32>} : memref<32x50x16xf32, #tpu.memory_space<vmem>>, vector<1x50x16xf32>,
    %slice3A_469 = vector.extract_strided_slice %add3A_65 {offsets = [2550, 0], sizes = [150, 96], strides = [1, 1]} : vector<4800x96xf32> to vector<150x96xf32>
    %reshape3A_470 = vector.shape_cast %slice3A_469 : vector<150x96xf32> to vector<50x3x96xf32>
    %swap3A_471 = arith.constant 17 : index
    %swap3A_472 = arith.constant 0 : index
    %swap3A_473 = arith.constant 0 : index
    %swap3A_474 = arith.constant 0 : index
    %swap3A_475 = vector.load %arg14[%swap3A_471, %swap3A_472, %swap3A_473, %swap3A_474] : memref<32x50x3x96xf32, #tpu.memory_space<vmem>>, vector<1x50x3x96xf32>
    %swap3A_476 = vector.shape_cast %swap3A_475 : vector<1x50x3x96xf32> to vector<50x3x96xf32>
    %swap3A_477 = vector.shape_cast %reshape3A_470 : vector<50x3x96xf32> to vector<1x50x3x96xf32>
    tpu.vector_store %arg14[%swap3A_471, %swap3A_472, %swap3A_473, %swap3A_474], %swap3A_477 {strides = array<i32>} : memref<32x50x3x96xf32, #tpu.memory_space<vmem>>, vector<1x50x3x96xf32>,
    %slice3A_478 = vector.extract_strided_slice %add3A_42 {offsets = [900, 0], sizes = [50, 96], strides = [1, 1]} : vector<1600x96xf32> to vector<50x96xf32>
    %swap3A_479 = arith.constant 18 : index
    %swap3A_480 = arith.constant 0 : index
    %swap3A_481 = arith.constant 0 : index
    %swap3A_482 = vector.load %arg12[%swap3A_479, %swap3A_480, %swap3A_481] : memref<32x50x96xf32, #tpu.memory_space<vmem>>, vector<1x50x96xf32>
    %swap3A_483 = vector.shape_cast %swap3A_482 : vector<1x50x96xf32> to vector<50x96xf32>
    %swap3A_484 = vector.shape_cast %slice3A_478 : vector<50x96xf32> to vector<1x50x96xf32>
    tpu.vector_store %arg12[%swap3A_479, %swap3A_480, %swap3A_481], %swap3A_484 {strides = array<i32>} : memref<32x50x96xf32, #tpu.memory_space<vmem>>, vector<1x50x96xf32>,
    %slice3A_485 = vector.extract_strided_slice %dot_general3A_52 {offsets = [900, 0], sizes = [50, 16], strides = [1, 1]} : vector<1600x16xf32> to vector<50x16xf32>
    %swap3A_486 = arith.constant 18 : index
    %swap3A_487 = arith.constant 0 : index
    %swap3A_488 = arith.constant 0 : index
    %swap3A_489 = vector.load %arg13[%swap3A_486, %swap3A_487, %swap3A_488] : memref<32x50x16xf32, #tpu.memory_space<vmem>>, vector<1x50x16xf32>
    %swap3A_490 = vector.shape_cast %swap3A_489 : vector<1x50x16xf32> to vector<50x16xf32>
    %swap3A_491 = vector.shape_cast %slice3A_485 : vector<50x16xf32> to vector<1x50x16xf32>
    tpu.vector_store %arg13[%swap3A_486, %swap3A_487, %swap3A_488], %swap3A_491 {strides = array<i32>} : memref<32x50x16xf32, #tpu.memory_space<vmem>>, vector<1x50x16xf32>,
    %slice3A_492 = vector.extract_strided_slice %add3A_65 {offsets = [2700, 0], sizes = [150, 96], strides = [1, 1]} : vector<4800x96xf32> to vector<150x96xf32>
    %reshape3A_493 = vector.shape_cast %slice3A_492 : vector<150x96xf32> to vector<50x3x96xf32>
    %swap3A_494 = arith.constant 18 : index
    %swap3A_495 = arith.constant 0 : index
    %swap3A_496 = arith.constant 0 : index
    %swap3A_497 = arith.constant 0 : index
    %swap3A_498 = vector.load %arg14[%swap3A_494, %swap3A_495, %swap3A_496, %swap3A_497] : memref<32x50x3x96xf32, #tpu.memory_space<vmem>>, vector<1x50x3x96xf32>
    %swap3A_499 = vector.shape_cast %swap3A_498 : vector<1x50x3x96xf32> to vector<50x3x96xf32>
    %swap3A_500 = vector.shape_cast %reshape3A_493 : vector<50x3x96xf32> to vector<1x50x3x96xf32>
    tpu.vector_store %arg14[%swap3A_494, %swap3A_495, %swap3A_496, %swap3A_497], %swap3A_500 {strides = array<i32>} : memref<32x50x3x96xf32, #tpu.memory_space<vmem>>, vector<1x50x3x96xf32>,
    %slice3A_501 = vector.extract_strided_slice %add3A_42 {offsets = [950, 0], sizes = [50, 96], strides = [1, 1]} : vector<1600x96xf32> to vector<50x96xf32>
    %swap3A_502 = arith.constant 19 : index
    %swap3A_503 = arith.constant 0 : index
    %swap3A_504 = arith.constant 0 : index
    %swap3A_505 = vector.load %arg12[%swap3A_502, %swap3A_503, %swap3A_504] : memref<32x50x96xf32, #tpu.memory_space<vmem>>, vector<1x50x96xf32>
    %swap3A_506 = vector.shape_cast %swap3A_505 : vector<1x50x96xf32> to vector<50x96xf32>
    %swap3A_507 = vector.shape_cast %slice3A_501 : vector<50x96xf32> to vector<1x50x96xf32>
    tpu.vector_store %arg12[%swap3A_502, %swap3A_503, %swap3A_504], %swap3A_507 {strides = array<i32>} : memref<32x50x96xf32, #tpu.memory_space<vmem>>, vector<1x50x96xf32>,
    %slice3A_508 = vector.extract_strided_slice %dot_general3A_52 {offsets = [950, 0], sizes = [50, 16], strides = [1, 1]} : vector<1600x16xf32> to vector<50x16xf32>
    %swap3A_509 = arith.constant 19 : index
    %swap3A_510 = arith.constant 0 : index
    %swap3A_511 = arith.constant 0 : index
    %swap3A_512 = vector.load %arg13[%swap3A_509, %swap3A_510, %swap3A_511] : memref<32x50x16xf32, #tpu.memory_space<vmem>>, vector<1x50x16xf32>
    %swap3A_513 = vector.shape_cast %swap3A_512 : vector<1x50x16xf32> to vector<50x16xf32>
    %swap3A_514 = vector.shape_cast %slice3A_508 : vector<50x16xf32> to vector<1x50x16xf32>
    tpu.vector_store %arg13[%swap3A_509, %swap3A_510, %swap3A_511], %swap3A_514 {strides = array<i32>} : memref<32x50x16xf32, #tpu.memory_space<vmem>>, vector<1x50x16xf32>,
    %slice3A_515 = vector.extract_strided_slice %add3A_65 {offsets = [2850, 0], sizes = [150, 96], strides = [1, 1]} : vector<4800x96xf32> to vector<150x96xf32>
    %reshape3A_516 = vector.shape_cast %slice3A_515 : vector<150x96xf32> to vector<50x3x96xf32>
    %swap3A_517 = arith.constant 19 : index
    %swap3A_518 = arith.constant 0 : index
    %swap3A_519 = arith.constant 0 : index
    %swap3A_520 = arith.constant 0 : index
    %swap3A_521 = vector.load %arg14[%swap3A_517, %swap3A_518, %swap3A_519, %swap3A_520] : memref<32x50x3x96xf32, #tpu.memory_space<vmem>>, vector<1x50x3x96xf32>
    %swap3A_522 = vector.shape_cast %swap3A_521 : vector<1x50x3x96xf32> to vector<50x3x96xf32>
    %swap3A_523 = vector.shape_cast %reshape3A_516 : vector<50x3x96xf32> to vector<1x50x3x96xf32>
    tpu.vector_store %arg14[%swap3A_517, %swap3A_518, %swap3A_519, %swap3A_520], %swap3A_523 {strides = array<i32>} : memref<32x50x3x96xf32, #tpu.memory_space<vmem>>, vector<1x50x3x96xf32>,
    %slice3A_524 = vector.extract_strided_slice %add3A_42 {offsets = [1000, 0], sizes = [50, 96], strides = [1, 1]} : vector<1600x96xf32> to vector<50x96xf32>
    %swap3A_525 = arith.constant 20 : index
    %swap3A_526 = arith.constant 0 : index
    %swap3A_527 = arith.constant 0 : index
    %swap3A_528 = vector.load %arg12[%swap3A_525, %swap3A_526, %swap3A_527] : memref<32x50x96xf32, #tpu.memory_space<vmem>>, vector<1x50x96xf32>
    %swap3A_529 = vector.shape_cast %swap3A_528 : vector<1x50x96xf32> to vector<50x96xf32>
    %swap3A_530 = vector.shape_cast %slice3A_524 : vector<50x96xf32> to vector<1x50x96xf32>
    tpu.vector_store %arg12[%swap3A_525, %swap3A_526, %swap3A_527], %swap3A_530 {strides = array<i32>} : memref<32x50x96xf32, #tpu.memory_space<vmem>>, vector<1x50x96xf32>,
    %slice3A_531 = vector.extract_strided_slice %dot_general3A_52 {offsets = [1000, 0], sizes = [50, 16], strides = [1, 1]} : vector<1600x16xf32> to vector<50x16xf32>
    %swap3A_532 = arith.constant 20 : index
    %swap3A_533 = arith.constant 0 : index
    %swap3A_534 = arith.constant 0 : index
    %swap3A_535 = vector.load %arg13[%swap3A_532, %swap3A_533, %swap3A_534] : memref<32x50x16xf32, #tpu.memory_space<vmem>>, vector<1x50x16xf32>
    %swap3A_536 = vector.shape_cast %swap3A_535 : vector<1x50x16xf32> to vector<50x16xf32>
    %swap3A_537 = vector.shape_cast %slice3A_531 : vector<50x16xf32> to vector<1x50x16xf32>
    tpu.vector_store %arg13[%swap3A_532, %swap3A_533, %swap3A_534], %swap3A_537 {strides = array<i32>} : memref<32x50x16xf32, #tpu.memory_space<vmem>>, vector<1x50x16xf32>,
    %slice3A_538 = vector.extract_strided_slice %add3A_65 {offsets = [3000, 0], sizes = [150, 96], strides = [1, 1]} : vector<4800x96xf32> to vector<150x96xf32>
    %reshape3A_539 = vector.shape_cast %slice3A_538 : vector<150x96xf32> to vector<50x3x96xf32>
    %swap3A_540 = arith.constant 20 : index
    %swap3A_541 = arith.constant 0 : index
    %swap3A_542 = arith.constant 0 : index
    %swap3A_543 = arith.constant 0 : index
    %swap3A_544 = vector.load %arg14[%swap3A_540, %swap3A_541, %swap3A_542, %swap3A_543] : memref<32x50x3x96xf32, #tpu.memory_space<vmem>>, vector<1x50x3x96xf32>
    %swap3A_545 = vector.shape_cast %swap3A_544 : vector<1x50x3x96xf32> to vector<50x3x96xf32>
    %swap3A_546 = vector.shape_cast %reshape3A_539 : vector<50x3x96xf32> to vector<1x50x3x96xf32>
    tpu.vector_store %arg14[%swap3A_540, %swap3A_541, %swap3A_542, %swap3A_543], %swap3A_546 {strides = array<i32>} : memref<32x50x3x96xf32, #tpu.memory_space<vmem>>, vector<1x50x3x96xf32>,
    %slice3A_547 = vector.extract_strided_slice %add3A_42 {offsets = [1050, 0], sizes = [50, 96], strides = [1, 1]} : vector<1600x96xf32> to vector<50x96xf32>
    %swap3A_548 = arith.constant 21 : index
    %swap3A_549 = arith.constant 0 : index
    %swap3A_550 = arith.constant 0 : index
    %swap3A_551 = vector.load %arg12[%swap3A_548, %swap3A_549, %swap3A_550] : memref<32x50x96xf32, #tpu.memory_space<vmem>>, vector<1x50x96xf32>
    %swap3A_552 = vector.shape_cast %swap3A_551 : vector<1x50x96xf32> to vector<50x96xf32>
    %swap3A_553 = vector.shape_cast %slice3A_547 : vector<50x96xf32> to vector<1x50x96xf32>
    tpu.vector_store %arg12[%swap3A_548, %swap3A_549, %swap3A_550], %swap3A_553 {strides = array<i32>} : memref<32x50x96xf32, #tpu.memory_space<vmem>>, vector<1x50x96xf32>,
    %slice3A_554 = vector.extract_strided_slice %dot_general3A_52 {offsets = [1050, 0], sizes = [50, 16], strides = [1, 1]} : vector<1600x16xf32> to vector<50x16xf32>
    %swap3A_555 = arith.constant 21 : index
    %swap3A_556 = arith.constant 0 : index
    %swap3A_557 = arith.constant 0 : index
    %swap3A_558 = vector.load %arg13[%swap3A_555, %swap3A_556, %swap3A_557] : memref<32x50x16xf32, #tpu.memory_space<vmem>>, vector<1x50x16xf32>
    %swap3A_559 = vector.shape_cast %swap3A_558 : vector<1x50x16xf32> to vector<50x16xf32>
    %swap3A_560 = vector.shape_cast %slice3A_554 : vector<50x16xf32> to vector<1x50x16xf32>
    tpu.vector_store %arg13[%swap3A_555, %swap3A_556, %swap3A_557], %swap3A_560 {strides = array<i32>} : memref<32x50x16xf32, #tpu.memory_space<vmem>>, vector<1x50x16xf32>,
    %slice3A_561 = vector.extract_strided_slice %add3A_65 {offsets = [3150, 0], sizes = [150, 96], strides = [1, 1]} : vector<4800x96xf32> to vector<150x96xf32>
    %reshape3A_562 = vector.shape_cast %slice3A_561 : vector<150x96xf32> to vector<50x3x96xf32>
    %swap3A_563 = arith.constant 21 : index
    %swap3A_564 = arith.constant 0 : index
    %swap3A_565 = arith.constant 0 : index
    %swap3A_566 = arith.constant 0 : index
    %swap3A_567 = vector.load %arg14[%swap3A_563, %swap3A_564, %swap3A_565, %swap3A_566] : memref<32x50x3x96xf32, #tpu.memory_space<vmem>>, vector<1x50x3x96xf32>
    %swap3A_568 = vector.shape_cast %swap3A_567 : vector<1x50x3x96xf32> to vector<50x3x96xf32>
    %swap3A_569 = vector.shape_cast %reshape3A_562 : vector<50x3x96xf32> to vector<1x50x3x96xf32>
    tpu.vector_store %arg14[%swap3A_563, %swap3A_564, %swap3A_565, %swap3A_566], %swap3A_569 {strides = array<i32>} : memref<32x50x3x96xf32, #tpu.memory_space<vmem>>, vector<1x50x3x96xf32>,
    %slice3A_570 = vector.extract_strided_slice %add3A_42 {offsets = [1100, 0], sizes = [50, 96], strides = [1, 1]} : vector<1600x96xf32> to vector<50x96xf32>
    %swap3A_571 = arith.constant 22 : index
    %swap3A_572 = arith.constant 0 : index
    %swap3A_573 = arith.constant 0 : index
    %swap3A_574 = vector.load %arg12[%swap3A_571, %swap3A_572, %swap3A_573] : memref<32x50x96xf32, #tpu.memory_space<vmem>>, vector<1x50x96xf32>
    %swap3A_575 = vector.shape_cast %swap3A_574 : vector<1x50x96xf32> to vector<50x96xf32>
    %swap3A_576 = vector.shape_cast %slice3A_570 : vector<50x96xf32> to vector<1x50x96xf32>
    tpu.vector_store %arg12[%swap3A_571, %swap3A_572, %swap3A_573], %swap3A_576 {strides = array<i32>} : memref<32x50x96xf32, #tpu.memory_space<vmem>>, vector<1x50x96xf32>,
    %slice3A_577 = vector.extract_strided_slice %dot_general3A_52 {offsets = [1100, 0], sizes = [50, 16], strides = [1, 1]} : vector<1600x16xf32> to vector<50x16xf32>
    %swap3A_578 = arith.constant 22 : index
    %swap3A_579 = arith.constant 0 : index
    %swap3A_580 = arith.constant 0 : index
    %swap3A_581 = vector.load %arg13[%swap3A_578, %swap3A_579, %swap3A_580] : memref<32x50x16xf32, #tpu.memory_space<vmem>>, vector<1x50x16xf32>
    %swap3A_582 = vector.shape_cast %swap3A_581 : vector<1x50x16xf32> to vector<50x16xf32>
    %swap3A_583 = vector.shape_cast %slice3A_577 : vector<50x16xf32> to vector<1x50x16xf32>
    tpu.vector_store %arg13[%swap3A_578, %swap3A_579, %swap3A_580], %swap3A_583 {strides = array<i32>} : memref<32x50x16xf32, #tpu.memory_space<vmem>>, vector<1x50x16xf32>,
    %slice3A_584 = vector.extract_strided_slice %add3A_65 {offsets = [3300, 0], sizes = [150, 96], strides = [1, 1]} : vector<4800x96xf32> to vector<150x96xf32>
    %reshape3A_585 = vector.shape_cast %slice3A_584 : vector<150x96xf32> to vector<50x3x96xf32>
    %swap3A_586 = arith.constant 22 : index
    %swap3A_587 = arith.constant 0 : index
    %swap3A_588 = arith.constant 0 : index
    %swap3A_589 = arith.constant 0 : index
    %swap3A_590 = vector.load %arg14[%swap3A_586, %swap3A_587, %swap3A_588, %swap3A_589] : memref<32x50x3x96xf32, #tpu.memory_space<vmem>>, vector<1x50x3x96xf32>
    %swap3A_591 = vector.shape_cast %swap3A_590 : vector<1x50x3x96xf32> to vector<50x3x96xf32>
    %swap3A_592 = vector.shape_cast %reshape3A_585 : vector<50x3x96xf32> to vector<1x50x3x96xf32>
    tpu.vector_store %arg14[%swap3A_586, %swap3A_587, %swap3A_588, %swap3A_589], %swap3A_592 {strides = array<i32>} : memref<32x50x3x96xf32, #tpu.memory_space<vmem>>, vector<1x50x3x96xf32>,
    %slice3A_593 = vector.extract_strided_slice %add3A_42 {offsets = [1150, 0], sizes = [50, 96], strides = [1, 1]} : vector<1600x96xf32> to vector<50x96xf32>
    %swap3A_594 = arith.constant 23 : index
    %swap3A_595 = arith.constant 0 : index
    %swap3A_596 = arith.constant 0 : index
    %swap3A_597 = vector.load %arg12[%swap3A_594, %swap3A_595, %swap3A_596] : memref<32x50x96xf32, #tpu.memory_space<vmem>>, vector<1x50x96xf32>
    %swap3A_598 = vector.shape_cast %swap3A_597 : vector<1x50x96xf32> to vector<50x96xf32>
    %swap3A_599 = vector.shape_cast %slice3A_593 : vector<50x96xf32> to vector<1x50x96xf32>
    tpu.vector_store %arg12[%swap3A_594, %swap3A_595, %swap3A_596], %swap3A_599 {strides = array<i32>} : memref<32x50x96xf32, #tpu.memory_space<vmem>>, vector<1x50x96xf32>,
    %slice3A_600 = vector.extract_strided_slice %dot_general3A_52 {offsets = [1150, 0], sizes = [50, 16], strides = [1, 1]} : vector<1600x16xf32> to vector<50x16xf32>
    %swap3A_601 = arith.constant 23 : index
    %swap3A_602 = arith.constant 0 : index
    %swap3A_603 = arith.constant 0 : index
    %swap3A_604 = vector.load %arg13[%swap3A_601, %swap3A_602, %swap3A_603] : memref<32x50x16xf32, #tpu.memory_space<vmem>>, vector<1x50x16xf32>
    %swap3A_605 = vector.shape_cast %swap3A_604 : vector<1x50x16xf32> to vector<50x16xf32>
    %swap3A_606 = vector.shape_cast %slice3A_600 : vector<50x16xf32> to vector<1x50x16xf32>
    tpu.vector_store %arg13[%swap3A_601, %swap3A_602, %swap3A_603], %swap3A_606 {strides = array<i32>} : memref<32x50x16xf32, #tpu.memory_space<vmem>>, vector<1x50x16xf32>,
    %slice3A_607 = vector.extract_strided_slice %add3A_65 {offsets = [3450, 0], sizes = [150, 96], strides = [1, 1]} : vector<4800x96xf32> to vector<150x96xf32>
    %reshape3A_608 = vector.shape_cast %slice3A_607 : vector<150x96xf32> to vector<50x3x96xf32>
    %swap3A_609 = arith.constant 23 : index
    %swap3A_610 = arith.constant 0 : index
    %swap3A_611 = arith.constant 0 : index
    %swap3A_612 = arith.constant 0 : index
    %swap3A_613 = vector.load %arg14[%swap3A_609, %swap3A_610, %swap3A_611, %swap3A_612] : memref<32x50x3x96xf32, #tpu.memory_space<vmem>>, vector<1x50x3x96xf32>
    %swap3A_614 = vector.shape_cast %swap3A_613 : vector<1x50x3x96xf32> to vector<50x3x96xf32>
    %swap3A_615 = vector.shape_cast %reshape3A_608 : vector<50x3x96xf32> to vector<1x50x3x96xf32>
    tpu.vector_store %arg14[%swap3A_609, %swap3A_610, %swap3A_611, %swap3A_612], %swap3A_615 {strides = array<i32>} : memref<32x50x3x96xf32, #tpu.memory_space<vmem>>, vector<1x50x3x96xf32>,
    %slice3A_616 = vector.extract_strided_slice %add3A_42 {offsets = [1200, 0], sizes = [50, 96], strides = [1, 1]} : vector<1600x96xf32> to vector<50x96xf32>
    %swap3A_617 = arith.constant 24 : index
    %swap3A_618 = arith.constant 0 : index
    %swap3A_619 = arith.constant 0 : index
    %swap3A_620 = vector.load %arg12[%swap3A_617, %swap3A_618, %swap3A_619] : memref<32x50x96xf32, #tpu.memory_space<vmem>>, vector<1x50x96xf32>
    %swap3A_621 = vector.shape_cast %swap3A_620 : vector<1x50x96xf32> to vector<50x96xf32>
    %swap3A_622 = vector.shape_cast %slice3A_616 : vector<50x96xf32> to vector<1x50x96xf32>
    tpu.vector_store %arg12[%swap3A_617, %swap3A_618, %swap3A_619], %swap3A_622 {strides = array<i32>} : memref<32x50x96xf32, #tpu.memory_space<vmem>>, vector<1x50x96xf32>,
    %slice3A_623 = vector.extract_strided_slice %dot_general3A_52 {offsets = [1200, 0], sizes = [50, 16], strides = [1, 1]} : vector<1600x16xf32> to vector<50x16xf32>
    %swap3A_624 = arith.constant 24 : index
    %swap3A_625 = arith.constant 0 : index
    %swap3A_626 = arith.constant 0 : index
    %swap3A_627 = vector.load %arg13[%swap3A_624, %swap3A_625, %swap3A_626] : memref<32x50x16xf32, #tpu.memory_space<vmem>>, vector<1x50x16xf32>
    %swap3A_628 = vector.shape_cast %swap3A_627 : vector<1x50x16xf32> to vector<50x16xf32>
    %swap3A_629 = vector.shape_cast %slice3A_623 : vector<50x16xf32> to vector<1x50x16xf32>
    tpu.vector_store %arg13[%swap3A_624, %swap3A_625, %swap3A_626], %swap3A_629 {strides = array<i32>} : memref<32x50x16xf32, #tpu.memory_space<vmem>>, vector<1x50x16xf32>,
    %slice3A_630 = vector.extract_strided_slice %add3A_65 {offsets = [3600, 0], sizes = [150, 96], strides = [1, 1]} : vector<4800x96xf32> to vector<150x96xf32>
    %reshape3A_631 = vector.shape_cast %slice3A_630 : vector<150x96xf32> to vector<50x3x96xf32>
    %swap3A_632 = arith.constant 24 : index
    %swap3A_633 = arith.constant 0 : index
    %swap3A_634 = arith.constant 0 : index
    %swap3A_635 = arith.constant 0 : index
    %swap3A_636 = vector.load %arg14[%swap3A_632, %swap3A_633, %swap3A_634, %swap3A_635] : memref<32x50x3x96xf32, #tpu.memory_space<vmem>>, vector<1x50x3x96xf32>
    %swap3A_637 = vector.shape_cast %swap3A_636 : vector<1x50x3x96xf32> to vector<50x3x96xf32>
    %swap3A_638 = vector.shape_cast %reshape3A_631 : vector<50x3x96xf32> to vector<1x50x3x96xf32>
    tpu.vector_store %arg14[%swap3A_632, %swap3A_633, %swap3A_634, %swap3A_635], %swap3A_638 {strides = array<i32>} : memref<32x50x3x96xf32, #tpu.memory_space<vmem>>, vector<1x50x3x96xf32>,
    %slice3A_639 = vector.extract_strided_slice %add3A_42 {offsets = [1250, 0], sizes = [50, 96], strides = [1, 1]} : vector<1600x96xf32> to vector<50x96xf32>
    %swap3A_640 = arith.constant 25 : index
    %swap3A_641 = arith.constant 0 : index
    %swap3A_642 = arith.constant 0 : index
    %swap3A_643 = vector.load %arg12[%swap3A_640, %swap3A_641, %swap3A_642] : memref<32x50x96xf32, #tpu.memory_space<vmem>>, vector<1x50x96xf32>
    %swap3A_644 = vector.shape_cast %swap3A_643 : vector<1x50x96xf32> to vector<50x96xf32>
    %swap3A_645 = vector.shape_cast %slice3A_639 : vector<50x96xf32> to vector<1x50x96xf32>
    tpu.vector_store %arg12[%swap3A_640, %swap3A_641, %swap3A_642], %swap3A_645 {strides = array<i32>} : memref<32x50x96xf32, #tpu.memory_space<vmem>>, vector<1x50x96xf32>,
    %slice3A_646 = vector.extract_strided_slice %dot_general3A_52 {offsets = [1250, 0], sizes = [50, 16], strides = [1, 1]} : vector<1600x16xf32> to vector<50x16xf32>
    %swap3A_647 = arith.constant 25 : index
    %swap3A_648 = arith.constant 0 : index
    %swap3A_649 = arith.constant 0 : index
    %swap3A_650 = vector.load %arg13[%swap3A_647, %swap3A_648, %swap3A_649] : memref<32x50x16xf32, #tpu.memory_space<vmem>>, vector<1x50x16xf32>
    %swap3A_651 = vector.shape_cast %swap3A_650 : vector<1x50x16xf32> to vector<50x16xf32>
    %swap3A_652 = vector.shape_cast %slice3A_646 : vector<50x16xf32> to vector<1x50x16xf32>
    tpu.vector_store %arg13[%swap3A_647, %swap3A_648, %swap3A_649], %swap3A_652 {strides = array<i32>} : memref<32x50x16xf32, #tpu.memory_space<vmem>>, vector<1x50x16xf32>,
    %slice3A_653 = vector.extract_strided_slice %add3A_65 {offsets = [3750, 0], sizes = [150, 96], strides = [1, 1]} : vector<4800x96xf32> to vector<150x96xf32>
    %reshape3A_654 = vector.shape_cast %slice3A_653 : vector<150x96xf32> to vector<50x3x96xf32>
    %swap3A_655 = arith.constant 25 : index
    %swap3A_656 = arith.constant 0 : index
    %swap3A_657 = arith.constant 0 : index
    %swap3A_658 = arith.constant 0 : index
    %swap3A_659 = vector.load %arg14[%swap3A_655, %swap3A_656, %swap3A_657, %swap3A_658] : memref<32x50x3x96xf32, #tpu.memory_space<vmem>>, vector<1x50x3x96xf32>
    %swap3A_660 = vector.shape_cast %swap3A_659 : vector<1x50x3x96xf32> to vector<50x3x96xf32>
    %swap3A_661 = vector.shape_cast %reshape3A_654 : vector<50x3x96xf32> to vector<1x50x3x96xf32>
    tpu.vector_store %arg14[%swap3A_655, %swap3A_656, %swap3A_657, %swap3A_658], %swap3A_661 {strides = array<i32>} : memref<32x50x3x96xf32, #tpu.memory_space<vmem>>, vector<1x50x3x96xf32>,
    %slice3A_662 = vector.extract_strided_slice %add3A_42 {offsets = [1300, 0], sizes = [50, 96], strides = [1, 1]} : vector<1600x96xf32> to vector<50x96xf32>
    %swap3A_663 = arith.constant 26 : index
    %swap3A_664 = arith.constant 0 : index
    %swap3A_665 = arith.constant 0 : index
    %swap3A_666 = vector.load %arg12[%swap3A_663, %swap3A_664, %swap3A_665] : memref<32x50x96xf32, #tpu.memory_space<vmem>>, vector<1x50x96xf32>
    %swap3A_667 = vector.shape_cast %swap3A_666 : vector<1x50x96xf32> to vector<50x96xf32>
    %swap3A_668 = vector.shape_cast %slice3A_662 : vector<50x96xf32> to vector<1x50x96xf32>
    tpu.vector_store %arg12[%swap3A_663, %swap3A_664, %swap3A_665], %swap3A_668 {strides = array<i32>} : memref<32x50x96xf32, #tpu.memory_space<vmem>>, vector<1x50x96xf32>,
    %slice3A_669 = vector.extract_strided_slice %dot_general3A_52 {offsets = [1300, 0], sizes = [50, 16], strides = [1, 1]} : vector<1600x16xf32> to vector<50x16xf32>
    %swap3A_670 = arith.constant 26 : index
    %swap3A_671 = arith.constant 0 : index
    %swap3A_672 = arith.constant 0 : index
    %swap3A_673 = vector.load %arg13[%swap3A_670, %swap3A_671, %swap3A_672] : memref<32x50x16xf32, #tpu.memory_space<vmem>>, vector<1x50x16xf32>
    %swap3A_674 = vector.shape_cast %swap3A_673 : vector<1x50x16xf32> to vector<50x16xf32>
    %swap3A_675 = vector.shape_cast %slice3A_669 : vector<50x16xf32> to vector<1x50x16xf32>
    tpu.vector_store %arg13[%swap3A_670, %swap3A_671, %swap3A_672], %swap3A_675 {strides = array<i32>} : memref<32x50x16xf32, #tpu.memory_space<vmem>>, vector<1x50x16xf32>,
    %slice3A_676 = vector.extract_strided_slice %add3A_65 {offsets = [3900, 0], sizes = [150, 96], strides = [1, 1]} : vector<4800x96xf32> to vector<150x96xf32>
    %reshape3A_677 = vector.shape_cast %slice3A_676 : vector<150x96xf32> to vector<50x3x96xf32>
    %swap3A_678 = arith.constant 26 : index
    %swap3A_679 = arith.constant 0 : index
    %swap3A_680 = arith.constant 0 : index
    %swap3A_681 = arith.constant 0 : index
    %swap3A_682 = vector.load %arg14[%swap3A_678, %swap3A_679, %swap3A_680, %swap3A_681] : memref<32x50x3x96xf32, #tpu.memory_space<vmem>>, vector<1x50x3x96xf32>
    %swap3A_683 = vector.shape_cast %swap3A_682 : vector<1x50x3x96xf32> to vector<50x3x96xf32>
    %swap3A_684 = vector.shape_cast %reshape3A_677 : vector<50x3x96xf32> to vector<1x50x3x96xf32>
    tpu.vector_store %arg14[%swap3A_678, %swap3A_679, %swap3A_680, %swap3A_681], %swap3A_684 {strides = array<i32>} : memref<32x50x3x96xf32, #tpu.memory_space<vmem>>, vector<1x50x3x96xf32>,
    %slice3A_685 = vector.extract_strided_slice %add3A_42 {offsets = [1350, 0], sizes = [50, 96], strides = [1, 1]} : vector<1600x96xf32> to vector<50x96xf32>
    %swap3A_686 = arith.constant 27 : index
    %swap3A_687 = arith.constant 0 : index
    %swap3A_688 = arith.constant 0 : index
    %swap3A_689 = vector.load %arg12[%swap3A_686, %swap3A_687, %swap3A_688] : memref<32x50x96xf32, #tpu.memory_space<vmem>>, vector<1x50x96xf32>
    %swap3A_690 = vector.shape_cast %swap3A_689 : vector<1x50x96xf32> to vector<50x96xf32>
    %swap3A_691 = vector.shape_cast %slice3A_685 : vector<50x96xf32> to vector<1x50x96xf32>
    tpu.vector_store %arg12[%swap3A_686, %swap3A_687, %swap3A_688], %swap3A_691 {strides = array<i32>} : memref<32x50x96xf32, #tpu.memory_space<vmem>>, vector<1x50x96xf32>,
    %slice3A_692 = vector.extract_strided_slice %dot_general3A_52 {offsets = [1350, 0], sizes = [50, 16], strides = [1, 1]} : vector<1600x16xf32> to vector<50x16xf32>
    %swap3A_693 = arith.constant 27 : index
    %swap3A_694 = arith.constant 0 : index
    %swap3A_695 = arith.constant 0 : index
    %swap3A_696 = vector.load %arg13[%swap3A_693, %swap3A_694, %swap3A_695] : memref<32x50x16xf32, #tpu.memory_space<vmem>>, vector<1x50x16xf32>
    %swap3A_697 = vector.shape_cast %swap3A_696 : vector<1x50x16xf32> to vector<50x16xf32>
    %swap3A_698 = vector.shape_cast %slice3A_692 : vector<50x16xf32> to vector<1x50x16xf32>
    tpu.vector_store %arg13[%swap3A_693, %swap3A_694, %swap3A_695], %swap3A_698 {strides = array<i32>} : memref<32x50x16xf32, #tpu.memory_space<vmem>>, vector<1x50x16xf32>,
    %slice3A_699 = vector.extract_strided_slice %add3A_65 {offsets = [4050, 0], sizes = [150, 96], strides = [1, 1]} : vector<4800x96xf32> to vector<150x96xf32>
    %reshape3A_700 = vector.shape_cast %slice3A_699 : vector<150x96xf32> to vector<50x3x96xf32>
    %swap3A_701 = arith.constant 27 : index
    %swap3A_702 = arith.constant 0 : index
    %swap3A_703 = arith.constant 0 : index
    %swap3A_704 = arith.constant 0 : index
    %swap3A_705 = vector.load %arg14[%swap3A_701, %swap3A_702, %swap3A_703, %swap3A_704] : memref<32x50x3x96xf32, #tpu.memory_space<vmem>>, vector<1x50x3x96xf32>
    %swap3A_706 = vector.shape_cast %swap3A_705 : vector<1x50x3x96xf32> to vector<50x3x96xf32>
    %swap3A_707 = vector.shape_cast %reshape3A_700 : vector<50x3x96xf32> to vector<1x50x3x96xf32>
    tpu.vector_store %arg14[%swap3A_701, %swap3A_702, %swap3A_703, %swap3A_704], %swap3A_707 {strides = array<i32>} : memref<32x50x3x96xf32, #tpu.memory_space<vmem>>, vector<1x50x3x96xf32>,
    %slice3A_708 = vector.extract_strided_slice %add3A_42 {offsets = [1400, 0], sizes = [50, 96], strides = [1, 1]} : vector<1600x96xf32> to vector<50x96xf32>
    %swap3A_709 = arith.constant 28 : index
    %swap3A_710 = arith.constant 0 : index
    %swap3A_711 = arith.constant 0 : index
    %swap3A_712 = vector.load %arg12[%swap3A_709, %swap3A_710, %swap3A_711] : memref<32x50x96xf32, #tpu.memory_space<vmem>>, vector<1x50x96xf32>
    %swap3A_713 = vector.shape_cast %swap3A_712 : vector<1x50x96xf32> to vector<50x96xf32>
    %swap3A_714 = vector.shape_cast %slice3A_708 : vector<50x96xf32> to vector<1x50x96xf32>
    tpu.vector_store %arg12[%swap3A_709, %swap3A_710, %swap3A_711], %swap3A_714 {strides = array<i32>} : memref<32x50x96xf32, #tpu.memory_space<vmem>>, vector<1x50x96xf32>,
    %slice3A_715 = vector.extract_strided_slice %dot_general3A_52 {offsets = [1400, 0], sizes = [50, 16], strides = [1, 1]} : vector<1600x16xf32> to vector<50x16xf32>
    %swap3A_716 = arith.constant 28 : index
    %swap3A_717 = arith.constant 0 : index
    %swap3A_718 = arith.constant 0 : index
    %swap3A_719 = vector.load %arg13[%swap3A_716, %swap3A_717, %swap3A_718] : memref<32x50x16xf32, #tpu.memory_space<vmem>>, vector<1x50x16xf32>
    %swap3A_720 = vector.shape_cast %swap3A_719 : vector<1x50x16xf32> to vector<50x16xf32>
    %swap3A_721 = vector.shape_cast %slice3A_715 : vector<50x16xf32> to vector<1x50x16xf32>
    tpu.vector_store %arg13[%swap3A_716, %swap3A_717, %swap3A_718], %swap3A_721 {strides = array<i32>} : memref<32x50x16xf32, #tpu.memory_space<vmem>>, vector<1x50x16xf32>,
    %slice3A_722 = vector.extract_strided_slice %add3A_65 {offsets = [4200, 0], sizes = [150, 96], strides = [1, 1]} : vector<4800x96xf32> to vector<150x96xf32>
    %reshape3A_723 = vector.shape_cast %slice3A_722 : vector<150x96xf32> to vector<50x3x96xf32>
    %swap3A_724 = arith.constant 28 : index
    %swap3A_725 = arith.constant 0 : index
    %swap3A_726 = arith.constant 0 : index
    %swap3A_727 = arith.constant 0 : index
    %swap3A_728 = vector.load %arg14[%swap3A_724, %swap3A_725, %swap3A_726, %swap3A_727] : memref<32x50x3x96xf32, #tpu.memory_space<vmem>>, vector<1x50x3x96xf32>
    %swap3A_729 = vector.shape_cast %swap3A_728 : vector<1x50x3x96xf32> to vector<50x3x96xf32>
    %swap3A_730 = vector.shape_cast %reshape3A_723 : vector<50x3x96xf32> to vector<1x50x3x96xf32>
    tpu.vector_store %arg14[%swap3A_724, %swap3A_725, %swap3A_726, %swap3A_727], %swap3A_730 {strides = array<i32>} : memref<32x50x3x96xf32, #tpu.memory_space<vmem>>, vector<1x50x3x96xf32>,
    %slice3A_731 = vector.extract_strided_slice %add3A_42 {offsets = [1450, 0], sizes = [50, 96], strides = [1, 1]} : vector<1600x96xf32> to vector<50x96xf32>
    %swap3A_732 = arith.constant 29 : index
    %swap3A_733 = arith.constant 0 : index
    %swap3A_734 = arith.constant 0 : index
    %swap3A_735 = vector.load %arg12[%swap3A_732, %swap3A_733, %swap3A_734] : memref<32x50x96xf32, #tpu.memory_space<vmem>>, vector<1x50x96xf32>
    %swap3A_736 = vector.shape_cast %swap3A_735 : vector<1x50x96xf32> to vector<50x96xf32>
    %swap3A_737 = vector.shape_cast %slice3A_731 : vector<50x96xf32> to vector<1x50x96xf32>
    tpu.vector_store %arg12[%swap3A_732, %swap3A_733, %swap3A_734], %swap3A_737 {strides = array<i32>} : memref<32x50x96xf32, #tpu.memory_space<vmem>>, vector<1x50x96xf32>,
    %slice3A_738 = vector.extract_strided_slice %dot_general3A_52 {offsets = [1450, 0], sizes = [50, 16], strides = [1, 1]} : vector<1600x16xf32> to vector<50x16xf32>
    %swap3A_739 = arith.constant 29 : index
    %swap3A_740 = arith.constant 0 : index
    %swap3A_741 = arith.constant 0 : index
    %swap3A_742 = vector.load %arg13[%swap3A_739, %swap3A_740, %swap3A_741] : memref<32x50x16xf32, #tpu.memory_space<vmem>>, vector<1x50x16xf32>
    %swap3A_743 = vector.shape_cast %swap3A_742 : vector<1x50x16xf32> to vector<50x16xf32>
    %swap3A_744 = vector.shape_cast %slice3A_738 : vector<50x16xf32> to vector<1x50x16xf32>
    tpu.vector_store %arg13[%swap3A_739, %swap3A_740, %swap3A_741], %swap3A_744 {strides = array<i32>} : memref<32x50x16xf32, #tpu.memory_space<vmem>>, vector<1x50x16xf32>,
    %slice3A_745 = vector.extract_strided_slice %add3A_65 {offsets = [4350, 0], sizes = [150, 96], strides = [1, 1]} : vector<4800x96xf32> to vector<150x96xf32>
    %reshape3A_746 = vector.shape_cast %slice3A_745 : vector<150x96xf32> to vector<50x3x96xf32>
    %swap3A_747 = arith.constant 29 : index
    %swap3A_748 = arith.constant 0 : index
    %swap3A_749 = arith.constant 0 : index
    %swap3A_750 = arith.constant 0 : index
    %swap3A_751 = vector.load %arg14[%swap3A_747, %swap3A_748, %swap3A_749, %swap3A_750] : memref<32x50x3x96xf32, #tpu.memory_space<vmem>>, vector<1x50x3x96xf32>
    %swap3A_752 = vector.shape_cast %swap3A_751 : vector<1x50x3x96xf32> to vector<50x3x96xf32>
    %swap3A_753 = vector.shape_cast %reshape3A_746 : vector<50x3x96xf32> to vector<1x50x3x96xf32>
    tpu.vector_store %arg14[%swap3A_747, %swap3A_748, %swap3A_749, %swap3A_750], %swap3A_753 {strides = array<i32>} : memref<32x50x3x96xf32, #tpu.memory_space<vmem>>, vector<1x50x3x96xf32>,
    %slice3A_754 = vector.extract_strided_slice %add3A_42 {offsets = [1500, 0], sizes = [50, 96], strides = [1, 1]} : vector<1600x96xf32> to vector<50x96xf32>
    %swap3A_755 = arith.constant 30 : index
    %swap3A_756 = arith.constant 0 : index
    %swap3A_757 = arith.constant 0 : index
    %swap3A_758 = vector.load %arg12[%swap3A_755, %swap3A_756, %swap3A_757] : memref<32x50x96xf32, #tpu.memory_space<vmem>>, vector<1x50x96xf32>
    %swap3A_759 = vector.shape_cast %swap3A_758 : vector<1x50x96xf32> to vector<50x96xf32>
    %swap3A_760 = vector.shape_cast %slice3A_754 : vector<50x96xf32> to vector<1x50x96xf32>
    tpu.vector_store %arg12[%swap3A_755, %swap3A_756, %swap3A_757], %swap3A_760 {strides = array<i32>} : memref<32x50x96xf32, #tpu.memory_space<vmem>>, vector<1x50x96xf32>,
    %slice3A_761 = vector.extract_strided_slice %dot_general3A_52 {offsets = [1500, 0], sizes = [50, 16], strides = [1, 1]} : vector<1600x16xf32> to vector<50x16xf32>
    %swap3A_762 = arith.constant 30 : index
    %swap3A_763 = arith.constant 0 : index
    %swap3A_764 = arith.constant 0 : index
    %swap3A_765 = vector.load %arg13[%swap3A_762, %swap3A_763, %swap3A_764] : memref<32x50x16xf32, #tpu.memory_space<vmem>>, vector<1x50x16xf32>
    %swap3A_766 = vector.shape_cast %swap3A_765 : vector<1x50x16xf32> to vector<50x16xf32>
    %swap3A_767 = vector.shape_cast %slice3A_761 : vector<50x16xf32> to vector<1x50x16xf32>
    tpu.vector_store %arg13[%swap3A_762, %swap3A_763, %swap3A_764], %swap3A_767 {strides = array<i32>} : memref<32x50x16xf32, #tpu.memory_space<vmem>>, vector<1x50x16xf32>,
    %slice3A_768 = vector.extract_strided_slice %add3A_65 {offsets = [4500, 0], sizes = [150, 96], strides = [1, 1]} : vector<4800x96xf32> to vector<150x96xf32>
    %reshape3A_769 = vector.shape_cast %slice3A_768 : vector<150x96xf32> to vector<50x3x96xf32>
    %swap3A_770 = arith.constant 30 : index
    %swap3A_771 = arith.constant 0 : index
    %swap3A_772 = arith.constant 0 : index
    %swap3A_773 = arith.constant 0 : index
    %swap3A_774 = vector.load %arg14[%swap3A_770, %swap3A_771, %swap3A_772, %swap3A_773] : memref<32x50x3x96xf32, #tpu.memory_space<vmem>>, vector<1x50x3x96xf32>
    %swap3A_775 = vector.shape_cast %swap3A_774 : vector<1x50x3x96xf32> to vector<50x3x96xf32>
    %swap3A_776 = vector.shape_cast %reshape3A_769 : vector<50x3x96xf32> to vector<1x50x3x96xf32>
    tpu.vector_store %arg14[%swap3A_770, %swap3A_771, %swap3A_772, %swap3A_773], %swap3A_776 {strides = array<i32>} : memref<32x50x3x96xf32, #tpu.memory_space<vmem>>, vector<1x50x3x96xf32>,
    %slice3A_777 = vector.extract_strided_slice %add3A_42 {offsets = [1550, 0], sizes = [50, 96], strides = [1, 1]} : vector<1600x96xf32> to vector<50x96xf32>
    %swap3A_778 = arith.constant 31 : index
    %swap3A_779 = arith.constant 0 : index
    %swap3A_780 = arith.constant 0 : index
    %swap3A_781 = vector.load %arg12[%swap3A_778, %swap3A_779, %swap3A_780] : memref<32x50x96xf32, #tpu.memory_space<vmem>>, vector<1x50x96xf32>
    %swap3A_782 = vector.shape_cast %swap3A_781 : vector<1x50x96xf32> to vector<50x96xf32>
    %swap3A_783 = vector.shape_cast %slice3A_777 : vector<50x96xf32> to vector<1x50x96xf32>
    tpu.vector_store %arg12[%swap3A_778, %swap3A_779, %swap3A_780], %swap3A_783 {strides = array<i32>} : memref<32x50x96xf32, #tpu.memory_space<vmem>>, vector<1x50x96xf32>,
    %slice3A_784 = vector.extract_strided_slice %dot_general3A_52 {offsets = [1550, 0], sizes = [50, 16], strides = [1, 1]} : vector<1600x16xf32> to vector<50x16xf32>
    %swap3A_785 = arith.constant 31 : index
    %swap3A_786 = arith.constant 0 : index
    %swap3A_787 = arith.constant 0 : index
    %swap3A_788 = vector.load %arg13[%swap3A_785, %swap3A_786, %swap3A_787] : memref<32x50x16xf32, #tpu.memory_space<vmem>>, vector<1x50x16xf32>
    %swap3A_789 = vector.shape_cast %swap3A_788 : vector<1x50x16xf32> to vector<50x16xf32>
    %swap3A_790 = vector.shape_cast %slice3A_784 : vector<50x16xf32> to vector<1x50x16xf32>
    tpu.vector_store %arg13[%swap3A_785, %swap3A_786, %swap3A_787], %swap3A_790 {strides = array<i32>} : memref<32x50x16xf32, #tpu.memory_space<vmem>>, vector<1x50x16xf32>,
    %slice3A_791 = vector.extract_strided_slice %add3A_65 {offsets = [4650, 0], sizes = [150, 96], strides = [1, 1]} : vector<4800x96xf32> to vector<150x96xf32>
    %reshape3A_792 = vector.shape_cast %slice3A_791 : vector<150x96xf32> to vector<50x3x96xf32>
    %swap3A_793 = arith.constant 31 : index
    %swap3A_794 = arith.constant 0 : index
    %swap3A_795 = arith.constant 0 : index
    %swap3A_796 = arith.constant 0 : index
    %swap3A_797 = vector.load %arg14[%swap3A_793, %swap3A_794, %swap3A_795, %swap3A_796] : memref<32x50x3x96xf32, #tpu.memory_space<vmem>>, vector<1x50x3x96xf32>
    %swap3A_798 = vector.shape_cast %swap3A_797 : vector<1x50x3x96xf32> to vector<50x3x96xf32>
    %swap3A_799 = vector.shape_cast %reshape3A_792 : vector<50x3x96xf32> to vector<1x50x3x96xf32>
    tpu.vector_store %arg14[%swap3A_793, %swap3A_794, %swap3A_795, %swap3A_796], %swap3A_799 {strides = array<i32>} : memref<32x50x3x96xf32, #tpu.memory_space<vmem>>, vector<1x50x3x96xf32>,
    %get3A_800 = arith.constant 0 : index
    %get3A_801 = arith.constant 0 : index
    %get3A_802 = arith.constant 0 : index
    %get3A_803 = vector.load %arg11[%get3A_800, %get3A_801, %get3A_802] : memref<1x1x4800xi32, #tpu.memory_space<vmem>>, vector<1x1x4800xi32>
    %ne3A_804 = arith.constant 0 : i32
    %ne3A_805 = vector.broadcast %ne3A_804 : i32 to vector<1x1x4800xi32>
    %ne3A_806 = arith.cmpi ne, %get3A_803, %ne3A_805 : vector<1x1x4800xi32>
    %swap3A_807 = arith.constant 0 : index
    %swap3A_808 = arith.constant 0 : index
    %swap3A_809 = arith.constant 0 : index
    %swap3A_810 = vector.load %arg15[%swap3A_807, %swap3A_808, %swap3A_809] : memref<1x1x4800xi32, #tpu.memory_space<vmem>>, vector<1x1x4800xi32>
    %swap3A_811 = arith.extui %ne3A_806 : vector<1x1x4800xi1> to vector<1x1x4800xi32>
    %swap3A_812 = arith.constant dense<0> : vector<1x1x4800xi32>
    %swap3A_813 = arith.cmpi ne, %swap3A_810, %swap3A_812 : vector<1x1x4800xi32>
    tpu.vector_store %arg15[%swap3A_807, %swap3A_808, %swap3A_809], %swap3A_811 {strides = array<i32>} : memref<1x1x4800xi32, #tpu.memory_space<vmem>>, vector<1x1x4800xi32>,
    return
  }
  func.func @transform_0(%arg0: i32) -> (i32, i32) {
    %c0_i32 = arith.constant 0 : i32
    %c0_i32_0 = arith.constant 0 : i32
    return %arg0, %c0_i32 : i32, i32
  }
  func.func @transform_1(%arg0: i32) -> (i32, i32) {
    %c0_i32 = arith.constant 0 : i32
    %c0_i32_0 = arith.constant 0 : i32
    return %arg0, %c0_i32 : i32, i32
  }
  func.func @transform_2(%arg0: i32) -> (i32, i32) {
    %c0_i32 = arith.constant 0 : i32
    %c0_i32_0 = arith.constant 0 : i32
    %c0_i32_1 = arith.constant 0 : i32
    return %c0_i32, %c0_i32_0 : i32, i32
  }
  func.func @transform_3(%arg0: i32) -> (i32, i32) {
    %c0_i32 = arith.constant 0 : i32
    %c0_i32_0 = arith.constant 0 : i32
    %c0_i32_1 = arith.constant 0 : i32
    return %c0_i32, %c0_i32_0 : i32, i32
  }
  func.func @transform_4(%arg0: i32) -> (i32, i32) {
    %c0_i32 = arith.constant 0 : i32
    %c0_i32_0 = arith.constant 0 : i32
    %c0_i32_1 = arith.constant 0 : i32
    return %c0_i32, %c0_i32_0 : i32, i32
  }
  func.func @transform_5(%arg0: i32) -> (i32, i32) {
    %c0_i32 = arith.constant 0 : i32
    %c0_i32_0 = arith.constant 0 : i32
    %c0_i32_1 = arith.constant 0 : i32
    return %c0_i32, %c0_i32_0 : i32, i32
  }
  func.func @transform_6(%arg0: i32) -> (i32, i32) {
    %c0_i32 = arith.constant 0 : i32
    %c0_i32_0 = arith.constant 0 : i32
    %c0_i32_1 = arith.constant 0 : i32
    return %c0_i32, %c0_i32_0 : i32, i32
  }
  func.func @transform_7(%arg0: i32) -> (i32, i32) {
    %c0_i32 = arith.constant 0 : i32
    %c0_i32_0 = arith.constant 0 : i32
    return %arg0, %c0_i32 : i32, i32
  }
  func.func @transform_8(%arg0: i32) -> (i32, i32) {
    %c0_i32 = arith.constant 0 : i32
    %c0_i32_0 = arith.constant 0 : i32
    %c0_i32_1 = arith.constant 0 : i32
    return %c0_i32, %c0_i32_0 : i32, i32
  }
  func.func @transform_9(%arg0: i32) -> (i32, i32) {
    %c0_i32 = arith.constant 0 : i32
    %c0_i32_0 = arith.constant 0 : i32
    %c0_i32_1 = arith.constant 0 : i32
    return %c0_i32, %c0_i32_0 : i32, i32
  }
  func.func @transform_10(%arg0: i32) -> (i32, i32, i32) {
    %c0_i32 = arith.constant 0 : i32
    %c0_i32_0 = arith.constant 0 : i32
    %c0_i32_1 = arith.constant 0 : i32
    return %arg0, %c0_i32, %c0_i32_0 : i32, i32, i32
  }
  func.func @transform_11(%arg0: i32) -> (i32, i32, i32) {
    %c0_i32 = arith.constant 0 : i32
    %c0_i32_0 = arith.constant 0 : i32
    %c0_i32_1 = arith.constant 0 : i32
    return %arg0, %c0_i32, %c0_i32_0 : i32, i32, i32
  }
  func.func @transform_12(%arg0: i32) -> (i32, i32, i32) {
    %c0_i32 = arith.constant 0 : i32
    %c0_i32_0 = arith.constant 0 : i32
    %c0_i32_1 = arith.constant 0 : i32
    return %arg0, %c0_i32, %c0_i32_0 : i32, i32, i32
  }
  func.func @transform_13(%arg0: i32) -> (i32, i32, i32, i32) {
    %c0_i32 = arith.constant 0 : i32
    %c0_i32_0 = arith.constant 0 : i32
    %c0_i32_1 = arith.constant 0 : i32
    %c0_i32_2 = arith.constant 0 : i32
    return %arg0, %c0_i32, %c0_i32_0, %c0_i32_1 : i32, i32, i32, i32
  }
  func.func @transform_14(%arg0: i32) -> (i32, i32, i32) {
    %c0_i32 = arith.constant 0 : i32
    %c0_i32_0 = arith.constant 0 : i32
    %c0_i32_1 = arith.constant 0 : i32
    return %arg0, %c0_i32, %c0_i32_0 : i32, i32, i32
  }
}

</mosaic_0001>

<sc_bundles>
// kernel: kernel.4.cloned.1.call-start
scs
__scs_entry_jumppad:
0x0: {  	(pc) =	sbr.rel $0x88, $3  }
0x1: {  	(tag) =	ssettag $0x0;
	lr =	simm.s32 $0x1  }
0x2: {  	[smem:$0x3F93] =	sst lr;
	_ =	strace $0xD0000000  }
0x3: {  	_ = 	snop  }
0x4: {  	_ = 	snop  }
0x5: {  	_ = 	snop  }
0x6: {  	_ = 	snop  }
0x7: {  	_ = 	snop  }
__scs_overlays_trampoline_lowered:
0x8: {  	[smem:$0x3FA2] =	sst s0  }
0x9: {  	[smem:$0x3FA3] =	sst s1  }
0xa: {  	[smem:$0x3FA4] =	sst s2  }
0xb: {  	[smem:$0x3FA5] =	sst s3  }
0xc: {  	[smem:$0x3FA6] =	sst s4  }
0xd: {  	[smem:$0x3FA7] =	sst s5  }
0xe: {  	[smem:$0x3FA8] =	sst s6  }
0xf: {  	[smem:$0x3FA9] =	sst s7  }
0x10: {  	[smem:$0x3FAA] =	sst s8  }
0x11: {  	[smem:$0x3FAB] =	sst s9;
	s0 =	simm.s32 @!p0 $0x0  }
0x12: {  	s1 =	sld [smem:$0x3F91];
	s0 =	simm.s32 @p0 $0x1  }
0x13: {  	[smem:$0x3FAC] =	sst s0;
	s0 =	simm.s32 @!p1 $0x0  }
0x14: {  	s2 =	sld [smem:$0x3F90];
	s0 =	simm.s32 @p1 $0x1  }
0x15: {  	[smem:$0x3FAD] =	sst s0;
	s0 =	simm.s32 @!p2 $0x0  }
0x16: {  	s3 =	sld [smem:$0x3FDB];
	s0 =	simm.s32 @p2 $0x1  }
0x17: {  	s4 =	simm.s32 $0x1BF5;
	[smem:$0x3FAF] =	sst s0  }
0x18: {  	s0 =	sld [smem:$0x3F92];
	_ =	swait.ge [sflag:s4], $0x0  }
0x19: {  	s7 =	sld [smem:$0x3F93]  }
0x1a: {  	s8 =	sadd.s32 $0xFFFFE003, lr  }
0x1b: {  	s9 =	sadd.s32 $0xFFFFFEF7, lr;
	s5 =	simm.s32 $0xFFFFFFFF;
	p2 =	slt.u32 s8, $0xFFFFF086  }
0x1c: {  	p1 =	slt.u32 s9, $0xF7A;
	s5 =	simm.s32 @!p2 $0x0  }
0x1d: {  	s5 =	simm.s32 @p1 $0x1;
	p0 =	seq.s32 s7, s2  }
0x1e: {  	s7 =	smul.u32 @!p0 $0xF7A, s2;
	p2 =	seq.s32 @!p0 s5, $0x0  }
0x1f: {  	s9 =	smul.u32 $0xF7A, s1;
	s8 =	simm.s32 @!p0 $0x1BF5;
	p2 =	por !p2, p0  }
0x20: {  	[sflag:s8] =	ssyncset.s32 @!p0 $0xFFFFF086;
	s6 =	sadd.s32 @!p0 s3, s7;
	s7 =	simm.s32 @!p0 $0x108  }
0x21: {  	s3 =	sadd.s32 s3, s9;
	s6 =	sadd.s32 @!p0 $0x88, s6;
	s7 =	simm.s32 @p2 $0x1082  }
0x22: {  	[simem:s7], [sflag:s8] =	dma.local @!p0 [hbm:s6], $0xF7A  }
0x23: {  	s9 =	sor.u32 $0xD0000000, s2;
	s6 =	simm.s32 $0x108;
	_ =	swait.ge @!p0 [sflag:s8], $0x0  }
0x24: {  	s3 =	sadd.s32 $0x88, s3;
	s6 =	simm.s32 @!p1 $0x1082;
	[sflag:s4] =	ssyncset.s32 $0xFFFFF086  }
0x25: {  	[simem:s6], [sflag:s4] =	dma.local [hbm:s3], $0xF7A  }
0x26: {  	[smem:$0x3F93] =	sst s1;
	(tag) =	ssettag s2;
	_ =	strace s9  }
0x27: {  	s1 =	sld [smem:$0x3FA3]  }
0x28: {  	s2 =	sld [smem:$0x3FA4]  }
0x29: {  	s4 =	sld [smem:$0x3FA6]  }
0x2a: {  	p0 =	seq.s32 s5, $0x0;
	s5 =	sld [smem:$0x3FA7]  }
0x2b: {  	s6 =	sld [smem:$0x3FA8]  }
0x2c: {  	s7 =	sld [smem:$0x3FA9]  }
0x2d: {  	s3 =	simm.s32 $0x108;
	s8 =	sld [smem:$0x3FAA]  }
0x2e: {  	s3 =	simm.s32 @!p0 $0x1082;
	s9 =	sld [smem:$0x3FAB]  }
0x2f: {  	lr =	sadd.s32 s0, s3;
	s0 =	sld [smem:$0x3FA2]  }
0x30: {  	s3 =	sld [smem:$0x3FA5]  }
0x31: {  	[smem:$0x3FAE] =	sst s10  }
0x32: {  	s10 =	sld [smem:$0x3FAC];
	_ =	sdelay $0x3  }
0x33: {  	p0 =	seq.s32 s10, $0x1;
	s10 =	sld [smem:$0x3FAE];
	_ =	sdelay $0x3  }
0x34: {  	[smem:$0x3FAE] =	sst s10  }
0x35: {  	s10 =	sld [smem:$0x3FAD];
	_ =	sdelay $0x3  }
0x36: {  	p1 =	seq.s32 s10, $0x1;
	s10 =	sld [smem:$0x3FAE];
	_ =	sdelay $0x3  }
0x37: {  	[smem:$0x3FAE] =	sst s10  }
0x38: {  	s10 =	sld [smem:$0x3FAF]  }
0x39: {  	_ = 	snop;
	(pc) =	sbr.ind lr, $3  }
0x3a: {  	_ = 	snop  }
0x3b: {  	_ = 	snop  }
0x3c: {  	p2 =	seq.s32 s10, $0x1;
	s10 =	sld [smem:$0x3FAE]  }
0x3d: {  	_ =	shalt  }
0x3e: {  	_ =	shalt  }
0x3f: {  	_ =	shalt  }
0x40: {  	_ =	shalt  }
0x41: {  	_ =	shalt  }
0x42: {  	_ =	shalt  }
0x43: {  	_ =	shalt  }
0x44: {  	_ =	shalt  }
0x45: {  	_ =	shalt  }
0x46: {  	_ =	shalt  }
0x47: {  	_ =	shalt  }
0x48: {  	_ =	shalt  }
0x49: {  	_ =	shalt  }
0x4a: {  	_ =	shalt  }
0x4b: {  	_ =	shalt  }
0x4c: {  	_ =	shalt  }
0x4d: {  	_ =	shalt  }
0x4e: {  	_ =	shalt  }
0x4f: {  	_ =	shalt  }
0x50: {  	_ =	shalt  }
0x51: {  	_ =	shalt  }
0x52: {  	_ =	shalt  }
0x53: {  	_ =	shalt  }
0x54: {  	_ =	shalt  }
0x55: {  	_ =	shalt  }
0x56: {  	_ =	shalt  }
0x57: {  	_ =	shalt  }
0x58: {  	_ =	shalt  }
0x59: {  	_ =	shalt  }
0x5a: {  	_ =	shalt  }
0x5b: {  	_ =	shalt  }
0x5c: {  	_ =	shalt  }
0x5d: {  	_ =	shalt  }
0x5e: {  	_ =	shalt  }
0x5f: {  	_ =	shalt  }
0x60: {  	_ =	shalt  }
0x61: {  	_ =	shalt  }
0x62: {  	_ =	shalt  }
0x63: {  	_ =	shalt  }
0x64: {  	_ =	shalt  }
0x65: {  	_ =	shalt  }
0x66: {  	_ =	shalt  }
0x67: {  	_ =	shalt  }
0x68: {  	_ =	shalt  }
0x69: {  	_ =	shalt  }
0x6a: {  	_ =	shalt  }
0x6b: {  	_ =	shalt  }
0x6c: {  	_ =	shalt  }
0x6d: {  	_ =	shalt  }
0x6e: {  	_ =	shalt  }
0x6f: {  	_ =	shalt  }
0x70: {  	_ =	shalt  }
0x71: {  	_ =	shalt  }
0x72: {  	_ =	shalt  }
0x73: {  	_ =	shalt  }
0x74: {  	_ =	shalt  }
0x75: {  	_ =	shalt  }
0x76: {  	_ =	shalt  }
0x77: {  	_ =	shalt  }
0x78: {  	_ =	shalt  }
0x79: {  	_ =	shalt  }
0x7a: {  	_ =	shalt  }
0x7b: {  	_ =	shalt  }
0x7c: {  	_ =	shalt  }
0x7d: {  	_ =	shalt  }
0x7e: {  	_ =	shalt  }
0x7f: {  	_ =	shalt  }
0x80: {  	_ =	shalt  }
0x81: {  	_ =	shalt  }
0x82: {  	_ =	shalt  }
0x83: {  	_ =	shalt  }
0x84: {  	_ =	shalt  }
0x85: {  	_ =	shalt  }
0x86: {  	_ =	shalt  }
0x87: {  	_ =	shalt  }
.Lfunc_end0:
.L_simem_size_0:
called_computation_lowered:
.L_overlay_start_0:
0x88: {  	s2 =	sld [smem:$0x3FD9]  }
0x89: {  	s3 =	sld [smem:$0x3FFE];
	_ =	sdelay $0x1  }
0x8a: {  	s1 =	srdreg.scid  }
0x8b: {  	s0 =	sand.u32 $0x1, s1  }
0x8c: {  	s14 =	sshll.u32 s0, $0xA;
	s2 =	sadd.s32 s3, s2  }
0x8d: {  	s2 =	sadd.s32 s2, s14  }
0x8e: {  	[smem:$0x3FBA] =	sst s2  }
0x8f: {  	_ = 	snop  }
0x90: {  	s2 =	sld [smem:$0x3FD0];
	_ =	sdelay $0x2  }
0x91: {  	s15 =	simm.s32 $0xA;
	s4 =	simm.s32 $0x10  }
0x92: {  	[smem:s4], [sflag:s15] =	dma.local [hbm:s2], $0x1  }
0x93: {  	_ =	swait.eq [sflag:s15], $0x1  }
0x94: {  	[sflag:s15] =	ssyncset.done $0x0  }
0x95: {  	s16 =	sld [smem:$0x11];
	[sflag:s15] =	ssyncadd.s32 $0xFFFFFFFF  }
0x96: {  	s17 =	sld [smem:$0x13];
	(tm) =	ssettm $0x1  }
0x97: {  	s18 =	sld [smem:$0x3FFB];
	_ =	sdelay $0x3  }
0x98: {  	_ =	strace s18  }
0x99: {  	s4 =	sld [smem:$0x3FFC];
	_ =	sdelay $0x3  }
0x9a: {  	_ =	strace s4  }
0x9b: {  	s4 =	sld [smem:$0x3FFD];
	_ =	sdelay $0x3  }
0x9c: {  	_ =	strace s4  }
0x9d: {  	_ =	strace $0x8FFFFFFF  }
0x9e: {  	s19 =	sld [smem:$0x3FDB];
	_ =	sdelay $0x1  }
0x9f: {  	s5 =	simm.s32 $_scs_section_size  }
0xa0: {  	s6 =	simm.s32 $_size__tile_overlayer_lowered;
	s7 =	simm.s32 $_tile_overlayer_lowered  }
0xa1: {  	s22 =	simm.s32 $0x1BFF;
	s21 =	sshll.u32 s7, $0x1;
	s4 =	sadd.s32 s5, s19  }
0xa2: {  	s8 =	simm.s32 $0x0;
	s20 =	sshll.u32 s6, $0x1;
	s6 =	sadd.s32 s21, s4  }
0xa3: {  	[timem:s8], [sflag:s22] =	dma.local [hbm:s6], s20  }
0xa4: {  	_ =	swait.ge [sflag:s22], s20  }
0xa5: {  	s5 =	ssub.s32 $0x0, s20;
	[sflag:s22] =	ssyncset.done $0x0  }
0xa6: {  	[sflag:s22] =	ssyncadd.s32 s5;
	_ =	sdelay $0x1  }
0xa7: {  	s23 =	simm.s32 $0x1B8B  }
0xa8: {  	_ =	swait.ge [sflag:s23], $0x1  }
0xa9: {  	[sflag:s23] =	ssyncset.done $0x0  }
0xaa: {  	s25 =	simm.s32 $0x1B8E;
	s24 =	sld [smem:$0x3FFE];
	[sflag:s23] =	ssyncadd.s32 $0xFFFFFFFF  }
0xab: {  	s26 =	simm.s32 $execute0_lowered;
	[smem:$0x3FD2] =	sst s25  }
0xac: {  	s6 =	sshll.u32 s26, $0x1;
	_ =	strace $0x80000046;
	[dreg:$0x1] =	wrdreg $0xFFFFFFFF  }
0xad: {  	s28 =	simm.s32 $_size_execute0_lowered;
	s4 =	sadd.s32 s4, s6;
	[dreg:$0x0] =	wrdreg $0x0  }
0xae: {  	s6 =	sshll.u32 s28, $0x1;
	[dreg:$0x2] =	wrdreg s4  }
0xaf: {  	[dreg:$0x3] =	wrdreg s6  }
0xb0: {  	[dreg:$0x4] =	wrdreg $0xC0  }
0xb1: {  	_ =	task [dreg:s8], $0x5FFFF  }
0xb2: {  	[dreg:$0x1] =	wrdreg $0xFFFFFFFF  }
0xb3: {  	[dreg:$0x0] =	wrdreg $0x60  }
0xb4: {  	[dreg:$0x2] =	wrdreg s24  }
0xb5: {  	[dreg:$0x3] =	wrdreg s16  }
0xb6: {  	[dreg:$0x4] =	wrdreg s17  }
0xb7: {  	[dreg:$0x5] =	wrdreg $0x1DB800  }
0xb8: {  	[dreg:$0x6] =	wrdreg $0x9  }
0xb9: {  	_ =	task.clear_ibuf [dreg:s8], $0x7FFFF;
	_ =	strace $0x90000046  }
0xba: {  	s29 =	simm.s32 $0x9;
	_ =	strace $0x80000048  }
0xbb: {  	_ =	swait.ge [sflag:s29], $0x1  }
0xbc: {  	[sflag:s29] =	ssyncadd.s32 $0xFFFFFFFF  }
0xbd: {  	_ =	strace $0x90000048  }
0xbe: {  	_ =	sfence  }
0xbf: {  	s30 =	sld [smem:$0x0];
	_ =	sdelay $0x2  }
0xc0: {  	s31 =	sshll.u32 s1, $0xD;
	s1 =	sshrl.u32 s1, $0x2  }
0xc1: {  	s3 =	sand.u32 $0x4000, s31;
	s1 =	sadd.s32 s1, s30  }
0xc2: {  	s0 =	sor.u32 s3, s0;
	s1 =	sshll.u32 s1, $0x11  }
0xc3: {  	s0 =	sor.u32 s1, s0  }
0xc4: {  	s0 =	sadd.s32 $0x8F2B, s0  }
0xc5: {  	[sflag:s0] =	ssyncadd.remote.s32 $0x1  }
0xc6: {  	_ =	sfence.sel $0xFFFF  }
0xc7: {  	[dreg:$0x0] =	wrdreg $0xFFFFFFFF;
	(pc) =	sbr.abs _section_cstart, $3  }
0xc8: {  	[dreg:$0x1] =	wrdreg $0xFFFFFFFF  }
0xc9: {  	_ =	task.clear_ibuf [dreg:s8], $0x2FFFF;
	_ =	strace $0x9FFFFFFF  }
0xca: {  	(tm) =	ssettm $0x7FFFFFFF  }
0xcb: {  	_ =	shalt  }
tec
execute0_lowered:
.L_overlay_start_1:
0x0: {  	(tag) =	ssettag $0x1  }
0x1: {  	s0 =	rddreg [dreg:$0x0]  }
0x2: {  	s1 =	rddreg [dreg:$0x1]  }
0x3: {  	s3 =	rddreg [dreg:$0x3]  }
0x4: {  	s2 =	simm.s32 $0x0;
	s16 =	stileid.u32;
	s7 =	srdreg.scid  }
0x5: {  	[smem:$0x7FF] =	sst s2;
	s5 =	smul.u32 $0x60, s16;
	s6 =	sshll.u32 s16, $0x5  }
0x6: {  	s21 =	sadd.s32 $0x3FE200, s0;
	s12 =	sand.u32 $0x1, s7;
	s9 =	sshll.u32 s16, $0xC  }
0x7: {  	s10 =	smul.u32 $0x3000, s16;
	s7 =	sadd.s32 $0x33AC00, s0;
	s23 =	sshll.u32 s16, $0x8  }
0x8: {  	_ =	strace $0x80000047;
	s8 =	sadd.s32 s6, s0;
	[dreg:$0x5] =	wrdreg s21  }
0x9: {  	s6 =	sadd.s32 $0x277600, s0;
	s11 =	ssub.s32 $0x2, s12;
	s13 =	sadd.s32 s9, s0  }
0xa: {  	s9 =	sshll.u32 s16, $0x7;
	s1 =	sadd.s32 s23, s1;
	s24 =	sshll.u32 s12, $0x7  }
0xb: {  	s14 =	sshll.u32 s12, $0x4;
	s15 =	smul.u32 $0x1800, s12;
	s1 =	sadd.s32 s24, s1  }
0xc: {  	s29 =	smul.u32 $0x30, s12;
	s2 =	sor.u32 $0x26, s9;
	[dreg:$0x6] =	wrdreg s1  }
0xd: {  	s5 =	sadd.s32 s5, s0;
	s4 =	sor.u32 $0x28, s9;
	[smem:$0x7E4] =	sst s2  }
0xe: {  	v0 =	vlaneseq.u32;
	s22 =	sshrl.u32 s11, $0x1;
	[smem:$0x7E5] =	sst s4;
	s2 =	sor.u32 $0x2A, s9  }
0xf: {  	v0 =	vshrl.u32 v0, $0x3;
	s21 =	sor.u32 $0x4, s9;
	s4 =	sor.u32 $0x2C, s9;
	[smem:$0x7E6] =	sst s2  }
0x10: {  	s0 =	sadd.s32 s10, s0;
	v2 =	vor.u32 s21, v0;
	s21 =	sshll.u32 s16, $0x1;
	[smem:$0x7E7] =	sst s4  }
0x11: {  	s17 =	sor.u32 $0x2, s9;
	s25 =	sor.u32 $0xE, s9;
	[dreg:$0xd] =	wrdreg s21  }
0x12: {  	s19 =	sor.u32 $0x6, s9;
	v7 =	vor.u32 s25, v0;
	s2 =	sor.u32 $0x2E, s9;
	s25 =	sld [smem:$0x7E4]  }
0x13: {  	s26 =	ssub.s32 s11, s22;
	s4 =	sor.u32 $0x30, s9;
	[smem:$0x7E8] =	sst s2  }
0x14: {  	s10 =	sadd.s32 s14, s8;
	v1 =	vor.u32 s17, v0;
	s17 =	smax.u32 s26, $0x1;
	[smem:$0x7E9] =	sst s4  }
0x15: {  	s8 =	sadd.s32 s15, s0;
	s26 =	sadd.s32 $0x5A00, s10;
	[dreg:$0x7] =	wrdreg s17  }
0x16: {  	s1 =	sadd.s32 s29, s5;
	s10 =	sadd.s32 $0x589800, s8;
	[dreg:$0x8] =	wrdreg s26  }
0x17: {  	v3 =	vor.u32 s19, v0;
	s19 =	sadd.s32 $0xEC000, s1;
	[dreg:$0x9] =	wrdreg s10  }
0x18: {  	[dreg:$0xb] =	wrdreg s19  }
0x19: {  	s29 =	sor.u32 $0x22, s9;
	s26 =	sld [smem:$0x7E5]  }
0x1a: {  	s31 =	sor.u32 $0xA, s9;
	s0 =	sshll.u32 s12, $0xB;
	v17 =	vor.u32 s29, v0;
	s29 =	sld [smem:$0x7E6]  }
0x1b: {  	v5 =	vor.u32 s31, v0;
	s5 =	sadd.s32 s0, s13;
	s2 =	sor.u32 $0x32, s9;
	s31 =	sld [smem:$0x7E7]  }
0x1c: {  	s0 =	sshll.u32 s16, $0xD;
	s4 =	sor.u32 $0x34, s9;
	[smem:$0x7EA] =	sst s2  }
0x1d: {  	s0 =	sadd.s32 s0, s3;
	[smem:$0x7EB] =	sst s4  }
0x1e: {  	s20 =	sor.u32 $0x8, s9;
	s17 =	sadd.s32 $0xE7400, s1;
	[dreg:$0xe] =	wrdreg s0  }
0x1f: {  	v4 =	vor.u32 s20, v0;
	s20 =	sadd.s32 $0x4C1808, s5;
	[dreg:$0xa] =	wrdreg s17  }
0x20: {  	[dreg:$0xc] =	wrdreg s20  }
0x21: {  	s1 =	sld [smem:$0x7E8]  }
0x22: {  	s2 =	sor.u32 $0x36, s9;
	s5 =	sld [smem:$0x7E9]  }
0x23: {  	s4 =	sor.u32 $0x38, s9;
	[smem:$0x7EC] =	sst s2  }
0x24: {  	[smem:$0x7ED] =	sst s4  }
0x25: {  	s8 =	sld [smem:$0x7EA]  }
0x26: {  	s2 =	sor.u32 $0x3A, s9;
	s10 =	sld [smem:$0x7EB]  }
0x27: {  	s4 =	sor.u32 $0x3C, s9;
	[smem:$0x7EE] =	sst s2  }
0x28: {  	s11 =	sor.u32 $0x14, s9;
	[smem:$0x7EF] =	sst s4  }
0x29: {  	s12 =	sor.u32 $0x18, s9;
	v10 =	vor.u32 s11, v0;
	s11 =	sld [smem:$0x7EC]  }
0x2a: {  	v12 =	vor.u32 s12, v0;
	s2 =	sor.u32 $0x3E, s9;
	s12 =	sld [smem:$0x7ED]  }
0x2b: {  	s4 =	sor.u32 $0x40, s9;
	[smem:$0x7F0] =	sst s2  }
0x2c: {  	s13 =	sor.u32 $0x1A, s9;
	[smem:$0x7F1] =	sst s4  }
0x2d: {  	s14 =	sor.u32 $0x12, s9;
	v13 =	vor.u32 s13, v0;
	s13 =	sld [smem:$0x7EE]  }
0x2e: {  	v9 =	vor.u32 s14, v0;
	s2 =	sor.u32 $0x42, s9;
	s14 =	sld [smem:$0x7EF]  }
0x2f: {  	s4 =	sor.u32 $0x44, s9;
	[smem:$0x7F2] =	sst s2  }
0x30: {  	s15 =	sor.u32 $0x16, s9;
	[smem:$0x7F3] =	sst s4  }
0x31: {  	v11 =	vor.u32 s15, v0;
	s15 =	sld [smem:$0x7F0]  }
0x32: {  	s2 =	sor.u32 $0x46, s9;
	s16 =	sld [smem:$0x7F1]  }
0x33: {  	s4 =	sor.u32 $0x48, s9;
	[smem:$0x7F4] =	sst s2  }
0x34: {  	s18 =	sor.u32 $0x10, s9;
	[smem:$0x7F5] =	sst s4  }
0x35: {  	v8 =	vor.u32 s18, v0;
	s18 =	sld [smem:$0x7F2]  }
0x36: {  	s2 =	sor.u32 $0x4A, s9;
	s19 =	sld [smem:$0x7F3]  }
0x37: {  	s4 =	sor.u32 $0x4C, s9;
	[smem:$0x7F6] =	sst s2  }
0x38: {  	[smem:$0x7F7] =	sst s4  }
0x39: {  	s22 =	sor.u32 $0x1C, s9;
	s20 =	sld [smem:$0x7F4]  }
0x3a: {  	v14 =	vor.u32 s22, v0;
	s2 =	sor.u32 $0x4E, s9;
	s22 =	sld [smem:$0x7F5]  }
0x3b: {  	s4 =	sor.u32 $0x50, s9;
	[smem:$0x7F8] =	sst s2  }
0x3c: {  	s23 =	sor.u32 $0x1E, s9;
	[smem:$0x7F9] =	sst s4  }
0x3d: {  	s24 =	sor.u32 $0x20, s9;
	v15 =	vor.u32 s23, v0;
	s23 =	sld [smem:$0x7F6]  }
0x3e: {  	v16 =	vor.u32 s24, v0;
	s2 =	sor.u32 $0x52, s9;
	s24 =	sld [smem:$0x7F7]  }
0x3f: {  	s4 =	sor.u32 $0x54, s9;
	[smem:$0x7FA] =	sst s2  }
0x40: {  	[smem:$0x7FB] =	sst s4  }
0x41: {  	v19 =	vor.u32 s25, v0;
	s25 =	sld [smem:$0x7F8]  }
0x42: {  	v20 =	vor.u32 s26, v0;
	s2 =	sor.u32 $0x56, s9;
	s26 =	sld [smem:$0x7F9]  }
0x43: {  	s4 =	sor.u32 $0x58, s9;
	[smem:$0x7FC] =	sst s2  }
0x44: {  	[dreg:$0x1e] =	wrdreg s4  }
0x45: {  	v21 =	vor.u32 s29, v0;
	s29 =	sld [smem:$0x7FA]  }
0x46: {  	v22 =	vor.u32 s31, v0;
	s2 =	sor.u32 $0x5A, s9;
	s31 =	sld [smem:$0x7FB]  }
0x47: {  	s4 =	sor.u32 $0x5C, s9;
	[dreg:$0x1f] =	wrdreg s2  }
0x48: {  	[smem:$0x7FD] =	sst s4  }
0x49: {  	v24 =	vor.u32 s5, v0;
	s5 =	sld [smem:$0x7FC]  }
0x4a: {  	v25 =	vor.u32 s8, v0;
	s2 =	sor.u32 $0x5E, s9;
	s8 =	rddreg [dreg:$0x1e]  }
0x4b: {  	s4 =	sor.u32 $0x60, s9;
	[dreg:$0x1b] =	wrdreg s2  }
0x4c: {  	[dreg:$0x1c] =	wrdreg s4  }
0x4d: {  	v26 =	vor.u32 s10, v0;
	s10 =	rddreg [dreg:$0x1f]  }
0x4e: {  	v27 =	vor.u32 s11, v0;
	s2 =	sor.u32 $0x62, s9;
	s11 =	sld [smem:$0x7FD]  }
0x4f: {  	s4 =	sor.u32 $0x64, s9;
	[dreg:$0x1d] =	wrdreg s2  }
0x50: {  	[dreg:$0x18] =	wrdreg s4  }
0x51: {  	v28 =	vor.u32 s12, v0;
	s12 =	rddreg [dreg:$0x1b]  }
0x52: {  	v29 =	vor.u32 s13, v0;
	s2 =	sor.u32 $0x66, s9;
	s13 =	rddreg [dreg:$0x1c]  }
0x53: {  	s4 =	sor.u32 $0x68, s9;
	[dreg:$0x19] =	wrdreg s2  }
0x54: {  	[dreg:$0x1a] =	wrdreg s4  }
0x55: {  	v30 =	vor.u32 s14, v0;
	s14 =	rddreg [dreg:$0x1d]  }
0x56: {  	v31 =	vor.u32 s15, v0;
	s2 =	sor.u32 $0x6A, s9;
	s15 =	rddreg [dreg:$0x18]  }
0x57: {  	s4 =	sor.u32 $0x6C, s9;
	[dreg:$0x15] =	wrdreg s2  }
0x58: {  	[dreg:$0x16] =	wrdreg s4  }
0x59: {  	v32 =	vor.u32 s16, v0;
	s16 =	rddreg [dreg:$0x19]  }
0x5a: {  	v33 =	vor.u32 s18, v0;
	s2 =	sor.u32 $0x6E, s9;
	s18 =	rddreg [dreg:$0x1a]  }
0x5b: {  	s4 =	sor.u32 $0x70, s9;
	[dreg:$0x17] =	wrdreg s2  }
0x5c: {  	[dreg:$0x12] =	wrdreg s4  }
0x5d: {  	s28 =	sor.u32 $0xC, s9;
	v34 =	vor.u32 s19, v0;
	s19 =	rddreg [dreg:$0x15]  }
0x5e: {  	s30 =	sor.u32 $0x24, s9;
	v36 =	vor.u32 s22, v0;
	s2 =	sor.u32 $0x72, s9;
	s22 =	rddreg [dreg:$0x16]  }
0x5f: {  	v6 =	vor.u32 s28, v0;
	v18 =	vor.u32 s30, v0;
	[tilespmem:$0x1FFE0] =	vst v1;
	v1 =	vor.u32 s9, v0;
	s4 =	sor.u32 $0x74, s9;
	[dreg:$0x13] =	wrdreg s2  }
0x60: {  	s28 =	simm.s32 $0x4B80;
	s30 =	simm.s32 $0x10B80;
	v23 =	vor.u32 s1, v0;
	v35 =	vor.u32 s20, v0;
	v37 =	vor.u32 s23, v0;
	[dreg:$0x14] =	wrdreg s4  }
0x61: {  	s21 =	simm.s32 $0x1;
	s17 =	simm.s32 $0x80;
	v38 =	vor.u32 s24, v0;
	v39 =	vor.u32 s25, v0;
	v40 =	vor.u32 s26, v0;
	s23 =	rddreg [dreg:$0x17]  }
0x62: {  	s1 =	simm.s32 $0x3;
	v44 =	vor.u32 s8, v0;
	v41 =	vor.u32 s29, v0;
	v42 =	vor.u32 s31, v0;
	s2 =	sor.u32 $0x78, s9;
	s24 =	rddreg [dreg:$0x12]  }
0x63: {  	s20 =	simm.s32 $0x8;
	v45 =	vor.u32 s10, v0;
	s10 =	simm.s32 $0x12B80;
	v43 =	vor.u32 s5, v0;
	v47 =	vor.u32 s12, v0;
	[dreg:$0x10] =	wrdreg s2  }
0x64: {  	v48 =	vor.u32 s13, v0;
	s5 =	simm.s32 $0xF;
	s12 =	simm.s32 $0x2;
	v46 =	vor.u32 s11, v0;
	v49 =	vor.u32 s14, v0;
	s25 =	rddreg [dreg:$0x13]  }
.Ltmp0:
0x65: {  	v50 =	vor.u32 s15, v0;
	v51 =	vor.u32 s16, v0;
	v52 =	vor.u32 s18, v0;
	s2 =	sor.u32 $0x7A, s9;
	s26 =	rddreg [dreg:$0x14];
	(pc) =	sbr.rel .LBB2_1-.Ltmp0, $4  }
0x66: {  	s13 =	simm.s32 $0xEB80;
	s4 =	sor.u32 $0x76, s9;
	v53 =	vor.u32 s19, v0;
	v54 =	vor.u32 s22, v0;
	v55 =	vor.u32 s23, v0;
	[dreg:$0x11] =	wrdreg s2  }
0x67: {  	s16 =	simm.s32 $0x2B80;
	v56 =	vor.u32 s24, v0;
	v59 =	vor.u32 s4, v0;
	s2 =	sor.u32 $0x7C, s9;
	v57 =	vor.u32 s25, v0;
	s29 =	rddreg [dreg:$0x10]  }
0x68: {  	s18 =	simm.s32 $0x8B80;
	s9 =	sor.u32 $0x7E, s9;
	v58 =	vor.u32 s26, v0;
	v60 =	vor.u32 s29, v0;
	s31 =	rddreg [dreg:$0x11];
	v62 =	vor.u32 s2, v0  }
0x69: {  	[tilespmem:$0x1FFF0] =	vst v1;
	s23 =	simm.s32 $0xB80;
	s25 =	simm.s32 $0xAB80;
	v63 =	vor.u32 s9, v0;
	s2 =	simm.s32 $0x0;
	v61 =	vor.u32 s31, v0;
	v0 =	vimm.f32 $0.0e+00  }
.LBB2_7:
0x6a: {  	s0 =	simm.s32 $0x4  }
0x6b: {  	_ =	swait.ge [sflag:s0], $0x2000  }
0x6c: {  	[sflag:s0] =	ssyncset.done $0x0  }
0x6d: {  	s26 =	simm.s32 $0x5;
	[sflag:s0] =	ssyncadd.s32 $0xFFFFE000  }
0x6e: {  	_ =	swait.ge [sflag:s26], $0x6000  }
0x6f: {  	[sflag:s26] =	ssyncset.done $0x0  }
0x70: {  	s29 =	simm.s32 $0x6;
	[sflag:s26] =	ssyncadd.s32 $0xFFFFA000  }
0x71: {  	_ =	swait.ge [sflag:s29], $0x3000  }
0x72: {  	[sflag:s29] =	ssyncset.done $0x0  }
0x73: {  	s31 =	simm.s32 $0x7;
	[sflag:s29] =	ssyncadd.s32 $0xFFFFD000  }
0x74: {  	_ =	swait.ge [sflag:s31], $0x400  }
0x75: {  	s2 =	rddreg [dreg:$0xf]  }
0x76: {  	s8 =	rddreg [dreg:$0x7];
	s2 =	sadd.s32 $0x1, s2  }
0x77: {  	p0 =	sne.s32 s2, s8  }
.Ltmp1:
0x78: {  	_ = 	snop;
	(pc) =	sbr.rel @!p0 .LBB2_8-.Ltmp1, $3  }
0x79: {  	_ =	sdelay $0x1  }
0x7a: {  	[sflag:s31] =	ssyncset.done $0x0  }
0x7b: {  	[sflag:s31] =	ssyncadd.s32 $0xFFFFFC00  }
.LBB2_1:
0x7c: {  	[dreg:$0xf] =	wrdreg s2;
	s19 =	simm.s32 $0x100;
	s8 =	simm.s32 $0x0  }
.LBB2_2:
0x7d: {  	p0 =	sne.s32 s19, $0x7F00;
	[tilespmem:s8+$0x1BBB0] =	vst v0;
	s22 =	smov.u32 s19;
	s19 =	sadd.s32 $0x100, s19  }
.Ltmp2:
0x7e: {  	[tilespmem:s8+$0x1BBA0] =	vst v0;
	(pc) =	sbr.rel @p0 .LBB2_2-.Ltmp2, $3  }
0x7f: {  	[tilespmem:s8+$0x1BB80] =	vst v0  }
0x80: {  	[tilespmem:s8+$0x1BB90] =	vst v0;
	_ =	sdelay $0x1  }
0x81: {  	s8 =	sshra.s32 s22, $0x2  }
0x82: {  	[tilespmem:s8+$0x1BBB0] =	vst v0  }
0x83: {  	[tilespmem:s8+$0x1BBA0] =	vst v0  }
0x84: {  	[tilespmem:s8+$0x1BB80] =	vst v0  }
0x85: {  	[tilespmem:s8+$0x1BB90] =	vst v0  }
0x86: {  	[tilespmem:$0x7A0] =	vst v2  }
0x87: {  	[tilespmem:$0x7B0] =	vst v3  }
0x88: {  	[tilespmem:$0x7C0] =	vst v4  }
0x89: {  	[tilespmem:$0x7D0] =	vst v5  }
0x8a: {  	[tilespmem:$0x7E0] =	vst v6  }
0x8b: {  	[tilespmem:$0x7F0] =	vst v7  }
0x8c: {  	[tilespmem:$0x800] =	vst v8  }
0x8d: {  	[tilespmem:$0x810] =	vst v9  }
0x8e: {  	[tilespmem:$0x820] =	vst v10  }
0x8f: {  	[tilespmem:$0x830] =	vst v11  }
0x90: {  	[tilespmem:$0x840] =	vst v12  }
0x91: {  	[tilespmem:$0x850] =	vst v13  }
0x92: {  	[tilespmem:$0x860] =	vst v14  }
0x93: {  	[tilespmem:$0x870] =	vst v15  }
0x94: {  	[tilespmem:$0x880] =	vst v16  }
0x95: {  	[tilespmem:$0x890] =	vst v17  }
0x96: {  	[tilespmem:$0x8A0] =	vst v18  }
0x97: {  	[tilespmem:$0x8B0] =	vst v19  }
0x98: {  	[tilespmem:$0x8C0] =	vst v20  }
0x99: {  	[tilespmem:$0x8D0] =	vst v21  }
0x9a: {  	[tilespmem:$0x8E0] =	vst v22  }
0x9b: {  	[tilespmem:$0x8F0] =	vst v23  }
0x9c: {  	[tilespmem:$0x900] =	vst v24  }
0x9d: {  	[tilespmem:$0x910] =	vst v25  }
0x9e: {  	[tilespmem:$0x920] =	vst v26  }
0x9f: {  	[tilespmem:$0x930] =	vst v27  }
0xa0: {  	[tilespmem:$0x940] =	vst v28  }
0xa1: {  	[tilespmem:$0x950] =	vst v29  }
0xa2: {  	[tilespmem:$0x960] =	vst v30  }
0xa3: {  	[tilespmem:$0x970] =	vst v31  }
0xa4: {  	[tilespmem:$0x980] =	vst v32  }
0xa5: {  	[tilespmem:$0x990] =	vst v33  }
0xa6: {  	[tilespmem:$0x9A0] =	vst v34  }
0xa7: {  	[tilespmem:$0x9B0] =	vst v35  }
0xa8: {  	[tilespmem:$0x9C0] =	vst v36  }
0xa9: {  	[tilespmem:$0x9D0] =	vst v37  }
0xaa: {  	[tilespmem:$0x9E0] =	vst v38  }
0xab: {  	[tilespmem:$0x9F0] =	vst v39  }
0xac: {  	[tilespmem:$0xA00] =	vst v40  }
0xad: {  	[tilespmem:$0xA10] =	vst v41  }
0xae: {  	[tilespmem:$0xA20] =	vst v42  }
0xaf: {  	[tilespmem:$0xA30] =	vst v43  }
0xb0: {  	[tilespmem:$0xA40] =	vst v44  }
0xb1: {  	[tilespmem:$0xA50] =	vst v45  }
0xb2: {  	[tilespmem:$0xA60] =	vst v46  }
0xb3: {  	[tilespmem:$0xA70] =	vst v47  }
0xb4: {  	[tilespmem:$0xA80] =	vst v48  }
0xb5: {  	[tilespmem:$0xA90] =	vst v49  }
0xb6: {  	[tilespmem:$0xAA0] =	vst v50  }
0xb7: {  	[tilespmem:$0xAB0] =	vst v51  }
0xb8: {  	[tilespmem:$0xAC0] =	vst v52  }
0xb9: {  	[tilespmem:$0xAD0] =	vst v53  }
0xba: {  	[tilespmem:$0xAE0] =	vst v54  }
0xbb: {  	v1 =	vld [tilespmem:$0x1FFF0];
	[tilespmem:$0xAF0] =	vst v55  }
0xbc: {  	[tilespmem:$0xB00] =	vst v56  }
0xbd: {  	[tilespmem:$0xB10] =	vst v57  }
0xbe: {  	[tilespmem:$0xB20] =	vst v58  }
0xbf: {  	[tilespmem:$0xB30] =	vst v59  }
0xc0: {  	s22 =	rddreg [dreg:$0xc];
	[tilespmem:$0x780] =	vst v1;
	v1 =	vld [tilespmem:$0x1FFE0]  }
.Ltmp3:
0xc1: {  	s24 =	rddreg [dreg:$0xb];
	[tilespmem:$0xB40] =	vst v60;
	(pc) =	sbr.rel .LBB2_4-.Ltmp3, $4  }
0xc2: {  	s26 =	rddreg [dreg:$0xa];
	[tilespmem:$0xB50] =	vst v61  }
0xc3: {  	s29 =	rddreg [dreg:$0x8];
	[tilespmem:$0xB60] =	vst v62  }
0xc4: {  	s31 =	rddreg [dreg:$0x6];
	[tilespmem:$0xB70] =	vst v63  }
0xc5: {  	s19 =	simm.s32 $0x0;
	s8 =	rddreg [dreg:$0xd];
	[tilespmem:$0x790] =	vst v1  }
.LBB2_6:
0xc6: {  	s19 =	sadd.s32 $0x30000, s19  }
0xc7: {  	p0 =	sne.s32 s19, $0x270000  }
.Ltmp4:
0xc8: {  	_ = 	snop;
	(pc) =	sbr.rel @!p0 .LBB2_7-.Ltmp4, $3  }
0xc9: {  	_ =	sdelay $0x1  }
0xca: {  	s8 =	sadd.s32 $0x20, s8;
	s31 =	sadd.s32 $0x1000, s31;
	s29 =	sadd.s32 $0x200, s29  }
0xcb: {  	s26 =	sadd.s32 $0x600, s26;
	s24 =	sadd.s32 $0x600, s24;
	s22 =	sadd.s32 $0x10000, s22  }
.LBB2_4:
0xcc: {  	p0 =	sgt.u32 s8, $0x18F  }
.Ltmp5:
0xcd: {  	_ = 	snop;
	(pc) =	sbr.rel @p0 .LBB2_6-.Ltmp5, $1  }
0xce: {  	_ =	sdelay $0x3  }
0xcf: {  	p0 =	seq.s32 s19, $0x0  }
0xd0: {  	s11 =	simm.s32 @!p0 $0x7  }
0xd1: {  	_ =	swait.ge @!p0 [sflag:s11], $0x400  }
0xd2: {  	[sflag:s11] =	ssyncset.done @!p0 $0x0  }
0xd3: {  	[sflag:s11] =	ssyncadd.s32 @!p0 $0xFFFFFC00;
	s11 =	simm.s32 @!p0 $0x4  }
0xd4: {  	_ =	swait.ge @!p0 [sflag:s11], $0x2000  }
0xd5: {  	[sflag:s11] =	ssyncset.done @!p0 $0x0  }
0xd6: {  	[sflag:s11] =	ssyncadd.s32 @!p0 $0xFFFFE000;
	s11 =	simm.s32 @!p0 $0x5  }
0xd7: {  	_ =	swait.ge @!p0 [sflag:s11], $0x6000  }
0xd8: {  	[sflag:s11] =	ssyncset.done @!p0 $0x0  }
0xd9: {  	[sflag:s11] =	ssyncadd.s32 @!p0 $0xFFFFA000;
	s11 =	simm.s32 @!p0 $0x6  }
0xda: {  	_ =	swait.ge @!p0 [sflag:s11], $0x3000  }
0xdb: {  	[sflag:s11] =	ssyncset.done @!p0 $0x0  }
0xdc: {  	s9 =	simm.s32 $0x0;
	[sflag:s11] =	ssyncadd.s32 @!p0 $0xFFFFD000  }
0xdd: {  	[tilespmem:s9], [sflag:$0x1] =	stream.linear.gather [hbm4b:s29+s9], $0x80, $0x38;
	[tilespmem:$0x1FB80] =	vst v63  }
0xde: {  	_ = 	snop  }
0xdf: {  	[tilespmem:s17], [sflag:$0x1] =	stream.linear.gather [hbm4b:s31+s9], $0x400, $0x38;
	[tilespmem:$0x1FB80] =	vst v63  }
0xe0: {  	s14 =	simm.s32 $0x480  }
0xe1: {  	[tilespmem:s14], [sflag:$0x1] =	stream.linear.gather [hbm4b:s26+s9], $0x180, $0x38;
	[tilespmem:$0x1FB80] =	vst v63  }
0xe2: {  	s15 =	simm.s32 $0x600  }
0xe3: {  	[tilespmem:s15], [sflag:$0x1] =	stream.linear.gather [hbm4b:s24+s9], $0x180, $0x38;
	[tilespmem:$0x1FB80] =	vst v63  }
0xe4: {  	s0 =	simm.s32 $0x1BB80;
	s4 =	rddreg [dreg:$0xe]  }
0xe5: {  	[spmem:s4] =	stream.linear.scatter [tilespmem:s0], [sflag:$0x3], $0x2000, $0x38;
	[tilespmem:$0x1FB80] =	vst v63  }
0xe6: {  	_ =	swait.ge [sflag:s21], $0x80  }
0xe7: {  	[sflag:s21] =	ssyncset.done $0x0  }
0xe8: {  	[sflag:s21] =	ssyncadd.s32 $0xFFFFFF80  }
0xe9: {  	_ =	swait.ge [sflag:s21], $0x400  }
0xea: {  	[sflag:s21] =	ssyncset.done $0x0  }
0xeb: {  	[sflag:s21] =	ssyncadd.s32 $0xFFFFFC00  }
0xec: {  	_ =	swait.ge [sflag:s21], $0x180  }
0xed: {  	[sflag:s21] =	ssyncset.done $0x0  }
0xee: {  	[sflag:s21] =	ssyncadd.s32 $0xFFFFFE80  }
0xef: {  	_ =	swait.ge [sflag:s21], $0x180  }
0xf0: {  	[sflag:s21] =	ssyncset.done $0x0  }
0xf1: {  	[sflag:s21] =	ssyncadd.s32 $0xFFFFFE80  }
0xf2: {  	[tilespmem:s16], [sflag:$0x8] =	stream.indirect.gather [hbm4b:s6+s17], $0x40, s17, s17, $0xb8;
	[tilespmem:$0x1FB80] =	vst v63  }
0xf3: {  	s2 =	simm.s32 $0x100  }
0xf4: {  	[tilespmem:s28], [sflag:$0x9] =	stream.indirect.gather [hbm4b:s6+s17], $0x40, s2, s17, $0xb8;
	[tilespmem:$0x1FB80] =	vst v63  }
0xf5: {  	s0 =	simm.s32 $0x180;
	s2 =	simm.s32 $0x6B80  }
0xf6: {  	[tilespmem:s2], [sflag:$0xA] =	stream.indirect.gather [hbm4b:s6+s17], $0x40, s0, s17, $0xb8;
	[tilespmem:$0x1FB80] =	vst v63  }
0xf7: {  	s0 =	simm.s32 $0x200  }
0xf8: {  	[tilespmem:s18], [sflag:$0xB] =	stream.indirect.gather [hbm4b:s6+s17], $0x40, s0, s17, $0xb8;
	[tilespmem:$0x1FB80] =	vst v63  }
0xf9: {  	s0 =	simm.s32 $0x280  }
0xfa: {  	[tilespmem:s25], [sflag:$0xC] =	stream.indirect.gather [hbm4b:s6+s17], $0x40, s0, s17, $0xb8;
	[tilespmem:$0x1FB80] =	vst v63  }
0xfb: {  	s11 =	simm.s32 $0x300;
	s0 =	simm.s32 $0xCB80  }
0xfc: {  	[tilespmem:s0], [sflag:$0xD] =	stream.indirect.gather [hbm4b:s6+s17], $0x40, s11, s17, $0xb8;
	[tilespmem:$0x1FB80] =	vst v63  }
0xfd: {  	s11 =	simm.s32 $0x380  }
0xfe: {  	[tilespmem:s13], [sflag:$0xE] =	stream.indirect.gather [hbm4b:s6+s17], $0x40, s11, s17, $0xb8;
	[tilespmem:$0x1FB80] =	vst v63  }
0xff: {  	s11 =	simm.s32 $0x400  }
0x100: {  	[tilespmem:s30], [sflag:$0xF] =	stream.indirect.gather [hbm4b:s6+s17], $0x40, s11, s17, $0xb8;
	[tilespmem:$0x1FB80] =	vst v63  }
0x101: {  	s11 =	rddreg [dreg:$0x5]  }
0x102: {  	[tilespmem:s23], [sflag:$0x2] =	stream.indirect.gather [hbm4b:s11+s17], $0x40, s9, s17, $0xb8;
	[tilespmem:$0x1FB80] =	vst v63  }
0x103: {  	_ = 	snop  }
0x104: {  	[tilespmem:s10], [sflag:$0x2] =	stream.indirect.gather [hbm4b:s7+s17], $0x40, s14, s17, $0xb8;
	[tilespmem:$0x1FB80] =	vst v63  }
0x105: {  	s9 =	simm.s32 $0x14B80;
	s14 =	simm.s32 $0x500  }
0x106: {  	[tilespmem:s9], [sflag:$0x2] =	stream.indirect.gather [hbm4b:s7+s17], $0x40, s14, s17, $0xb8;
	[tilespmem:$0x1FB80] =	vst v63  }
0x107: {  	s14 =	simm.s32 $0x580;
	s9 =	simm.s32 $0x16B80  }
0x108: {  	[tilespmem:s9], [sflag:$0x2] =	stream.indirect.gather [hbm4b:s7+s17], $0x40, s14, s17, $0xb8;
	[tilespmem:$0x1FB80] =	vst v63  }
0x109: {  	s11 =	rddreg [dreg:$0x2];
	s14 =	simm.s32 $0x18B80  }
0x10a: {  	[tilespmem:s14], [sflag:$0x2] =	stream.indirect.gather [hbm4b:s11+s17], $0x20, s15, s17, $0xb8;
	[tilespmem:$0x1FB80] =	vst v63  }
0x10b: {  	s9 =	simm.s32 $0x19B80;
	s15 =	simm.s32 $0x680  }
0x10c: {  	[tilespmem:s9], [sflag:$0x2] =	stream.indirect.gather [hbm4b:s11+s17], $0x20, s15, s17, $0xb8;
	[tilespmem:$0x1FB80] =	vst v63  }
0x10d: {  	s9 =	simm.s32 $0x700;
	s15 =	simm.s32 $0x1AB80  }
0x10e: {  	[tilespmem:s15], [sflag:$0x2] =	stream.indirect.gather [hbm4b:s11+s17], $0x20, s9, s17, $0xb8;
	[tilespmem:$0x1FB80] =	vst v63  }
0x10f: {  	_ =	swait.ge [sflag:s1], $0x2000  }
0x110: {  	[sflag:s1] =	ssyncset.done $0x0  }
0x111: {  	[sflag:s1] =	ssyncadd.s32 $0xFFFFE000  }
0x112: {  	_ =	swait.ge [sflag:s20], $0x2000  }
0x113: {  	[sflag:s20] =	ssyncset.done $0x0  }
0x114: {  	s15 =	simm.s32 $0x780;
	s11 =	simm.s32 $0x9;
	[sflag:s20] =	ssyncadd.s32 $0xFFFFE000  }
0x115: {  	[spmem:s3] =	stream.indirect.scatter.add.f32 [tilespmem:s16], [sflag:$0x3], $0x40, s15, s17, $0xb8;
	[tilespmem:$0x1FB80] =	vst v63  }
0x116: {  	_ =	swait.ge [sflag:s11], $0x2000  }
0x117: {  	[sflag:s11] =	ssyncset.done $0x0  }
0x118: {  	s15 =	simm.s32 $0x800;
	[sflag:s11] =	ssyncadd.s32 $0xFFFFE000;
	s11 =	simm.s32 $0xA  }
0x119: {  	[spmem:s3] =	stream.indirect.scatter.add.f32 [tilespmem:s28], [sflag:$0x3], $0x40, s15, s17, $0xb8;
	[tilespmem:$0x1FB80] =	vst v63  }
0x11a: {  	_ =	swait.ge [sflag:s11], $0x2000  }
0x11b: {  	[sflag:s11] =	ssyncset.done $0x0  }
0x11c: {  	s9 =	simm.s32 $0xB;
	s15 =	simm.s32 $0x880;
	[sflag:s11] =	ssyncadd.s32 $0xFFFFE000  }
0x11d: {  	[spmem:s3] =	stream.indirect.scatter.add.f32 [tilespmem:s2], [sflag:$0x3], $0x40, s15, s17, $0xb8;
	[tilespmem:$0x1FB80] =	vst v63  }
0x11e: {  	_ =	swait.ge [sflag:s9], $0x2000  }
0x11f: {  	[sflag:s9] =	ssyncset.done $0x0  }
0x120: {  	s11 =	simm.s32 $0x900;
	s15 =	simm.s32 $0xC;
	[sflag:s9] =	ssyncadd.s32 $0xFFFFE000  }
0x121: {  	[spmem:s3] =	stream.indirect.scatter.add.f32 [tilespmem:s18], [sflag:$0x3], $0x40, s11, s17, $0xb8;
	[tilespmem:$0x1FB80] =	vst v63  }
0x122: {  	_ =	swait.ge [sflag:s15], $0x2000  }
0x123: {  	[sflag:s15] =	ssyncset.done $0x0  }
0x124: {  	s9 =	simm.s32 $0x980;
	s11 =	simm.s32 $0xD;
	[sflag:s15] =	ssyncadd.s32 $0xFFFFE000  }
0x125: {  	[spmem:s3] =	stream.indirect.scatter.add.f32 [tilespmem:s25], [sflag:$0x3], $0x40, s9, s17, $0xb8;
	[tilespmem:$0x1FB80] =	vst v63  }
0x126: {  	_ =	swait.ge [sflag:s11], $0x2000  }
0x127: {  	[sflag:s11] =	ssyncset.done $0x0  }
0x128: {  	s15 =	simm.s32 $0xA00;
	s9 =	simm.s32 $0xE;
	[sflag:s11] =	ssyncadd.s32 $0xFFFFE000  }
0x129: {  	[spmem:s3] =	stream.indirect.scatter.add.f32 [tilespmem:s0], [sflag:$0x3], $0x40, s15, s17, $0xb8;
	[tilespmem:$0x1FB80] =	vst v63  }
0x12a: {  	_ =	swait.ge [sflag:s9], $0x2000  }
0x12b: {  	[sflag:s9] =	ssyncset.done $0x0  }
0x12c: {  	s11 =	simm.s32 $0xA80;
	[sflag:s9] =	ssyncadd.s32 $0xFFFFE000  }
0x12d: {  	[spmem:s3] =	stream.indirect.scatter.add.f32 [tilespmem:s13], [sflag:$0x3], $0x40, s11, s17, $0xb8;
	[tilespmem:$0x1FB80] =	vst v63  }
0x12e: {  	_ =	swait.ge [sflag:s5], $0x2000  }
0x12f: {  	[sflag:s5] =	ssyncset.done $0x0  }
0x130: {  	s15 =	simm.s32 $0xB00;
	[sflag:s5] =	ssyncadd.s32 $0xFFFFE000  }
0x131: {  	[spmem:s3] =	stream.indirect.scatter.add.f32 [tilespmem:s30], [sflag:$0x3], $0x40, s15, s17, $0xb8;
	[tilespmem:$0x1FB80] =	vst v63  }
0x132: {  	_ =	swait.ge [sflag:s12], $0x2000  }
0x133: {  	[sflag:s12] =	ssyncset.done $0x0  }
0x134: {  	[sflag:s12] =	ssyncadd.s32 $0xFFFFE000  }
0x135: {  	_ =	swait.ge [sflag:s12], $0x2000  }
0x136: {  	[sflag:s12] =	ssyncset.done $0x0  }
0x137: {  	[sflag:s12] =	ssyncadd.s32 $0xFFFFE000  }
0x138: {  	_ =	swait.ge [sflag:s12], $0x2000  }
0x139: {  	[sflag:s12] =	ssyncset.done $0x0  }
0x13a: {  	[sflag:s12] =	ssyncadd.s32 $0xFFFFE000  }
0x13b: {  	_ =	swait.ge [sflag:s12], $0x2000  }
0x13c: {  	[sflag:s12] =	ssyncset.done $0x0  }
0x13d: {  	[sflag:s12] =	ssyncadd.s32 $0xFFFFE000  }
0x13e: {  	_ =	swait.ge [sflag:s12], $0x1000  }
0x13f: {  	[sflag:s12] =	ssyncset.done $0x0  }
0x140: {  	[sflag:s12] =	ssyncadd.s32 $0xFFFFF000  }
0x141: {  	_ =	swait.ge [sflag:s12], $0x1000  }
0x142: {  	[sflag:s12] =	ssyncset.done $0x0  }
0x143: {  	[sflag:s12] =	ssyncadd.s32 $0xFFFFF000  }
0x144: {  	_ =	swait.ge [sflag:s12], $0x1000  }
0x145: {  	s2 =	simm.s32 $0x40;
	[sflag:s12] =	ssyncset.done $0x0  }
0x146: {  	s0 =	sadd.s32 $0xFFFFFFF8, s22;
	s9 =	rddreg [dreg:$0x9];
	[sflag:s12] =	ssyncadd.s32 $0xFFFFF000  }
0x147: {  	[hbm4b:s0+s2] =	stream.strided.scatter [tilespmem:s23], [sflag:$0x4], $0x2000, s17, s2, $0x38;
	[tilespmem:$0x1FB80] =	vst v63  }
0x148: {  	s11 =	sadd.s32 s19, s9  }
0x149: {  	[hbm4b:s11+s2] =	stream.strided.scatter [tilespmem:s10], [sflag:$0x5], $0x6000, s17, s2, $0x38;
	[tilespmem:$0x1FB80] =	vst v63  }
0x14a: {  	s15 =	simm.s32 $0x20;
	s11 =	sadd.s32 $0x8, s11  }
0x14b: {  	[hbm4b:s11+s15] =	stream.strided.scatter [tilespmem:s14], [sflag:$0x6], $0x3000, s17, s15, $0x38;
	[tilespmem:$0x1FB80] =	vst v63  }
0x14c: {  	_ =	swait.ge [sflag:s1], $0x2000  }
0x14d: {  	[sflag:s1] =	ssyncset.done $0x0  }
0x14e: {  	[sflag:s1] =	ssyncadd.s32 $0xFFFFE000  }
0x14f: {  	_ =	swait.ge [sflag:s1], $0x2000  }
0x150: {  	[sflag:s1] =	ssyncset.done $0x0  }
0x151: {  	[sflag:s1] =	ssyncadd.s32 $0xFFFFE000  }
0x152: {  	_ =	swait.ge [sflag:s1], $0x2000  }
0x153: {  	[sflag:s1] =	ssyncset.done $0x0  }
0x154: {  	[sflag:s1] =	ssyncadd.s32 $0xFFFFE000  }
0x155: {  	_ =	swait.ge [sflag:s1], $0x2000  }
0x156: {  	[sflag:s1] =	ssyncset.done $0x0  }
0x157: {  	[sflag:s1] =	ssyncadd.s32 $0xFFFFE000  }
0x158: {  	_ =	swait.ge [sflag:s1], $0x2000  }
0x159: {  	[sflag:s1] =	ssyncset.done $0x0  }
0x15a: {  	[sflag:s1] =	ssyncadd.s32 $0xFFFFE000  }
0x15b: {  	_ =	swait.ge [sflag:s1], $0x2000  }
0x15c: {  	[sflag:s1] =	ssyncset.done $0x0  }
0x15d: {  	[sflag:s1] =	ssyncadd.s32 $0xFFFFE000  }
0x15e: {  	_ =	swait.ge [sflag:s1], $0x2000  }
0x15f: {  	[sflag:s1] =	ssyncset.done $0x0  }
.Ltmp6:
0x160: {  	[sflag:s1] =	ssyncadd.s32 $0xFFFFE000;
	(pc) =	sbr.rel .LBB2_6-.Ltmp6, $4  }
0x161: {  	s2 =	stileid.u32;
	_ =	swait.ge [sflag:s1], $0x2000  }
0x162: {  	s9 =	sshrl.u32 s4, $0x3;
	s11 =	sshll.u32 s2, $0x6;
	[sflag:s1] =	ssyncset.done $0x0  }
0x163: {  	s15 =	simm.s32 $0x10;
	s11 =	sor.u32 $0x1C07, s11;
	[sflag:s1] =	ssyncadd.s32 $0xFFFFE000  }
0x164: {  	[hbm:s22@s15], [sflag:s11] =	dma.strided [spmem:s9@s20], $0x400, s21, $0x8   }
.LBB2_8:
0x165: {  	_ =	sfence.sel $0x180000  }
0x166: {  	[bflag:$0x0] =	sbarrier.arrive $0xFFFF  }
0x167: {  	_ =	strace $0x90000047  }
0x168: {  	s0 =	stileid.u32;
	[bflag:$0x2] =	sbarrier.arrive $0xFFFF  }
0x169: {  	p0 =	sne.s32 s0, $0x0;
	s0 =	rddreg [dreg:$0x4]  }
0x16a: {  	s0 =	sadd.s32 @!p0 $0x100000, s0  }
0x16b: {  	[sflag:s0] =	ssyncadd.tile.s32 @!p0 $0x1;
	_ =	shalt  }
.Lfunc_end2:
_tile_overlayer_lowered:
.L_overlay_start_2:
0x16c: {  	(tag) =	ssettag $0x2  }
0x16d: {  	s0 =	rddreg [dreg:$0x0];
	s2 =	stileid.u32  }
0x16e: {  	s1 =	rddreg [dreg:$0x1];
	p0 =	sne.s32 s2, $0x0  }
0x16f: {  	s3 =	rddreg [dreg:$0x2];
	[bflag:$0x3] =	sbarrier.arrive $0xFFFF;
	s2 =	simm.s32 @!p0 $0x1C10  }
0x170: {  	[timem:s3], [sflag:s2] =	dma.local @!p0 [hbm:s0], s1  }
0x171: {  	s0 =	simm.s32 @!p0 $0x10  }
0x172: {  	_ =	swait.ge @!p0 [sflag:s0], s1  }
0x173: {  	s1 =	ssub.s32 @!p0 $0x0, s1;
	[sflag:s0] =	ssyncset.done @!p0 $0x0  }
0x174: {  	[sflag:s0] =	ssyncadd.s32 @!p0 s1  }
0x175: {  	[bflag:$0x3] =	sbarrier.arrive $0xFFFF  }
0x176: {  	_ =	shalt  }

</sc_bundles>
